<compile_context>
chip_gen: v7x
topology: tpu7x:2x2x1
jax: 0.10.2.dev20260603
libtpu: 0.0.44.dev20260713+nightly
codegen_flags: <defaults>
</compile_context>

<pallas_src>
import jax
import jax.numpy as jnp
from jax import lax
from jax.experimental import pallas as pl
from jax.experimental.pallas import tpu as pltpu
from jax.experimental.pallas import tpu_sc as plsc

N = 10000
E = 320000
D = 128
ALPHA = 0.2
RATE = 0.5

NS = 16
CHUNK = 80
RING = 3
NCHUNK = 252
EPT = NCHUNK * CHUNK
E_PAD = NS * EPT
RPT = 632
N_PAD = NS * RPT


def _spmm_body(x0, src0, dst0, x1, src1, dst1, zeros, out0, out1, *scr):
    si = scr[0:RING]
    di = scr[RING:2 * RING]
    rows = scr[2 * RING:3 * RING]
    acc = scr[3 * RING]
    b = 3 * RING + 1
    sr = scr[b:b + RING]
    sd = scr[b + RING:b + 2 * RING]
    sg = scr[b + 2 * RING:b + 3 * RING]
    ss = scr[b + 3 * RING:b + 4 * RING]
    cid = lax.axis_index("c")
    sid = lax.axis_index("s")

    def run(x, src, dst, out):
        r0 = sid * RPT
        pltpu.sync_copy(zeros.at[pl.ds(r0, RPT)], acc.at[pl.ds(r0, RPT)])
        plsc.subcore_barrier()
        base = sid * EPT

        def idx(arr, v, buf, sem):
            off = pl.multiple_of(base + v * CHUNK, CHUNK)
            pltpu.async_copy(arr.at[pl.ds(off, CHUNK)], buf, sem)

        LA = RING - 1
        for k in range(RING):
            idx(src, k, si[k], sr[k])
        for k in range(LA):
            idx(dst, k, di[k], sd[k])
        for k in range(LA):
            pltpu.make_async_copy(src.at[pl.ds(base, CHUNK)], si[k], sr[k]).wait()
            pltpu.async_copy(x.at[si[k]], rows[k], sg[k])

        def visit(v, k):
            bn = (k + LA) % RING
            pltpu.make_async_copy(x.at[si[k]], rows[k], sg[k]).wait()
            pltpu.make_async_copy(dst.at[pl.ds(base, CHUNK)], di[k], sd[k]).wait()
            pltpu.sync_copy(rows[k], acc.at[di[k]], add=True)

            @pl.when(v + RING < NCHUNK)
            def _():
                idx(src, v + RING, si[k], sr[k])

            @pl.when(v + LA < NCHUNK)
            def _():
                idx(dst, v + LA, di[bn], sd[bn])
                pltpu.make_async_copy(src.at[pl.ds(base, CHUNK)], si[bn], sr[bn]).wait()
                pltpu.async_copy(x.at[si[bn]], rows[bn], sg[bn])

        def block(j, carry):
            for k in range(RING):
                visit(RING * j + k, k)
            return carry

        lax.fori_loop(0, NCHUNK // RING, block, 0)
        plsc.subcore_barrier()
        pltpu.sync_copy(acc.at[pl.ds(r0, RPT)], out.at[pl.ds(r0, RPT)])

    @pl.when(cid == 0)
    def _():
        run(x0, src0, dst0, out0)

    @pl.when(cid == 1)
    def _():
        run(x1, src1, dst1, out1)


def _spmm_pair(x0, src0, dst0, x1, src1, dst1, zeros):
    f = pl.kernel(
        _spmm_body,
        out_type=(jax.ShapeDtypeStruct((N_PAD, D), jnp.float32),
                  jax.ShapeDtypeStruct((N_PAD, D), jnp.float32)),
        mesh=plsc.VectorSubcoreMesh(core_axis_name="c", subcore_axis_name="s"),
        scratch_types=(
            [pltpu.VMEM((CHUNK,), jnp.int32)] * (2 * RING)
            + [pltpu.VMEM((CHUNK, D), jnp.float32)] * RING
            + [pltpu.VMEM_SHARED((N_PAD, D), jnp.float32)]
            + [pltpu.SemaphoreType.DMA] * (4 * RING)
        ),
    )
    return f(x0, src0, dst0, x1, src1, dst1, zeros)


def _leaky(x):
    return jnp.where(x >= 0, x, ALPHA * x)


BT = 2000
BT_H = 1264


def _hidden_body(p0, p1, w0, w1, h0, h1):
    h0[...] = _leaky(jnp.dot(p0[...], w0[...], preferred_element_type=jnp.float32))
    h1[...] = _leaky(jnp.dot(p1[...], w1[...], preferred_element_type=jnp.float32))


def _hidden(p10, p11, W1_0, W1_1):
    row = pl.BlockSpec((BT, D), lambda i: (i, 0))
    wsp = pl.BlockSpec((D, D), lambda i: (0, 0))
    return pl.pallas_call(
        _hidden_body,
        grid=(N // BT,),
        in_specs=[row, row, wsp, wsp],
        out_specs=[row, row],
        out_shape=(jax.ShapeDtypeStruct((N, D), jnp.float32),
                   jax.ShapeDtypeStruct((N, D), jnp.float32)),
    )(p10, p11, W1_0, W1_1)


def _final_body(p20, uf0, p21, uf1,
                w2m0, w2s0, umt0, umb0, ust0, usb0, mb0, sb0,
                w2m1, w2s1, umt1, umb1, ust1, usb1, mb1, sb1,
                vm, vs):
    def dom(p2, uf, w2m, w2s, umt, umb, ust, usb, mb, sb):
        mh = _leaky(jnp.dot(p2[...], w2m[...], preferred_element_type=jnp.float32))
        lh = _leaky(jnp.dot(p2[...], w2s[...], preferred_element_type=jnp.float32))
        mean = (jnp.dot(mh, umt[...], preferred_element_type=jnp.float32)
                + jnp.dot(uf[...], umb[...], preferred_element_type=jnp.float32)
                + mb[...])
        logstd = (jnp.dot(lh, ust[...], preferred_element_type=jnp.float32)
                  + jnp.dot(uf[...], usb[...], preferred_element_type=jnp.float32)
                  + sb[...])
        return mean, logstd

    m0, s0 = dom(p20, uf0, w2m0, w2s0, umt0, umb0, ust0, usb0, mb0, sb0)
    m1, s1 = dom(p21, uf1, w2m1, w2s1, umt1, umb1, ust1, usb1, mb1, sb1)
    vm[...] = RATE * m0 + (1.0 - RATE) * m1
    vs[...] = RATE * s0 + (1.0 - RATE) * s1


def _final(p20, uf0, p21, uf1, weights):
    row = pl.BlockSpec((BT, D), lambda i: (i, 0))
    wsp = pl.BlockSpec((D, D), lambda i: (0, 0))
    bsp = pl.BlockSpec((1, D), lambda i: (0, 0))
    w_specs = ([wsp] * 6 + [bsp] * 2) * 2
    return pl.pallas_call(
        _final_body,
        grid=(N // BT,),
        in_specs=[row, row, row, row] + w_specs,
        out_specs=[row, row],
        out_shape=(jax.ShapeDtypeStruct((N, D), jnp.float32),
                   jax.ShapeDtypeStruct((N, D), jnp.float32)),
    )(p20, uf0, p21, uf1, *weights)


def kernel(ufea_0, ufea_1, edge_index_0, edge_index_1,
           W1_0, W2m_0, W2s_0, UmW_0, Umb_0, UsW_0, Usb_0,
           W1_1, W2m_1, W2s_1, UmW_1, Umb_1, UsW_1, Usb_1):
    npad = E_PAD - E
    gpad = jnp.arange(npad, dtype=jnp.int32) % N
    spad = N + (jnp.arange(npad, dtype=jnp.int32) % (N_PAD - N))

    def padded(ei):
        g1 = jnp.concatenate([ei[0], gpad])
        s1 = jnp.concatenate([ei[1], spad])
        g2 = jnp.concatenate([ei[1], gpad])
        s2 = jnp.concatenate([ei[0], spad])
        return g1, s1, g2, s2

    g1_0, s1_0, g2_0, s2_0 = padded(edge_index_0)
    g1_1, s1_1, g2_1, s2_1 = padded(edge_index_1)
    zeros = jnp.zeros((N_PAD, D), jnp.float32)

    p10, p11 = _spmm_pair(ufea_0, g1_0, s1_0, ufea_1, g1_1, s1_1, zeros)
    h0, h1 = _hidden(p10, p11, W1_0, W1_1)
    p20, p21 = _spmm_pair(h0, g2_0, s2_0, h1, g2_1, s2_1, zeros)

    weights = (
        W2m_0, W2s_0, UmW_0[:D], UmW_0[D:], UsW_0[:D], UsW_0[D:],
        Umb_0.reshape(1, D), Usb_0.reshape(1, D),
        W2m_1, W2s_1, UmW_1[:D], UmW_1[D:], UsW_1[:D], UsW_1[D:],
        Umb_1.reshape(1, D), Usb_1.reshape(1, D),
    )
    return _final(p20, ufea_0, p21, ufea_1, weights)

# --- scband reference (transcript-rebuilt; emitter-appended) ---
"""Pipeline reference for scband-cross-vbge-4526895530561 (READ-ONLY COPY).

The authoritative reference and input builder live on the scoring server;
editing this copy changes nothing except your own understanding.
"""

import jax, jax.numpy as jnp
import numpy as np

N = 10000
E = 320000
D = 128
H = 128
ALPHA = 0.2
RATE = 0.5


def setup_inputs(seed: int = 0) -> dict:
    key = jax.random.key(seed)
    ks = jax.random.split(key, 24)
    inp = {}
    inp["ufea_0"] = jax.random.normal(ks[0], (N, D), dtype=jnp.float32)
    inp["ufea_1"] = jax.random.normal(ks[1], (N, D), dtype=jnp.float32)
    inp["edge_index_0"] = jax.random.randint(ks[2], (2, E), 0, N, dtype=jnp.int32)
    inp["edge_index_1"] = jax.random.randint(ks[3], (2, E), 0, N, dtype=jnp.int32)

    def w(k, shape):
        return jax.random.normal(k, shape, dtype=jnp.float32) * 0.05

    for d in range(2):
        base = 4 + d * 5
        inp[f"W1_{d}"] = w(ks[base], (D, H))
        inp[f"W2m_{d}"] = w(ks[base + 1], (H, D))
        inp[f"W2s_{d}"] = w(ks[base + 2], (H, D))
        inp[f"UmW_{d}"] = w(ks[base + 3], (2 * D, D))
        inp[f"Umb_{d}"] = jnp.zeros((D,), jnp.float32)
        inp[f"UsW_{d}"] = w(ks[base + 4], (2 * D, D))
        inp[f"Usb_{d}"] = jnp.zeros((D,), jnp.float32)
    return inp


def _gcn(x, src, dst, W):
    # GraphConvolution: support = x @ W; out = spmm(adj, support); then LeakyReLU(alpha)
    msg = jnp.take(x @ W, src, axis=0)
    agg = jax.ops.segment_sum(msg, dst, num_segments=N)
    return jax.nn.leaky_relu(agg, negative_slope=ALPHA)


def _domain(ufea, ei, W1, W2m, W2s, UmW, Umb, UsW, Usb):
    src, dst = ei[0], ei[1]  # user -> item edges
    # gcs_first: VU adjacency (aggregate user features at items)
    h = _gcn(ufea, src, dst, W1)
    # gcs_second_mean / gcs_second_logstd: UV adjacency (aggregate item hidden back at users)
    mean_h = _gcn(h, dst, src, W2m)
    logstd_h = _gcn(h, dst, src, W2s)
    mean = jnp.concatenate([mean_h, ufea], axis=1) @ UmW + Umb
    logstd = jnp.concatenate([logstd_h, ufea], axis=1) @ UsW + Usb
    return mean, logstd


def reference(ufea_0, ufea_1, edge_index_0, edge_index_1,
              W1_0, W2m_0, W2s_0, UmW_0, Umb_0, UsW_0, Usb_0,
              W1_1, W2m_1, W2s_1, UmW_1, Umb_1, UsW_1, Usb_1):
    # crossVBGE with GNN=1: only LastLayer runs, producing (val_mean, val_logstd)
    m0, s0 = _domain(ufea_0, edge_index_0, W1_0, W2m_0, W2s_0, UmW_0, Umb_0, UsW_0, Usb_0)
    m1, s1 = _domain(ufea_1, edge_index_1, W1_1, W2m_1, W2s_1, UmW_1, Umb_1, UsW_1, Usb_1)
    # pairwise combination over k=2 domains with source_rate
    val_mean = RATE * m0 + (1.0 - RATE) * m1
    val_logstd = RATE * s0 + (1.0 - RATE) * s1
    return (val_mean, val_logstd)

if __name__ == "__main__":
    import jax
    _d = setup_inputs()
    print(jax.jit(kernel)(*tuple(_d.values())))

</pallas_src>

<mosaic_0001>
#map = affine_map<(d0, d1) -> (0, 0)>
#map1 = affine_map<(d0, d1) -> (0)>
module attributes {stable_mosaic.version = 14 : i64} {
  func.func @_spmm_body(%arg0: i32, %arg1: i32, %arg2: memref<10000x128xf32, #tpu.memory_space<hbm>>, %arg3: memref<322560xi32, #tpu.memory_space<hbm>>, %arg4: memref<322560xi32, #tpu.memory_space<hbm>>, %arg5: memref<10000x128xf32, #tpu.memory_space<hbm>>, %arg6: memref<322560xi32, #tpu.memory_space<hbm>>, %arg7: memref<322560xi32, #tpu.memory_space<hbm>>, %arg8: memref<10112x128xf32, #tpu.memory_space<hbm>>, %arg9: memref<10112x128xf32, #tpu.memory_space<hbm>>, %arg10: memref<10112x128xf32, #tpu.memory_space<hbm>>, %arg11: memref<80xi32, #tpu.memory_space<vmem>>, %arg12: memref<80xi32, #tpu.memory_space<vmem>>, %arg13: memref<80xi32, #tpu.memory_space<vmem>>, %arg14: memref<80xi32, #tpu.memory_space<vmem>>, %arg15: memref<80xi32, #tpu.memory_space<vmem>>, %arg16: memref<80xi32, #tpu.memory_space<vmem>>, %arg17: memref<80x128xf32, #tpu.memory_space<vmem>>, %arg18: memref<80x128xf32, #tpu.memory_space<vmem>>, %arg19: memref<80x128xf32, #tpu.memory_space<vmem>>, %arg20: memref<10112x128xf32, #tpu.memory_space<vmem_shared>>, %arg21: memref<!tpu.dma_semaphore, #tpu.memory_space<semaphore_mem>>, %arg22: memref<!tpu.dma_semaphore, #tpu.memory_space<semaphore_mem>>, %arg23: memref<!tpu.dma_semaphore, #tpu.memory_space<semaphore_mem>>, %arg24: memref<!tpu.dma_semaphore, #tpu.memory_space<semaphore_mem>>, %arg25: memref<!tpu.dma_semaphore, #tpu.memory_space<semaphore_mem>>, %arg26: memref<!tpu.dma_semaphore, #tpu.memory_space<semaphore_mem>>, %arg27: memref<!tpu.dma_semaphore, #tpu.memory_space<semaphore_mem>>, %arg28: memref<!tpu.dma_semaphore, #tpu.memory_space<semaphore_mem>>, %arg29: memref<!tpu.dma_semaphore, #tpu.memory_space<semaphore_mem>>, %arg30: memref<!tpu.dma_semaphore, #tpu.memory_space<semaphore_mem>>, %arg31: memref<!tpu.dma_semaphore, #tpu.memory_space<semaphore_mem>>, %arg32: memref<!tpu.dma_semaphore, #tpu.memory_space<semaphore_mem>>) attributes {dimension_semantics = [#tpu.dimension_semantics<core_parallel>, #tpu.dimension_semantics<subcore_parallel>], iteration_bounds = array<i64: 2, 16>, scalar_prefetch = 0 : i64, scratch_operands = 22 : i64, tpu.core_type = #tpu.core_type<sc_vector_subcore>, window_params = [{transform_indices = #map}, {transform_indices = #map1}, {transform_indices = #map1}, {transform_indices = #map}, {transform_indices = #map1}, {transform_indices = #map1}, {transform_indices = #map}, {transform_indices = #map}, {transform_indices = #map}]} {
    %eq3A = arith.constant 0 : i32
    %eq3A_0 = arith.cmpi eq, %arg0, %eq3A : i32
    %convert_element_type3A = arith.extui %eq3A_0 : i1 to i32
    %cond3A = arith.constant 0 : i32
    %cond3A_1 = arith.cmpi ne, %convert_element_type3A, %cond3A : i32
    scf.if %cond3A_1 {
      %mul3A = arith.constant 632 : i32
      %mul3A_7 = arith.muli %arg1, %mul3A : i32
      "tpu.region"() ({
        %run_scoped3A = tpu.sem_alloc : memref<!tpu.dma_semaphore, #tpu.memory_space<semaphore_mem>>
        %dma_start3A_47 = arith.constant 0 : i32
        %dma_start3A_48 = tpu.memref_slice %arg20[%mul3A_7, %dma_start3A_47] : memref<10112x128xf32, #tpu.memory_space<vmem_shared>> -> memref<632x128xf32, #tpu.memory_space<vmem_shared>>
        %dma_start3A_49 = arith.constant 0 : i32
        %dma_start3A_50 = tpu.memref_slice %arg8[%mul3A_7, %dma_start3A_49] : memref<10112x128xf32, #tpu.memory_space<hbm>> -> memref<632x128xf32, #tpu.memory_space<hbm>>
        tpu.enqueue_dma source(%dma_start3A_50 : memref<632x128xf32, #tpu.memory_space<hbm>>) target(%dma_start3A_48 : memref<632x128xf32, #tpu.memory_space<vmem_shared>>) target_semaphore(%run_scoped3A : memref<!tpu.dma_semaphore, #tpu.memory_space<semaphore_mem>>)
        %dma_wait3A_51 = arith.constant 0 : i32
        %dma_wait3A_52 = tpu.memref_slice %arg20[%mul3A_7, %dma_wait3A_51] : memref<10112x128xf32, #tpu.memory_space<vmem_shared>> -> memref<632x128xf32, #tpu.memory_space<vmem_shared>>
        %dma_wait3A_53 = arith.constant 0 : i32
        %dma_wait3A_54 = tpu.memref_slice %arg8[%mul3A_7, %dma_wait3A_53] : memref<10112x128xf32, #tpu.memory_space<hbm>> -> memref<632x128xf32, #tpu.memory_space<hbm>>
        tpu.wait_dma2 semaphore(%run_scoped3A : memref<!tpu.dma_semaphore, #tpu.memory_space<semaphore_mem>>) src(%dma_wait3A_54 : memref<632x128xf32, #tpu.memory_space<hbm>>) dst(%dma_wait3A_52 : memref<632x128xf32, #tpu.memory_space<vmem_shared>>)
        tpu.yield
      }) : () -> ()
      %barrier3A = arith.constant 0 : index
      tpu.barrier barrier_id(%barrier3A)
      %mul3A_8 = arith.constant 20160 : i32
      %mul3A_9 = arith.muli %arg1, %mul3A_8 : i32
      %add3A = arith.constant 0 : i32
      %add3A_10 = arith.addi %mul3A_9, %add3A : i32
      %multiple_of3A = tpu.assume_multiple %add3A_10, 80 : i32
      %dma_start3A = tpu.memref_slice %arg3[%multiple_of3A] : memref<322560xi32, #tpu.memory_space<hbm>> -> memref<80xi32, #tpu.memory_space<hbm>>
      %dma_start3A_11 = tpu.memref_slice %arg3[%multiple_of3A] : memref<322560xi32, #tpu.memory_space<hbm>> -> memref<80xi32, #tpu.memory_space<hbm>>
      tpu.enqueue_dma source(%dma_start3A_11 : memref<80xi32, #tpu.memory_space<hbm>>) target(%arg11 : memref<80xi32, #tpu.memory_space<vmem>>) target_semaphore(%arg21 : memref<!tpu.dma_semaphore, #tpu.memory_space<semaphore_mem>>)
      %add3A_12 = arith.constant 80 : i32
      %add3A_13 = arith.addi %mul3A_9, %add3A_12 : i32
      %multiple_of3A_14 = tpu.assume_multiple %add3A_13, 80 : i32
      %dma_start3A_15 = tpu.memref_slice %arg3[%multiple_of3A_14] : memref<322560xi32, #tpu.memory_space<hbm>> -> memref<80xi32, #tpu.memory_space<hbm>>
      %dma_start3A_16 = tpu.memref_slice %arg3[%multiple_of3A_14] : memref<322560xi32, #tpu.memory_space<hbm>> -> memref<80xi32, #tpu.memory_space<hbm>>
      tpu.enqueue_dma source(%dma_start3A_16 : memref<80xi32, #tpu.memory_space<hbm>>) target(%arg12 : memref<80xi32, #tpu.memory_space<vmem>>) target_semaphore(%arg22 : memref<!tpu.dma_semaphore, #tpu.memory_space<semaphore_mem>>)
      %add3A_17 = arith.constant 160 : i32
      %add3A_18 = arith.addi %mul3A_9, %add3A_17 : i32
      %multiple_of3A_19 = tpu.assume_multiple %add3A_18, 80 : i32
      %dma_start3A_20 = tpu.memref_slice %arg3[%multiple_of3A_19] : memref<322560xi32, #tpu.memory_space<hbm>> -> memref<80xi32, #tpu.memory_space<hbm>>
      %dma_start3A_21 = tpu.memref_slice %arg3[%multiple_of3A_19] : memref<322560xi32, #tpu.memory_space<hbm>> -> memref<80xi32, #tpu.memory_space<hbm>>
      tpu.enqueue_dma source(%dma_start3A_21 : memref<80xi32, #tpu.memory_space<hbm>>) target(%arg13 : memref<80xi32, #tpu.memory_space<vmem>>) target_semaphore(%arg23 : memref<!tpu.dma_semaphore, #tpu.memory_space<semaphore_mem>>)
      %add3A_22 = arith.constant 0 : i32
      %add3A_23 = arith.addi %mul3A_9, %add3A_22 : i32
      %multiple_of3A_24 = tpu.assume_multiple %add3A_23, 80 : i32
      %dma_start3A_25 = tpu.memref_slice %arg4[%multiple_of3A_24] : memref<322560xi32, #tpu.memory_space<hbm>> -> memref<80xi32, #tpu.memory_space<hbm>>
      %dma_start3A_26 = tpu.memref_slice %arg4[%multiple_of3A_24] : memref<322560xi32, #tpu.memory_space<hbm>> -> memref<80xi32, #tpu.memory_space<hbm>>
      tpu.enqueue_dma source(%dma_start3A_26 : memref<80xi32, #tpu.memory_space<hbm>>) target(%arg14 : memref<80xi32, #tpu.memory_space<vmem>>) target_semaphore(%arg24 : memref<!tpu.dma_semaphore, #tpu.memory_space<semaphore_mem>>)
      %add3A_27 = arith.constant 80 : i32
      %add3A_28 = arith.addi %mul3A_9, %add3A_27 : i32
      %multiple_of3A_29 = tpu.assume_multiple %add3A_28, 80 : i32
      %dma_start3A_30 = tpu.memref_slice %arg4[%multiple_of3A_29] : memref<322560xi32, #tpu.memory_space<hbm>> -> memref<80xi32, #tpu.memory_space<hbm>>
      %dma_start3A_31 = tpu.memref_slice %arg4[%multiple_of3A_29] : memref<322560xi32, #tpu.memory_space<hbm>> -> memref<80xi32, #tpu.memory_space<hbm>>
      tpu.enqueue_dma source(%dma_start3A_31 : memref<80xi32, #tpu.memory_space<hbm>>) target(%arg15 : memref<80xi32, #tpu.memory_space<vmem>>) target_semaphore(%arg25 : memref<!tpu.dma_semaphore, #tpu.memory_space<semaphore_mem>>)
      %dma_wait3A = tpu.memref_slice %arg3[%mul3A_9] : memref<322560xi32, #tpu.memory_space<hbm>> -> memref<80xi32, #tpu.memory_space<hbm>>
      %dma_wait3A_32 = tpu.memref_slice %arg3[%mul3A_9] : memref<322560xi32, #tpu.memory_space<hbm>> -> memref<80xi32, #tpu.memory_space<hbm>>
      tpu.wait_dma2 semaphore(%arg21 : memref<!tpu.dma_semaphore, #tpu.memory_space<semaphore_mem>>) src(%dma_wait3A_32 : memref<80xi32, #tpu.memory_space<hbm>>) dst(%arg11 : memref<80xi32, #tpu.memory_space<vmem>>)
      %dma_start3A_33 = arith.constant 0 : i32
      %dma_start3A_34 = arith.constant 0 : i32
      %dma_start3A_35 = tpu.memref_slice %arg2[%dma_start3A_33, %dma_start3A_34] : memref<10000x128xf32, #tpu.memory_space<hbm>> -> memref<10000x128xf32, #tpu.memory_space<hbm>>
      tpu.enqueue_indirect_dma source(%dma_start3A_35 : memref<10000x128xf32, #tpu.memory_space<hbm>>) target(%arg17 : memref<80x128xf32, #tpu.memory_space<vmem>>) offsets(%arg11 : memref<80xi32, #tpu.memory_space<vmem>>) semaphore(%arg27 : memref<!tpu.dma_semaphore, #tpu.memory_space<semaphore_mem>>)
      %dma_wait3A_36 = tpu.memref_slice %arg3[%mul3A_9] : memref<322560xi32, #tpu.memory_space<hbm>> -> memref<80xi32, #tpu.memory_space<hbm>>
      %dma_wait3A_37 = tpu.memref_slice %arg3[%mul3A_9] : memref<322560xi32, #tpu.memory_space<hbm>> -> memref<80xi32, #tpu.memory_space<hbm>>
      tpu.wait_dma2 semaphore(%arg22 : memref<!tpu.dma_semaphore, #tpu.memory_space<semaphore_mem>>) src(%dma_wait3A_37 : memref<80xi32, #tpu.memory_space<hbm>>) dst(%arg12 : memref<80xi32, #tpu.memory_space<vmem>>)
      %dma_start3A_38 = arith.constant 0 : i32
      %dma_start3A_39 = arith.constant 0 : i32
      %dma_start3A_40 = tpu.memref_slice %arg2[%dma_start3A_38, %dma_start3A_39] : memref<10000x128xf32, #tpu.memory_space<hbm>> -> memref<10000x128xf32, #tpu.memory_space<hbm>>
      tpu.enqueue_indirect_dma source(%dma_start3A_40 : memref<10000x128xf32, #tpu.memory_space<hbm>>) target(%arg18 : memref<80x128xf32, #tpu.memory_space<vmem>>) offsets(%arg12 : memref<80xi32, #tpu.memory_space<vmem>>) semaphore(%arg28 : memref<!tpu.dma_semaphore, #tpu.memory_space<semaphore_mem>>)
      %scan3A = arith.constant 0 : i32
      %scan3A_41 = arith.constant 0 : i32
      %scan3A_42 = arith.constant 84 : i32
      %scan3A_43 = arith.addi %scan3A_41, %scan3A_42 : i32
      %scan3A_44 = arith.constant 1 : i32
      scf.for %scan3A_47 = %scan3A_41 to %scan3A_43 step %scan3A_44  : i32 {
        %mul3A_48 = arith.constant 3 : i32
        %mul3A_49 = arith.muli %mul3A_48, %scan3A_47 : i32
        %add3A_50 = arith.constant 0 : i32
        %add3A_51 = arith.addi %mul3A_49, %add3A_50 : i32
        %dma_wait3A_52 = arith.constant 0 : i32
        %dma_wait3A_53 = arith.constant 0 : i32
        %dma_wait3A_54 = tpu.memref_slice %arg2[%dma_wait3A_52, %dma_wait3A_53] : memref<10000x128xf32, #tpu.memory_space<hbm>> -> memref<10000x128xf32, #tpu.memory_space<hbm>>
        tpu.wait_indirect_dma semaphore(%arg27 : memref<!tpu.dma_semaphore, #tpu.memory_space<semaphore_mem>>) src(%dma_wait3A_54 : memref<10000x128xf32, #tpu.memory_space<hbm>>) dst(%arg17 : memref<80x128xf32, #tpu.memory_space<vmem>>)
        %dma_wait3A_55 = tpu.memref_slice %arg4[%mul3A_9] : memref<322560xi32, #tpu.memory_space<hbm>> -> memref<80xi32, #tpu.memory_space<hbm>>
        %dma_wait3A_56 = tpu.memref_slice %arg4[%mul3A_9] : memref<322560xi32, #tpu.memory_space<hbm>> -> memref<80xi32, #tpu.memory_space<hbm>>
        tpu.wait_dma2 semaphore(%arg24 : memref<!tpu.dma_semaphore, #tpu.memory_space<semaphore_mem>>) src(%dma_wait3A_56 : memref<80xi32, #tpu.memory_space<hbm>>) dst(%arg14 : memref<80xi32, #tpu.memory_space<vmem>>)
        "tpu.region"() ({
          %run_scoped3A = tpu.sem_alloc : memref<!tpu.dma_semaphore, #tpu.memory_space<semaphore_mem>>
          %dma_start3A_116 = arith.constant 0 : i32
          %dma_start3A_117 = arith.constant 0 : i32
          %dma_start3A_118 = tpu.memref_slice %arg20[%dma_start3A_116, %dma_start3A_117] : memref<10112x128xf32, #tpu.memory_space<vmem_shared>> -> memref<10112x128xf32, #tpu.memory_space<vmem_shared>>
          tpu.enqueue_indirect_dma source(%arg17 : memref<80x128xf32, #tpu.memory_space<vmem>>) target(%dma_start3A_118 : memref<10112x128xf32, #tpu.memory_space<vmem_shared>>) offsets(%arg14 : memref<80xi32, #tpu.memory_space<vmem>>) semaphore(%run_scoped3A : memref<!tpu.dma_semaphore, #tpu.memory_space<semaphore_mem>>) {add = true}
          %dma_wait3A_119 = arith.constant 0 : i32
          %dma_wait3A_120 = arith.constant 0 : i32
          %dma_wait3A_121 = tpu.memref_slice %arg20[%dma_wait3A_119, %dma_wait3A_120] : memref<10112x128xf32, #tpu.memory_space<vmem_shared>> -> memref<10112x128xf32, #tpu.memory_space<vmem_shared>>
          tpu.wait_indirect_dma semaphore(%run_scoped3A : memref<!tpu.dma_semaphore, #tpu.memory_space<semaphore_mem>>) src(%arg17 : memref<80x128xf32, #tpu.memory_space<vmem>>) dst(%dma_wait3A_121 : memref<10112x128xf32, #tpu.memory_space<vmem_shared>>)
          tpu.yield
        }) : () -> ()
        %add3A_57 = arith.constant 3 : i32
        %add3A_58 = arith.addi %add3A_51, %add3A_57 : i32
        %lt3A = arith.constant 252 : i32
        %lt3A_59 = arith.cmpi slt, %add3A_58, %lt3A : i32
        %convert_element_type3A_60 = arith.extui %lt3A_59 : i1 to i32
        %cond3A_61 = arith.constant 0 : i32
        %cond3A_62 = arith.cmpi ne, %convert_element_type3A_60, %cond3A_61 : i32
        scf.if %cond3A_62 {
          %add3A_116 = arith.constant 3 : i32
          %add3A_117 = arith.addi %add3A_51, %add3A_116 : i32
          %mul3A_118 = arith.constant 80 : i32
          %mul3A_119 = arith.muli %add3A_117, %mul3A_118 : i32
          %add3A_120 = arith.addi %mul3A_9, %mul3A_119 : i32
          %multiple_of3A_121 = tpu.assume_multiple %add3A_120, 80 : i32
          %dma_start3A_122 = tpu.memref_slice %arg3[%multiple_of3A_121] : memref<322560xi32, #tpu.memory_space<hbm>> -> memref<80xi32, #tpu.memory_space<hbm>>
          %dma_start3A_123 = tpu.memref_slice %arg3[%multiple_of3A_121] : memref<322560xi32, #tpu.memory_space<hbm>> -> memref<80xi32, #tpu.memory_space<hbm>>
          tpu.enqueue_dma source(%dma_start3A_123 : memref<80xi32, #tpu.memory_space<hbm>>) target(%arg11 : memref<80xi32, #tpu.memory_space<vmem>>) target_semaphore(%arg21 : memref<!tpu.dma_semaphore, #tpu.memory_space<semaphore_mem>>)
        } else {
        }
        %add3A_63 = arith.constant 2 : i32
        %add3A_64 = arith.addi %add3A_51, %add3A_63 : i32
        %lt3A_65 = arith.constant 252 : i32
        %lt3A_66 = arith.cmpi slt, %add3A_64, %lt3A_65 : i32
        %convert_element_type3A_67 = arith.extui %lt3A_66 : i1 to i32
        %cond3A_68 = arith.constant 0 : i32
        %cond3A_69 = arith.cmpi ne, %convert_element_type3A_67, %cond3A_68 : i32
        scf.if %cond3A_69 {
          %add3A_116 = arith.constant 2 : i32
          %add3A_117 = arith.addi %add3A_51, %add3A_116 : i32
          %mul3A_118 = arith.constant 80 : i32
          %mul3A_119 = arith.muli %add3A_117, %mul3A_118 : i32
          %add3A_120 = arith.addi %mul3A_9, %mul3A_119 : i32
          %multiple_of3A_121 = tpu.assume_multiple %add3A_120, 80 : i32
          %dma_start3A_122 = tpu.memref_slice %arg4[%multiple_of3A_121] : memref<322560xi32, #tpu.memory_space<hbm>> -> memref<80xi32, #tpu.memory_space<hbm>>
          %dma_start3A_123 = tpu.memref_slice %arg4[%multiple_of3A_121] : memref<322560xi32, #tpu.memory_space<hbm>> -> memref<80xi32, #tpu.memory_space<hbm>>
          tpu.enqueue_dma source(%dma_start3A_123 : memref<80xi32, #tpu.memory_space<hbm>>) target(%arg16 : memref<80xi32, #tpu.memory_space<vmem>>) target_semaphore(%arg26 : memref<!tpu.dma_semaphore, #tpu.memory_space<semaphore_mem>>)
          %dma_wait3A_124 = tpu.memref_slice %arg3[%mul3A_9] : memref<322560xi32, #tpu.memory_space<hbm>> -> memref<80xi32, #tpu.memory_space<hbm>>
          %dma_wait3A_125 = tpu.memref_slice %arg3[%mul3A_9] : memref<322560xi32, #tpu.memory_space<hbm>> -> memref<80xi32, #tpu.memory_space<hbm>>
          tpu.wait_dma2 semaphore(%arg23 : memref<!tpu.dma_semaphore, #tpu.memory_space<semaphore_mem>>) src(%dma_wait3A_125 : memref<80xi32, #tpu.memory_space<hbm>>) dst(%arg13 : memref<80xi32, #tpu.memory_space<vmem>>)
          %dma_start3A_126 = arith.constant 0 : i32
          %dma_start3A_127 = arith.constant 0 : i32
          %dma_start3A_128 = tpu.memref_slice %arg2[%dma_start3A_126, %dma_start3A_127] : memref<10000x128xf32, #tpu.memory_space<hbm>> -> memref<10000x128xf32, #tpu.memory_space<hbm>>
          tpu.enqueue_indirect_dma source(%dma_start3A_128 : memref<10000x128xf32, #tpu.memory_space<hbm>>) target(%arg19 : memref<80x128xf32, #tpu.memory_space<vmem>>) offsets(%arg13 : memref<80xi32, #tpu.memory_space<vmem>>) semaphore(%arg29 : memref<!tpu.dma_semaphore, #tpu.memory_space<semaphore_mem>>)
        } else {
        }
        %mul3A_70 = arith.constant 3 : i32
        %mul3A_71 = arith.muli %mul3A_70, %scan3A_47 : i32
        %add3A_72 = arith.constant 1 : i32
        %add3A_73 = arith.addi %mul3A_71, %add3A_72 : i32
        %dma_wait3A_74 = arith.constant 0 : i32
        %dma_wait3A_75 = arith.constant 0 : i32
        %dma_wait3A_76 = tpu.memref_slice %arg2[%dma_wait3A_74, %dma_wait3A_75] : memref<10000x128xf32, #tpu.memory_space<hbm>> -> memref<10000x128xf32, #tpu.memory_space<hbm>>
        tpu.wait_indirect_dma semaphore(%arg28 : memref<!tpu.dma_semaphore, #tpu.memory_space<semaphore_mem>>) src(%dma_wait3A_76 : memref<10000x128xf32, #tpu.memory_space<hbm>>) dst(%arg18 : memref<80x128xf32, #tpu.memory_space<vmem>>)
        %dma_wait3A_77 = tpu.memref_slice %arg4[%mul3A_9] : memref<322560xi32, #tpu.memory_space<hbm>> -> memref<80xi32, #tpu.memory_space<hbm>>
        %dma_wait3A_78 = tpu.memref_slice %arg4[%mul3A_9] : memref<322560xi32, #tpu.memory_space<hbm>> -> memref<80xi32, #tpu.memory_space<hbm>>
        tpu.wait_dma2 semaphore(%arg25 : memref<!tpu.dma_semaphore, #tpu.memory_space<semaphore_mem>>) src(%dma_wait3A_78 : memref<80xi32, #tpu.memory_space<hbm>>) dst(%arg15 : memref<80xi32, #tpu.memory_space<vmem>>)
        "tpu.region"() ({
          %run_scoped3A = tpu.sem_alloc : memref<!tpu.dma_semaphore, #tpu.memory_space<semaphore_mem>>
          %dma_start3A_116 = arith.constant 0 : i32
          %dma_start3A_117 = arith.constant 0 : i32
          %dma_start3A_118 = tpu.memref_slice %arg20[%dma_start3A_116, %dma_start3A_117] : memref<10112x128xf32, #tpu.memory_space<vmem_shared>> -> memref<10112x128xf32, #tpu.memory_space<vmem_shared>>
          tpu.enqueue_indirect_dma source(%arg18 : memref<80x128xf32, #tpu.memory_space<vmem>>) target(%dma_start3A_118 : memref<10112x128xf32, #tpu.memory_space<vmem_shared>>) offsets(%arg15 : memref<80xi32, #tpu.memory_space<vmem>>) semaphore(%run_scoped3A : memref<!tpu.dma_semaphore, #tpu.memory_space<semaphore_mem>>) {add = true}
          %dma_wait3A_119 = arith.constant 0 : i32
          %dma_wait3A_120 = arith.constant 0 : i32
          %dma_wait3A_121 = tpu.memref_slice %arg20[%dma_wait3A_119, %dma_wait3A_120] : memref<10112x128xf32, #tpu.memory_space<vmem_shared>> -> memref<10112x128xf32, #tpu.memory_space<vmem_shared>>
          tpu.wait_indirect_dma semaphore(%run_scoped3A : memref<!tpu.dma_semaphore, #tpu.memory_space<semaphore_mem>>) src(%arg18 : memref<80x128xf32, #tpu.memory_space<vmem>>) dst(%dma_wait3A_121 : memref<10112x128xf32, #tpu.memory_space<vmem_shared>>)
          tpu.yield
        }) : () -> ()
        %add3A_79 = arith.constant 3 : i32
        %add3A_80 = arith.addi %add3A_73, %add3A_79 : i32
        %lt3A_81 = arith.constant 252 : i32
        %lt3A_82 = arith.cmpi slt, %add3A_80, %lt3A_81 : i32
        %convert_element_type3A_83 = arith.extui %lt3A_82 : i1 to i32
        %cond3A_84 = arith.constant 0 : i32
        %cond3A_85 = arith.cmpi ne, %convert_element_type3A_83, %cond3A_84 : i32
        scf.if %cond3A_85 {
          %add3A_116 = arith.constant 3 : i32
          %add3A_117 = arith.addi %add3A_73, %add3A_116 : i32
          %mul3A_118 = arith.constant 80 : i32
          %mul3A_119 = arith.muli %add3A_117, %mul3A_118 : i32
          %add3A_120 = arith.addi %mul3A_9, %mul3A_119 : i32
          %multiple_of3A_121 = tpu.assume_multiple %add3A_120, 80 : i32
          %dma_start3A_122 = tpu.memref_slice %arg3[%multiple_of3A_121] : memref<322560xi32, #tpu.memory_space<hbm>> -> memref<80xi32, #tpu.memory_space<hbm>>
          %dma_start3A_123 = tpu.memref_slice %arg3[%multiple_of3A_121] : memref<322560xi32, #tpu.memory_space<hbm>> -> memref<80xi32, #tpu.memory_space<hbm>>
          tpu.enqueue_dma source(%dma_start3A_123 : memref<80xi32, #tpu.memory_space<hbm>>) target(%arg12 : memref<80xi32, #tpu.memory_space<vmem>>) target_semaphore(%arg22 : memref<!tpu.dma_semaphore, #tpu.memory_space<semaphore_mem>>)
        } else {
        }
        %add3A_86 = arith.constant 2 : i32
        %add3A_87 = arith.addi %add3A_73, %add3A_86 : i32
        %lt3A_88 = arith.constant 252 : i32
        %lt3A_89 = arith.cmpi slt, %add3A_87, %lt3A_88 : i32
        %convert_element_type3A_90 = arith.extui %lt3A_89 : i1 to i32
        %cond3A_91 = arith.constant 0 : i32
        %cond3A_92 = arith.cmpi ne, %convert_element_type3A_90, %cond3A_91 : i32
        scf.if %cond3A_92 {
          %add3A_116 = arith.constant 2 : i32
          %add3A_117 = arith.addi %add3A_73, %add3A_116 : i32
          %mul3A_118 = arith.constant 80 : i32
          %mul3A_119 = arith.muli %add3A_117, %mul3A_118 : i32
          %add3A_120 = arith.addi %mul3A_9, %mul3A_119 : i32
          %multiple_of3A_121 = tpu.assume_multiple %add3A_120, 80 : i32
          %dma_start3A_122 = tpu.memref_slice %arg4[%multiple_of3A_121] : memref<322560xi32, #tpu.memory_space<hbm>> -> memref<80xi32, #tpu.memory_space<hbm>>
          %dma_start3A_123 = tpu.memref_slice %arg4[%multiple_of3A_121] : memref<322560xi32, #tpu.memory_space<hbm>> -> memref<80xi32, #tpu.memory_space<hbm>>
          tpu.enqueue_dma source(%dma_start3A_123 : memref<80xi32, #tpu.memory_space<hbm>>) target(%arg14 : memref<80xi32, #tpu.memory_space<vmem>>) target_semaphore(%arg24 : memref<!tpu.dma_semaphore, #tpu.memory_space<semaphore_mem>>)
          %dma_wait3A_124 = tpu.memref_slice %arg3[%mul3A_9] : memref<322560xi32, #tpu.memory_space<hbm>> -> memref<80xi32, #tpu.memory_space<hbm>>
          %dma_wait3A_125 = tpu.memref_slice %arg3[%mul3A_9] : memref<322560xi32, #tpu.memory_space<hbm>> -> memref<80xi32, #tpu.memory_space<hbm>>
          tpu.wait_dma2 semaphore(%arg21 : memref<!tpu.dma_semaphore, #tpu.memory_space<semaphore_mem>>) src(%dma_wait3A_125 : memref<80xi32, #tpu.memory_space<hbm>>) dst(%arg11 : memref<80xi32, #tpu.memory_space<vmem>>)
          %dma_start3A_126 = arith.constant 0 : i32
          %dma_start3A_127 = arith.constant 0 : i32
          %dma_start3A_128 = tpu.memref_slice %arg2[%dma_start3A_126, %dma_start3A_127] : memref<10000x128xf32, #tpu.memory_space<hbm>> -> memref<10000x128xf32, #tpu.memory_space<hbm>>
          tpu.enqueue_indirect_dma source(%dma_start3A_128 : memref<10000x128xf32, #tpu.memory_space<hbm>>) target(%arg17 : memref<80x128xf32, #tpu.memory_space<vmem>>) offsets(%arg11 : memref<80xi32, #tpu.memory_space<vmem>>) semaphore(%arg27 : memref<!tpu.dma_semaphore, #tpu.memory_space<semaphore_mem>>)
        } else {
        }
        %mul3A_93 = arith.constant 3 : i32
        %mul3A_94 = arith.muli %mul3A_93, %scan3A_47 : i32
        %add3A_95 = arith.constant 2 : i32
        %add3A_96 = arith.addi %mul3A_94, %add3A_95 : i32
        %dma_wait3A_97 = arith.constant 0 : i32
        %dma_wait3A_98 = arith.constant 0 : i32
        %dma_wait3A_99 = tpu.memref_slice %arg2[%dma_wait3A_97, %dma_wait3A_98] : memref<10000x128xf32, #tpu.memory_space<hbm>> -> memref<10000x128xf32, #tpu.memory_space<hbm>>
        tpu.wait_indirect_dma semaphore(%arg29 : memref<!tpu.dma_semaphore, #tpu.memory_space<semaphore_mem>>) src(%dma_wait3A_99 : memref<10000x128xf32, #tpu.memory_space<hbm>>) dst(%arg19 : memref<80x128xf32, #tpu.memory_space<vmem>>)
        %dma_wait3A_100 = tpu.memref_slice %arg4[%mul3A_9] : memref<322560xi32, #tpu.memory_space<hbm>> -> memref<80xi32, #tpu.memory_space<hbm>>
        %dma_wait3A_101 = tpu.memref_slice %arg4[%mul3A_9] : memref<322560xi32, #tpu.memory_space<hbm>> -> memref<80xi32, #tpu.memory_space<hbm>>
        tpu.wait_dma2 semaphore(%arg26 : memref<!tpu.dma_semaphore, #tpu.memory_space<semaphore_mem>>) src(%dma_wait3A_101 : memref<80xi32, #tpu.memory_space<hbm>>) dst(%arg16 : memref<80xi32, #tpu.memory_space<vmem>>)
        "tpu.region"() ({
          %run_scoped3A = tpu.sem_alloc : memref<!tpu.dma_semaphore, #tpu.memory_space<semaphore_mem>>
          %dma_start3A_116 = arith.constant 0 : i32
          %dma_start3A_117 = arith.constant 0 : i32
          %dma_start3A_118 = tpu.memref_slice %arg20[%dma_start3A_116, %dma_start3A_117] : memref<10112x128xf32, #tpu.memory_space<vmem_shared>> -> memref<10112x128xf32, #tpu.memory_space<vmem_shared>>
          tpu.enqueue_indirect_dma source(%arg19 : memref<80x128xf32, #tpu.memory_space<vmem>>) target(%dma_start3A_118 : memref<10112x128xf32, #tpu.memory_space<vmem_shared>>) offsets(%arg16 : memref<80xi32, #tpu.memory_space<vmem>>) semaphore(%run_scoped3A : memref<!tpu.dma_semaphore, #tpu.memory_space<semaphore_mem>>) {add = true}
          %dma_wait3A_119 = arith.constant 0 : i32
          %dma_wait3A_120 = arith.constant 0 : i32
          %dma_wait3A_121 = tpu.memref_slice %arg20[%dma_wait3A_119, %dma_wait3A_120] : memref<10112x128xf32, #tpu.memory_space<vmem_shared>> -> memref<10112x128xf32, #tpu.memory_space<vmem_shared>>
          tpu.wait_indirect_dma semaphore(%run_scoped3A : memref<!tpu.dma_semaphore, #tpu.memory_space<semaphore_mem>>) src(%arg19 : memref<80x128xf32, #tpu.memory_space<vmem>>) dst(%dma_wait3A_121 : memref<10112x128xf32, #tpu.memory_space<vmem_shared>>)
          tpu.yield
        }) : () -> ()
        %add3A_102 = arith.constant 3 : i32
        %add3A_103 = arith.addi %add3A_96, %add3A_102 : i32
        %lt3A_104 = arith.constant 252 : i32
        %lt3A_105 = arith.cmpi slt, %add3A_103, %lt3A_104 : i32
        %convert_element_type3A_106 = arith.extui %lt3A_105 : i1 to i32
        %cond3A_107 = arith.constant 0 : i32
        %cond3A_108 = arith.cmpi ne, %convert_element_type3A_106, %cond3A_107 : i32
        scf.if %cond3A_108 {
          %add3A_116 = arith.constant 3 : i32
          %add3A_117 = arith.addi %add3A_96, %add3A_116 : i32
          %mul3A_118 = arith.constant 80 : i32
          %mul3A_119 = arith.muli %add3A_117, %mul3A_118 : i32
          %add3A_120 = arith.addi %mul3A_9, %mul3A_119 : i32
          %multiple_of3A_121 = tpu.assume_multiple %add3A_120, 80 : i32
          %dma_start3A_122 = tpu.memref_slice %arg3[%multiple_of3A_121] : memref<322560xi32, #tpu.memory_space<hbm>> -> memref<80xi32, #tpu.memory_space<hbm>>
          %dma_start3A_123 = tpu.memref_slice %arg3[%multiple_of3A_121] : memref<322560xi32, #tpu.memory_space<hbm>> -> memref<80xi32, #tpu.memory_space<hbm>>
          tpu.enqueue_dma source(%dma_start3A_123 : memref<80xi32, #tpu.memory_space<hbm>>) target(%arg13 : memref<80xi32, #tpu.memory_space<vmem>>) target_semaphore(%arg23 : memref<!tpu.dma_semaphore, #tpu.memory_space<semaphore_mem>>)
        } else {
        }
        %add3A_109 = arith.constant 2 : i32
        %add3A_110 = arith.addi %add3A_96, %add3A_109 : i32
        %lt3A_111 = arith.constant 252 : i32
        %lt3A_112 = arith.cmpi slt, %add3A_110, %lt3A_111 : i32
        %convert_element_type3A_113 = arith.extui %lt3A_112 : i1 to i32
        %cond3A_114 = arith.constant 0 : i32
        %cond3A_115 = arith.cmpi ne, %convert_element_type3A_113, %cond3A_114 : i32
        scf.if %cond3A_115 {
          %add3A_116 = arith.constant 2 : i32
          %add3A_117 = arith.addi %add3A_96, %add3A_116 : i32
          %mul3A_118 = arith.constant 80 : i32
          %mul3A_119 = arith.muli %add3A_117, %mul3A_118 : i32
          %add3A_120 = arith.addi %mul3A_9, %mul3A_119 : i32
          %multiple_of3A_121 = tpu.assume_multiple %add3A_120, 80 : i32
          %dma_start3A_122 = tpu.memref_slice %arg4[%multiple_of3A_121] : memref<322560xi32, #tpu.memory_space<hbm>> -> memref<80xi32, #tpu.memory_space<hbm>>
          %dma_start3A_123 = tpu.memref_slice %arg4[%multiple_of3A_121] : memref<322560xi32, #tpu.memory_space<hbm>> -> memref<80xi32, #tpu.memory_space<hbm>>
          tpu.enqueue_dma source(%dma_start3A_123 : memref<80xi32, #tpu.memory_space<hbm>>) target(%arg15 : memref<80xi32, #tpu.memory_space<vmem>>) target_semaphore(%arg25 : memref<!tpu.dma_semaphore, #tpu.memory_space<semaphore_mem>>)
          %dma_wait3A_124 = tpu.memref_slice %arg3[%mul3A_9] : memref<322560xi32, #tpu.memory_space<hbm>> -> memref<80xi32, #tpu.memory_space<hbm>>
          %dma_wait3A_125 = tpu.memref_slice %arg3[%mul3A_9] : memref<322560xi32, #tpu.memory_space<hbm>> -> memref<80xi32, #tpu.memory_space<hbm>>
          tpu.wait_dma2 semaphore(%arg22 : memref<!tpu.dma_semaphore, #tpu.memory_space<semaphore_mem>>) src(%dma_wait3A_125 : memref<80xi32, #tpu.memory_space<hbm>>) dst(%arg12 : memref<80xi32, #tpu.memory_space<vmem>>)
          %dma_start3A_126 = arith.constant 0 : i32
          %dma_start3A_127 = arith.constant 0 : i32
          %dma_start3A_128 = tpu.memref_slice %arg2[%dma_start3A_126, %dma_start3A_127] : memref<10000x128xf32, #tpu.memory_space<hbm>> -> memref<10000x128xf32, #tpu.memory_space<hbm>>
          tpu.enqueue_indirect_dma source(%dma_start3A_128 : memref<10000x128xf32, #tpu.memory_space<hbm>>) target(%arg18 : memref<80x128xf32, #tpu.memory_space<vmem>>) offsets(%arg12 : memref<80xi32, #tpu.memory_space<vmem>>) semaphore(%arg28 : memref<!tpu.dma_semaphore, #tpu.memory_space<semaphore_mem>>)
        } else {
        }
      }
      %scan3A_45 = arith.constant 84 : i32
      %barrier3A_46 = arith.constant 0 : index
      tpu.barrier barrier_id(%barrier3A_46)
      "tpu.region"() ({
        %run_scoped3A = tpu.sem_alloc : memref<!tpu.dma_semaphore, #tpu.memory_space<semaphore_mem>>
        %dma_start3A_47 = arith.constant 0 : i32
        %dma_start3A_48 = tpu.memref_slice %arg9[%mul3A_7, %dma_start3A_47] : memref<10112x128xf32, #tpu.memory_space<hbm>> -> memref<632x128xf32, #tpu.memory_space<hbm>>
        %dma_start3A_49 = arith.constant 0 : i32
        %dma_start3A_50 = tpu.memref_slice %arg20[%mul3A_7, %dma_start3A_49] : memref<10112x128xf32, #tpu.memory_space<vmem_shared>> -> memref<632x128xf32, #tpu.memory_space<vmem_shared>>
        tpu.enqueue_dma source(%dma_start3A_50 : memref<632x128xf32, #tpu.memory_space<vmem_shared>>) target(%dma_start3A_48 : memref<632x128xf32, #tpu.memory_space<hbm>>) target_semaphore(%run_scoped3A : memref<!tpu.dma_semaphore, #tpu.memory_space<semaphore_mem>>)
        %dma_wait3A_51 = arith.constant 0 : i32
        %dma_wait3A_52 = tpu.memref_slice %arg9[%mul3A_7, %dma_wait3A_51] : memref<10112x128xf32, #tpu.memory_space<hbm>> -> memref<632x128xf32, #tpu.memory_space<hbm>>
        %dma_wait3A_53 = arith.constant 0 : i32
        %dma_wait3A_54 = tpu.memref_slice %arg20[%mul3A_7, %dma_wait3A_53] : memref<10112x128xf32, #tpu.memory_space<vmem_shared>> -> memref<632x128xf32, #tpu.memory_space<vmem_shared>>
        tpu.wait_dma2 semaphore(%run_scoped3A : memref<!tpu.dma_semaphore, #tpu.memory_space<semaphore_mem>>) src(%dma_wait3A_54 : memref<632x128xf32, #tpu.memory_space<vmem_shared>>) dst(%dma_wait3A_52 : memref<632x128xf32, #tpu.memory_space<hbm>>)
        tpu.yield
      }) : () -> ()
    } else {
    }
    %eq3A_2 = arith.constant 1 : i32
    %eq3A_3 = arith.cmpi eq, %arg0, %eq3A_2 : i32
    %convert_element_type3A_4 = arith.extui %eq3A_3 : i1 to i32
    %cond3A_5 = arith.constant 0 : i32
    %cond3A_6 = arith.cmpi ne, %convert_element_type3A_4, %cond3A_5 : i32
    scf.if %cond3A_6 {
      %mul3A = arith.constant 632 : i32
      %mul3A_7 = arith.muli %arg1, %mul3A : i32
      "tpu.region"() ({
        %run_scoped3A = tpu.sem_alloc : memref<!tpu.dma_semaphore, #tpu.memory_space<semaphore_mem>>
        %dma_start3A_47 = arith.constant 0 : i32
        %dma_start3A_48 = tpu.memref_slice %arg20[%mul3A_7, %dma_start3A_47] : memref<10112x128xf32, #tpu.memory_space<vmem_shared>> -> memref<632x128xf32, #tpu.memory_space<vmem_shared>>
        %dma_start3A_49 = arith.constant 0 : i32
        %dma_start3A_50 = tpu.memref_slice %arg8[%mul3A_7, %dma_start3A_49] : memref<10112x128xf32, #tpu.memory_space<hbm>> -> memref<632x128xf32, #tpu.memory_space<hbm>>
        tpu.enqueue_dma source(%dma_start3A_50 : memref<632x128xf32, #tpu.memory_space<hbm>>) target(%dma_start3A_48 : memref<632x128xf32, #tpu.memory_space<vmem_shared>>) target_semaphore(%run_scoped3A : memref<!tpu.dma_semaphore, #tpu.memory_space<semaphore_mem>>)
        %dma_wait3A_51 = arith.constant 0 : i32
        %dma_wait3A_52 = tpu.memref_slice %arg20[%mul3A_7, %dma_wait3A_51] : memref<10112x128xf32, #tpu.memory_space<vmem_shared>> -> memref<632x128xf32, #tpu.memory_space<vmem_shared>>
        %dma_wait3A_53 = arith.constant 0 : i32
        %dma_wait3A_54 = tpu.memref_slice %arg8[%mul3A_7, %dma_wait3A_53] : memref<10112x128xf32, #tpu.memory_space<hbm>> -> memref<632x128xf32, #tpu.memory_space<hbm>>
        tpu.wait_dma2 semaphore(%run_scoped3A : memref<!tpu.dma_semaphore, #tpu.memory_space<semaphore_mem>>) src(%dma_wait3A_54 : memref<632x128xf32, #tpu.memory_space<hbm>>) dst(%dma_wait3A_52 : memref<632x128xf32, #tpu.memory_space<vmem_shared>>)
        tpu.yield
      }) : () -> ()
      %barrier3A = arith.constant 0 : index
      tpu.barrier barrier_id(%barrier3A)
      %mul3A_8 = arith.constant 20160 : i32
      %mul3A_9 = arith.muli %arg1, %mul3A_8 : i32
      %add3A = arith.constant 0 : i32
      %add3A_10 = arith.addi %mul3A_9, %add3A : i32
      %multiple_of3A = tpu.assume_multiple %add3A_10, 80 : i32
      %dma_start3A = tpu.memref_slice %arg6[%multiple_of3A] : memref<322560xi32, #tpu.memory_space<hbm>> -> memref<80xi32, #tpu.memory_space<hbm>>
      %dma_start3A_11 = tpu.memref_slice %arg6[%multiple_of3A] : memref<322560xi32, #tpu.memory_space<hbm>> -> memref<80xi32, #tpu.memory_space<hbm>>
      tpu.enqueue_dma source(%dma_start3A_11 : memref<80xi32, #tpu.memory_space<hbm>>) target(%arg11 : memref<80xi32, #tpu.memory_space<vmem>>) target_semaphore(%arg21 : memref<!tpu.dma_semaphore, #tpu.memory_space<semaphore_mem>>)
      %add3A_12 = arith.constant 80 : i32
      %add3A_13 = arith.addi %mul3A_9, %add3A_12 : i32
      %multiple_of3A_14 = tpu.assume_multiple %add3A_13, 80 : i32
      %dma_start3A_15 = tpu.memref_slice %arg6[%multiple_of3A_14] : memref<322560xi32, #tpu.memory_space<hbm>> -> memref<80xi32, #tpu.memory_space<hbm>>
      %dma_start3A_16 = tpu.memref_slice %arg6[%multiple_of3A_14] : memref<322560xi32, #tpu.memory_space<hbm>> -> memref<80xi32, #tpu.memory_space<hbm>>
      tpu.enqueue_dma source(%dma_start3A_16 : memref<80xi32, #tpu.memory_space<hbm>>) target(%arg12 : memref<80xi32, #tpu.memory_space<vmem>>) target_semaphore(%arg22 : memref<!tpu.dma_semaphore, #tpu.memory_space<semaphore_mem>>)
      %add3A_17 = arith.constant 160 : i32
      %add3A_18 = arith.addi %mul3A_9, %add3A_17 : i32
      %multiple_of3A_19 = tpu.assume_multiple %add3A_18, 80 : i32
      %dma_start3A_20 = tpu.memref_slice %arg6[%multiple_of3A_19] : memref<322560xi32, #tpu.memory_space<hbm>> -> memref<80xi32, #tpu.memory_space<hbm>>
      %dma_start3A_21 = tpu.memref_slice %arg6[%multiple_of3A_19] : memref<322560xi32, #tpu.memory_space<hbm>> -> memref<80xi32, #tpu.memory_space<hbm>>
      tpu.enqueue_dma source(%dma_start3A_21 : memref<80xi32, #tpu.memory_space<hbm>>) target(%arg13 : memref<80xi32, #tpu.memory_space<vmem>>) target_semaphore(%arg23 : memref<!tpu.dma_semaphore, #tpu.memory_space<semaphore_mem>>)
      %add3A_22 = arith.constant 0 : i32
      %add3A_23 = arith.addi %mul3A_9, %add3A_22 : i32
      %multiple_of3A_24 = tpu.assume_multiple %add3A_23, 80 : i32
      %dma_start3A_25 = tpu.memref_slice %arg7[%multiple_of3A_24] : memref<322560xi32, #tpu.memory_space<hbm>> -> memref<80xi32, #tpu.memory_space<hbm>>
      %dma_start3A_26 = tpu.memref_slice %arg7[%multiple_of3A_24] : memref<322560xi32, #tpu.memory_space<hbm>> -> memref<80xi32, #tpu.memory_space<hbm>>
      tpu.enqueue_dma source(%dma_start3A_26 : memref<80xi32, #tpu.memory_space<hbm>>) target(%arg14 : memref<80xi32, #tpu.memory_space<vmem>>) target_semaphore(%arg24 : memref<!tpu.dma_semaphore, #tpu.memory_space<semaphore_mem>>)
      %add3A_27 = arith.constant 80 : i32
      %add3A_28 = arith.addi %mul3A_9, %add3A_27 : i32
      %multiple_of3A_29 = tpu.assume_multiple %add3A_28, 80 : i32
      %dma_start3A_30 = tpu.memref_slice %arg7[%multiple_of3A_29] : memref<322560xi32, #tpu.memory_space<hbm>> -> memref<80xi32, #tpu.memory_space<hbm>>
      %dma_start3A_31 = tpu.memref_slice %arg7[%multiple_of3A_29] : memref<322560xi32, #tpu.memory_space<hbm>> -> memref<80xi32, #tpu.memory_space<hbm>>
      tpu.enqueue_dma source(%dma_start3A_31 : memref<80xi32, #tpu.memory_space<hbm>>) target(%arg15 : memref<80xi32, #tpu.memory_space<vmem>>) target_semaphore(%arg25 : memref<!tpu.dma_semaphore, #tpu.memory_space<semaphore_mem>>)
      %dma_wait3A = tpu.memref_slice %arg6[%mul3A_9] : memref<322560xi32, #tpu.memory_space<hbm>> -> memref<80xi32, #tpu.memory_space<hbm>>
      %dma_wait3A_32 = tpu.memref_slice %arg6[%mul3A_9] : memref<322560xi32, #tpu.memory_space<hbm>> -> memref<80xi32, #tpu.memory_space<hbm>>
      tpu.wait_dma2 semaphore(%arg21 : memref<!tpu.dma_semaphore, #tpu.memory_space<semaphore_mem>>) src(%dma_wait3A_32 : memref<80xi32, #tpu.memory_space<hbm>>) dst(%arg11 : memref<80xi32, #tpu.memory_space<vmem>>)
      %dma_start3A_33 = arith.constant 0 : i32
      %dma_start3A_34 = arith.constant 0 : i32
      %dma_start3A_35 = tpu.memref_slice %arg5[%dma_start3A_33, %dma_start3A_34] : memref<10000x128xf32, #tpu.memory_space<hbm>> -> memref<10000x128xf32, #tpu.memory_space<hbm>>
      tpu.enqueue_indirect_dma source(%dma_start3A_35 : memref<10000x128xf32, #tpu.memory_space<hbm>>) target(%arg17 : memref<80x128xf32, #tpu.memory_space<vmem>>) offsets(%arg11 : memref<80xi32, #tpu.memory_space<vmem>>) semaphore(%arg27 : memref<!tpu.dma_semaphore, #tpu.memory_space<semaphore_mem>>)
      %dma_wait3A_36 = tpu.memref_slice %arg6[%mul3A_9] : memref<322560xi32, #tpu.memory_space<hbm>> -> memref<80xi32, #tpu.memory_space<hbm>>
      %dma_wait3A_37 = tpu.memref_slice %arg6[%mul3A_9] : memref<322560xi32, #tpu.memory_space<hbm>> -> memref<80xi32, #tpu.memory_space<hbm>>
      tpu.wait_dma2 semaphore(%arg22 : memref<!tpu.dma_semaphore, #tpu.memory_space<semaphore_mem>>) src(%dma_wait3A_37 : memref<80xi32, #tpu.memory_space<hbm>>) dst(%arg12 : memref<80xi32, #tpu.memory_space<vmem>>)
      %dma_start3A_38 = arith.constant 0 : i32
      %dma_start3A_39 = arith.constant 0 : i32
      %dma_start3A_40 = tpu.memref_slice %arg5[%dma_start3A_38, %dma_start3A_39] : memref<10000x128xf32, #tpu.memory_space<hbm>> -> memref<10000x128xf32, #tpu.memory_space<hbm>>
      tpu.enqueue_indirect_dma source(%dma_start3A_40 : memref<10000x128xf32, #tpu.memory_space<hbm>>) target(%arg18 : memref<80x128xf32, #tpu.memory_space<vmem>>) offsets(%arg12 : memref<80xi32, #tpu.memory_space<vmem>>) semaphore(%arg28 : memref<!tpu.dma_semaphore, #tpu.memory_space<semaphore_mem>>)
      %scan3A = arith.constant 0 : i32
      %scan3A_41 = arith.constant 0 : i32
      %scan3A_42 = arith.constant 84 : i32
      %scan3A_43 = arith.addi %scan3A_41, %scan3A_42 : i32
      %scan3A_44 = arith.constant 1 : i32
      scf.for %scan3A_47 = %scan3A_41 to %scan3A_43 step %scan3A_44  : i32 {
        %mul3A_48 = arith.constant 3 : i32
        %mul3A_49 = arith.muli %mul3A_48, %scan3A_47 : i32
        %add3A_50 = arith.constant 0 : i32
        %add3A_51 = arith.addi %mul3A_49, %add3A_50 : i32
        %dma_wait3A_52 = arith.constant 0 : i32
        %dma_wait3A_53 = arith.constant 0 : i32
        %dma_wait3A_54 = tpu.memref_slice %arg5[%dma_wait3A_52, %dma_wait3A_53] : memref<10000x128xf32, #tpu.memory_space<hbm>> -> memref<10000x128xf32, #tpu.memory_space<hbm>>
        tpu.wait_indirect_dma semaphore(%arg27 : memref<!tpu.dma_semaphore, #tpu.memory_space<semaphore_mem>>) src(%dma_wait3A_54 : memref<10000x128xf32, #tpu.memory_space<hbm>>) dst(%arg17 : memref<80x128xf32, #tpu.memory_space<vmem>>)
        %dma_wait3A_55 = tpu.memref_slice %arg7[%mul3A_9] : memref<322560xi32, #tpu.memory_space<hbm>> -> memref<80xi32, #tpu.memory_space<hbm>>
        %dma_wait3A_56 = tpu.memref_slice %arg7[%mul3A_9] : memref<322560xi32, #tpu.memory_space<hbm>> -> memref<80xi32, #tpu.memory_space<hbm>>
        tpu.wait_dma2 semaphore(%arg24 : memref<!tpu.dma_semaphore, #tpu.memory_space<semaphore_mem>>) src(%dma_wait3A_56 : memref<80xi32, #tpu.memory_space<hbm>>) dst(%arg14 : memref<80xi32, #tpu.memory_space<vmem>>)
        "tpu.region"() ({
          %run_scoped3A = tpu.sem_alloc : memref<!tpu.dma_semaphore, #tpu.memory_space<semaphore_mem>>
          %dma_start3A_116 = arith.constant 0 : i32
          %dma_start3A_117 = arith.constant 0 : i32
          %dma_start3A_118 = tpu.memref_slice %arg20[%dma_start3A_116, %dma_start3A_117] : memref<10112x128xf32, #tpu.memory_space<vmem_shared>> -> memref<10112x128xf32, #tpu.memory_space<vmem_shared>>
          tpu.enqueue_indirect_dma source(%arg17 : memref<80x128xf32, #tpu.memory_space<vmem>>) target(%dma_start3A_118 : memref<10112x128xf32, #tpu.memory_space<vmem_shared>>) offsets(%arg14 : memref<80xi32, #tpu.memory_space<vmem>>) semaphore(%run_scoped3A : memref<!tpu.dma_semaphore, #tpu.memory_space<semaphore_mem>>) {add = true}
          %dma_wait3A_119 = arith.constant 0 : i32
          %dma_wait3A_120 = arith.constant 0 : i32
          %dma_wait3A_121 = tpu.memref_slice %arg20[%dma_wait3A_119, %dma_wait3A_120] : memref<10112x128xf32, #tpu.memory_space<vmem_shared>> -> memref<10112x128xf32, #tpu.memory_space<vmem_shared>>
          tpu.wait_indirect_dma semaphore(%run_scoped3A : memref<!tpu.dma_semaphore, #tpu.memory_space<semaphore_mem>>) src(%arg17 : memref<80x128xf32, #tpu.memory_space<vmem>>) dst(%dma_wait3A_121 : memref<10112x128xf32, #tpu.memory_space<vmem_shared>>)
          tpu.yield
        }) : () -> ()
        %add3A_57 = arith.constant 3 : i32
        %add3A_58 = arith.addi %add3A_51, %add3A_57 : i32
        %lt3A = arith.constant 252 : i32
        %lt3A_59 = arith.cmpi slt, %add3A_58, %lt3A : i32
        %convert_element_type3A_60 = arith.extui %lt3A_59 : i1 to i32
        %cond3A_61 = arith.constant 0 : i32
        %cond3A_62 = arith.cmpi ne, %convert_element_type3A_60, %cond3A_61 : i32
        scf.if %cond3A_62 {
          %add3A_116 = arith.constant 3 : i32
          %add3A_117 = arith.addi %add3A_51, %add3A_116 : i32
          %mul3A_118 = arith.constant 80 : i32
          %mul3A_119 = arith.muli %add3A_117, %mul3A_118 : i32
          %add3A_120 = arith.addi %mul3A_9, %mul3A_119 : i32
          %multiple_of3A_121 = tpu.assume_multiple %add3A_120, 80 : i32
          %dma_start3A_122 = tpu.memref_slice %arg6[%multiple_of3A_121] : memref<322560xi32, #tpu.memory_space<hbm>> -> memref<80xi32, #tpu.memory_space<hbm>>
          %dma_start3A_123 = tpu.memref_slice %arg6[%multiple_of3A_121] : memref<322560xi32, #tpu.memory_space<hbm>> -> memref<80xi32, #tpu.memory_space<hbm>>
          tpu.enqueue_dma source(%dma_start3A_123 : memref<80xi32, #tpu.memory_space<hbm>>) target(%arg11 : memref<80xi32, #tpu.memory_space<vmem>>) target_semaphore(%arg21 : memref<!tpu.dma_semaphore, #tpu.memory_space<semaphore_mem>>)
        } else {
        }
        %add3A_63 = arith.constant 2 : i32
        %add3A_64 = arith.addi %add3A_51, %add3A_63 : i32
        %lt3A_65 = arith.constant 252 : i32
        %lt3A_66 = arith.cmpi slt, %add3A_64, %lt3A_65 : i32
        %convert_element_type3A_67 = arith.extui %lt3A_66 : i1 to i32
        %cond3A_68 = arith.constant 0 : i32
        %cond3A_69 = arith.cmpi ne, %convert_element_type3A_67, %cond3A_68 : i32
        scf.if %cond3A_69 {
          %add3A_116 = arith.constant 2 : i32
          %add3A_117 = arith.addi %add3A_51, %add3A_116 : i32
          %mul3A_118 = arith.constant 80 : i32
          %mul3A_119 = arith.muli %add3A_117, %mul3A_118 : i32
          %add3A_120 = arith.addi %mul3A_9, %mul3A_119 : i32
          %multiple_of3A_121 = tpu.assume_multiple %add3A_120, 80 : i32
          %dma_start3A_122 = tpu.memref_slice %arg7[%multiple_of3A_121] : memref<322560xi32, #tpu.memory_space<hbm>> -> memref<80xi32, #tpu.memory_space<hbm>>
          %dma_start3A_123 = tpu.memref_slice %arg7[%multiple_of3A_121] : memref<322560xi32, #tpu.memory_space<hbm>> -> memref<80xi32, #tpu.memory_space<hbm>>
          tpu.enqueue_dma source(%dma_start3A_123 : memref<80xi32, #tpu.memory_space<hbm>>) target(%arg16 : memref<80xi32, #tpu.memory_space<vmem>>) target_semaphore(%arg26 : memref<!tpu.dma_semaphore, #tpu.memory_space<semaphore_mem>>)
          %dma_wait3A_124 = tpu.memref_slice %arg6[%mul3A_9] : memref<322560xi32, #tpu.memory_space<hbm>> -> memref<80xi32, #tpu.memory_space<hbm>>
          %dma_wait3A_125 = tpu.memref_slice %arg6[%mul3A_9] : memref<322560xi32, #tpu.memory_space<hbm>> -> memref<80xi32, #tpu.memory_space<hbm>>
          tpu.wait_dma2 semaphore(%arg23 : memref<!tpu.dma_semaphore, #tpu.memory_space<semaphore_mem>>) src(%dma_wait3A_125 : memref<80xi32, #tpu.memory_space<hbm>>) dst(%arg13 : memref<80xi32, #tpu.memory_space<vmem>>)
          %dma_start3A_126 = arith.constant 0 : i32
          %dma_start3A_127 = arith.constant 0 : i32
          %dma_start3A_128 = tpu.memref_slice %arg5[%dma_start3A_126, %dma_start3A_127] : memref<10000x128xf32, #tpu.memory_space<hbm>> -> memref<10000x128xf32, #tpu.memory_space<hbm>>
          tpu.enqueue_indirect_dma source(%dma_start3A_128 : memref<10000x128xf32, #tpu.memory_space<hbm>>) target(%arg19 : memref<80x128xf32, #tpu.memory_space<vmem>>) offsets(%arg13 : memref<80xi32, #tpu.memory_space<vmem>>) semaphore(%arg29 : memref<!tpu.dma_semaphore, #tpu.memory_space<semaphore_mem>>)
        } else {
        }
        %mul3A_70 = arith.constant 3 : i32
        %mul3A_71 = arith.muli %mul3A_70, %scan3A_47 : i32
        %add3A_72 = arith.constant 1 : i32
        %add3A_73 = arith.addi %mul3A_71, %add3A_72 : i32
        %dma_wait3A_74 = arith.constant 0 : i32
        %dma_wait3A_75 = arith.constant 0 : i32
        %dma_wait3A_76 = tpu.memref_slice %arg5[%dma_wait3A_74, %dma_wait3A_75] : memref<10000x128xf32, #tpu.memory_space<hbm>> -> memref<10000x128xf32, #tpu.memory_space<hbm>>
        tpu.wait_indirect_dma semaphore(%arg28 : memref<!tpu.dma_semaphore, #tpu.memory_space<semaphore_mem>>) src(%dma_wait3A_76 : memref<10000x128xf32, #tpu.memory_space<hbm>>) dst(%arg18 : memref<80x128xf32, #tpu.memory_space<vmem>>)
        %dma_wait3A_77 = tpu.memref_slice %arg7[%mul3A_9] : memref<322560xi32, #tpu.memory_space<hbm>> -> memref<80xi32, #tpu.memory_space<hbm>>
        %dma_wait3A_78 = tpu.memref_slice %arg7[%mul3A_9] : memref<322560xi32, #tpu.memory_space<hbm>> -> memref<80xi32, #tpu.memory_space<hbm>>
        tpu.wait_dma2 semaphore(%arg25 : memref<!tpu.dma_semaphore, #tpu.memory_space<semaphore_mem>>) src(%dma_wait3A_78 : memref<80xi32, #tpu.memory_space<hbm>>) dst(%arg15 : memref<80xi32, #tpu.memory_space<vmem>>)
        "tpu.region"() ({
          %run_scoped3A = tpu.sem_alloc : memref<!tpu.dma_semaphore, #tpu.memory_space<semaphore_mem>>
          %dma_start3A_116 = arith.constant 0 : i32
          %dma_start3A_117 = arith.constant 0 : i32
          %dma_start3A_118 = tpu.memref_slice %arg20[%dma_start3A_116, %dma_start3A_117] : memref<10112x128xf32, #tpu.memory_space<vmem_shared>> -> memref<10112x128xf32, #tpu.memory_space<vmem_shared>>
          tpu.enqueue_indirect_dma source(%arg18 : memref<80x128xf32, #tpu.memory_space<vmem>>) target(%dma_start3A_118 : memref<10112x128xf32, #tpu.memory_space<vmem_shared>>) offsets(%arg15 : memref<80xi32, #tpu.memory_space<vmem>>) semaphore(%run_scoped3A : memref<!tpu.dma_semaphore, #tpu.memory_space<semaphore_mem>>) {add = true}
          %dma_wait3A_119 = arith.constant 0 : i32
          %dma_wait3A_120 = arith.constant 0 : i32
          %dma_wait3A_121 = tpu.memref_slice %arg20[%dma_wait3A_119, %dma_wait3A_120] : memref<10112x128xf32, #tpu.memory_space<vmem_shared>> -> memref<10112x128xf32, #tpu.memory_space<vmem_shared>>
          tpu.wait_indirect_dma semaphore(%run_scoped3A : memref<!tpu.dma_semaphore, #tpu.memory_space<semaphore_mem>>) src(%arg18 : memref<80x128xf32, #tpu.memory_space<vmem>>) dst(%dma_wait3A_121 : memref<10112x128xf32, #tpu.memory_space<vmem_shared>>)
          tpu.yield
        }) : () -> ()
        %add3A_79 = arith.constant 3 : i32
        %add3A_80 = arith.addi %add3A_73, %add3A_79 : i32
        %lt3A_81 = arith.constant 252 : i32
        %lt3A_82 = arith.cmpi slt, %add3A_80, %lt3A_81 : i32
        %convert_element_type3A_83 = arith.extui %lt3A_82 : i1 to i32
        %cond3A_84 = arith.constant 0 : i32
        %cond3A_85 = arith.cmpi ne, %convert_element_type3A_83, %cond3A_84 : i32
        scf.if %cond3A_85 {
          %add3A_116 = arith.constant 3 : i32
          %add3A_117 = arith.addi %add3A_73, %add3A_116 : i32
          %mul3A_118 = arith.constant 80 : i32
          %mul3A_119 = arith.muli %add3A_117, %mul3A_118 : i32
          %add3A_120 = arith.addi %mul3A_9, %mul3A_119 : i32
          %multiple_of3A_121 = tpu.assume_multiple %add3A_120, 80 : i32
          %dma_start3A_122 = tpu.memref_slice %arg6[%multiple_of3A_121] : memref<322560xi32, #tpu.memory_space<hbm>> -> memref<80xi32, #tpu.memory_space<hbm>>
          %dma_start3A_123 = tpu.memref_slice %arg6[%multiple_of3A_121] : memref<322560xi32, #tpu.memory_space<hbm>> -> memref<80xi32, #tpu.memory_space<hbm>>
          tpu.enqueue_dma source(%dma_start3A_123 : memref<80xi32, #tpu.memory_space<hbm>>) target(%arg12 : memref<80xi32, #tpu.memory_space<vmem>>) target_semaphore(%arg22 : memref<!tpu.dma_semaphore, #tpu.memory_space<semaphore_mem>>)
        } else {
        }
        %add3A_86 = arith.constant 2 : i32
        %add3A_87 = arith.addi %add3A_73, %add3A_86 : i32
        %lt3A_88 = arith.constant 252 : i32
        %lt3A_89 = arith.cmpi slt, %add3A_87, %lt3A_88 : i32
        %convert_element_type3A_90 = arith.extui %lt3A_89 : i1 to i32
        %cond3A_91 = arith.constant 0 : i32
        %cond3A_92 = arith.cmpi ne, %convert_element_type3A_90, %cond3A_91 : i32
        scf.if %cond3A_92 {
          %add3A_116 = arith.constant 2 : i32
          %add3A_117 = arith.addi %add3A_73, %add3A_116 : i32
          %mul3A_118 = arith.constant 80 : i32
          %mul3A_119 = arith.muli %add3A_117, %mul3A_118 : i32
          %add3A_120 = arith.addi %mul3A_9, %mul3A_119 : i32
          %multiple_of3A_121 = tpu.assume_multiple %add3A_120, 80 : i32
          %dma_start3A_122 = tpu.memref_slice %arg7[%multiple_of3A_121] : memref<322560xi32, #tpu.memory_space<hbm>> -> memref<80xi32, #tpu.memory_space<hbm>>
          %dma_start3A_123 = tpu.memref_slice %arg7[%multiple_of3A_121] : memref<322560xi32, #tpu.memory_space<hbm>> -> memref<80xi32, #tpu.memory_space<hbm>>
          tpu.enqueue_dma source(%dma_start3A_123 : memref<80xi32, #tpu.memory_space<hbm>>) target(%arg14 : memref<80xi32, #tpu.memory_space<vmem>>) target_semaphore(%arg24 : memref<!tpu.dma_semaphore, #tpu.memory_space<semaphore_mem>>)
          %dma_wait3A_124 = tpu.memref_slice %arg6[%mul3A_9] : memref<322560xi32, #tpu.memory_space<hbm>> -> memref<80xi32, #tpu.memory_space<hbm>>
          %dma_wait3A_125 = tpu.memref_slice %arg6[%mul3A_9] : memref<322560xi32, #tpu.memory_space<hbm>> -> memref<80xi32, #tpu.memory_space<hbm>>
          tpu.wait_dma2 semaphore(%arg21 : memref<!tpu.dma_semaphore, #tpu.memory_space<semaphore_mem>>) src(%dma_wait3A_125 : memref<80xi32, #tpu.memory_space<hbm>>) dst(%arg11 : memref<80xi32, #tpu.memory_space<vmem>>)
          %dma_start3A_126 = arith.constant 0 : i32
          %dma_start3A_127 = arith.constant 0 : i32
          %dma_start3A_128 = tpu.memref_slice %arg5[%dma_start3A_126, %dma_start3A_127] : memref<10000x128xf32, #tpu.memory_space<hbm>> -> memref<10000x128xf32, #tpu.memory_space<hbm>>
          tpu.enqueue_indirect_dma source(%dma_start3A_128 : memref<10000x128xf32, #tpu.memory_space<hbm>>) target(%arg17 : memref<80x128xf32, #tpu.memory_space<vmem>>) offsets(%arg11 : memref<80xi32, #tpu.memory_space<vmem>>) semaphore(%arg27 : memref<!tpu.dma_semaphore, #tpu.memory_space<semaphore_mem>>)
        } else {
        }
        %mul3A_93 = arith.constant 3 : i32
        %mul3A_94 = arith.muli %mul3A_93, %scan3A_47 : i32
        %add3A_95 = arith.constant 2 : i32
        %add3A_96 = arith.addi %mul3A_94, %add3A_95 : i32
        %dma_wait3A_97 = arith.constant 0 : i32
        %dma_wait3A_98 = arith.constant 0 : i32
        %dma_wait3A_99 = tpu.memref_slice %arg5[%dma_wait3A_97, %dma_wait3A_98] : memref<10000x128xf32, #tpu.memory_space<hbm>> -> memref<10000x128xf32, #tpu.memory_space<hbm>>
        tpu.wait_indirect_dma semaphore(%arg29 : memref<!tpu.dma_semaphore, #tpu.memory_space<semaphore_mem>>) src(%dma_wait3A_99 : memref<10000x128xf32, #tpu.memory_space<hbm>>) dst(%arg19 : memref<80x128xf32, #tpu.memory_space<vmem>>)
        %dma_wait3A_100 = tpu.memref_slice %arg7[%mul3A_9] : memref<322560xi32, #tpu.memory_space<hbm>> -> memref<80xi32, #tpu.memory_space<hbm>>
        %dma_wait3A_101 = tpu.memref_slice %arg7[%mul3A_9] : memref<322560xi32, #tpu.memory_space<hbm>> -> memref<80xi32, #tpu.memory_space<hbm>>
        tpu.wait_dma2 semaphore(%arg26 : memref<!tpu.dma_semaphore, #tpu.memory_space<semaphore_mem>>) src(%dma_wait3A_101 : memref<80xi32, #tpu.memory_space<hbm>>) dst(%arg16 : memref<80xi32, #tpu.memory_space<vmem>>)
        "tpu.region"() ({
          %run_scoped3A = tpu.sem_alloc : memref<!tpu.dma_semaphore, #tpu.memory_space<semaphore_mem>>
          %dma_start3A_116 = arith.constant 0 : i32
          %dma_start3A_117 = arith.constant 0 : i32
          %dma_start3A_118 = tpu.memref_slice %arg20[%dma_start3A_116, %dma_start3A_117] : memref<10112x128xf32, #tpu.memory_space<vmem_shared>> -> memref<10112x128xf32, #tpu.memory_space<vmem_shared>>
          tpu.enqueue_indirect_dma source(%arg19 : memref<80x128xf32, #tpu.memory_space<vmem>>) target(%dma_start3A_118 : memref<10112x128xf32, #tpu.memory_space<vmem_shared>>) offsets(%arg16 : memref<80xi32, #tpu.memory_space<vmem>>) semaphore(%run_scoped3A : memref<!tpu.dma_semaphore, #tpu.memory_space<semaphore_mem>>) {add = true}
          %dma_wait3A_119 = arith.constant 0 : i32
          %dma_wait3A_120 = arith.constant 0 : i32
          %dma_wait3A_121 = tpu.memref_slice %arg20[%dma_wait3A_119, %dma_wait3A_120] : memref<10112x128xf32, #tpu.memory_space<vmem_shared>> -> memref<10112x128xf32, #tpu.memory_space<vmem_shared>>
          tpu.wait_indirect_dma semaphore(%run_scoped3A : memref<!tpu.dma_semaphore, #tpu.memory_space<semaphore_mem>>) src(%arg19 : memref<80x128xf32, #tpu.memory_space<vmem>>) dst(%dma_wait3A_121 : memref<10112x128xf32, #tpu.memory_space<vmem_shared>>)
          tpu.yield
        }) : () -> ()
        %add3A_102 = arith.constant 3 : i32
        %add3A_103 = arith.addi %add3A_96, %add3A_102 : i32
        %lt3A_104 = arith.constant 252 : i32
        %lt3A_105 = arith.cmpi slt, %add3A_103, %lt3A_104 : i32
        %convert_element_type3A_106 = arith.extui %lt3A_105 : i1 to i32
        %cond3A_107 = arith.constant 0 : i32
        %cond3A_108 = arith.cmpi ne, %convert_element_type3A_106, %cond3A_107 : i32
        scf.if %cond3A_108 {
          %add3A_116 = arith.constant 3 : i32
          %add3A_117 = arith.addi %add3A_96, %add3A_116 : i32
          %mul3A_118 = arith.constant 80 : i32
          %mul3A_119 = arith.muli %add3A_117, %mul3A_118 : i32
          %add3A_120 = arith.addi %mul3A_9, %mul3A_119 : i32
          %multiple_of3A_121 = tpu.assume_multiple %add3A_120, 80 : i32
          %dma_start3A_122 = tpu.memref_slice %arg6[%multiple_of3A_121] : memref<322560xi32, #tpu.memory_space<hbm>> -> memref<80xi32, #tpu.memory_space<hbm>>
          %dma_start3A_123 = tpu.memref_slice %arg6[%multiple_of3A_121] : memref<322560xi32, #tpu.memory_space<hbm>> -> memref<80xi32, #tpu.memory_space<hbm>>
          tpu.enqueue_dma source(%dma_start3A_123 : memref<80xi32, #tpu.memory_space<hbm>>) target(%arg13 : memref<80xi32, #tpu.memory_space<vmem>>) target_semaphore(%arg23 : memref<!tpu.dma_semaphore, #tpu.memory_space<semaphore_mem>>)
        } else {
        }
        %add3A_109 = arith.constant 2 : i32
        %add3A_110 = arith.addi %add3A_96, %add3A_109 : i32
        %lt3A_111 = arith.constant 252 : i32
        %lt3A_112 = arith.cmpi slt, %add3A_110, %lt3A_111 : i32
        %convert_element_type3A_113 = arith.extui %lt3A_112 : i1 to i32
        %cond3A_114 = arith.constant 0 : i32
        %cond3A_115 = arith.cmpi ne, %convert_element_type3A_113, %cond3A_114 : i32
        scf.if %cond3A_115 {
          %add3A_116 = arith.constant 2 : i32
          %add3A_117 = arith.addi %add3A_96, %add3A_116 : i32
          %mul3A_118 = arith.constant 80 : i32
          %mul3A_119 = arith.muli %add3A_117, %mul3A_118 : i32
          %add3A_120 = arith.addi %mul3A_9, %mul3A_119 : i32
          %multiple_of3A_121 = tpu.assume_multiple %add3A_120, 80 : i32
          %dma_start3A_122 = tpu.memref_slice %arg7[%multiple_of3A_121] : memref<322560xi32, #tpu.memory_space<hbm>> -> memref<80xi32, #tpu.memory_space<hbm>>
          %dma_start3A_123 = tpu.memref_slice %arg7[%multiple_of3A_121] : memref<322560xi32, #tpu.memory_space<hbm>> -> memref<80xi32, #tpu.memory_space<hbm>>
          tpu.enqueue_dma source(%dma_start3A_123 : memref<80xi32, #tpu.memory_space<hbm>>) target(%arg15 : memref<80xi32, #tpu.memory_space<vmem>>) target_semaphore(%arg25 : memref<!tpu.dma_semaphore, #tpu.memory_space<semaphore_mem>>)
          %dma_wait3A_124 = tpu.memref_slice %arg6[%mul3A_9] : memref<322560xi32, #tpu.memory_space<hbm>> -> memref<80xi32, #tpu.memory_space<hbm>>
          %dma_wait3A_125 = tpu.memref_slice %arg6[%mul3A_9] : memref<322560xi32, #tpu.memory_space<hbm>> -> memref<80xi32, #tpu.memory_space<hbm>>
          tpu.wait_dma2 semaphore(%arg22 : memref<!tpu.dma_semaphore, #tpu.memory_space<semaphore_mem>>) src(%dma_wait3A_125 : memref<80xi32, #tpu.memory_space<hbm>>) dst(%arg12 : memref<80xi32, #tpu.memory_space<vmem>>)
          %dma_start3A_126 = arith.constant 0 : i32
          %dma_start3A_127 = arith.constant 0 : i32
          %dma_start3A_128 = tpu.memref_slice %arg5[%dma_start3A_126, %dma_start3A_127] : memref<10000x128xf32, #tpu.memory_space<hbm>> -> memref<10000x128xf32, #tpu.memory_space<hbm>>
          tpu.enqueue_indirect_dma source(%dma_start3A_128 : memref<10000x128xf32, #tpu.memory_space<hbm>>) target(%arg18 : memref<80x128xf32, #tpu.memory_space<vmem>>) offsets(%arg12 : memref<80xi32, #tpu.memory_space<vmem>>) semaphore(%arg28 : memref<!tpu.dma_semaphore, #tpu.memory_space<semaphore_mem>>)
        } else {
        }
      }
      %scan3A_45 = arith.constant 84 : i32
      %barrier3A_46 = arith.constant 0 : index
      tpu.barrier barrier_id(%barrier3A_46)
      "tpu.region"() ({
        %run_scoped3A = tpu.sem_alloc : memref<!tpu.dma_semaphore, #tpu.memory_space<semaphore_mem>>
        %dma_start3A_47 = arith.constant 0 : i32
        %dma_start3A_48 = tpu.memref_slice %arg10[%mul3A_7, %dma_start3A_47] : memref<10112x128xf32, #tpu.memory_space<hbm>> -> memref<632x128xf32, #tpu.memory_space<hbm>>
        %dma_start3A_49 = arith.constant 0 : i32
        %dma_start3A_50 = tpu.memref_slice %arg20[%mul3A_7, %dma_start3A_49] : memref<10112x128xf32, #tpu.memory_space<vmem_shared>> -> memref<632x128xf32, #tpu.memory_space<vmem_shared>>
        tpu.enqueue_dma source(%dma_start3A_50 : memref<632x128xf32, #tpu.memory_space<vmem_shared>>) target(%dma_start3A_48 : memref<632x128xf32, #tpu.memory_space<hbm>>) target_semaphore(%run_scoped3A : memref<!tpu.dma_semaphore, #tpu.memory_space<semaphore_mem>>)
        %dma_wait3A_51 = arith.constant 0 : i32
        %dma_wait3A_52 = tpu.memref_slice %arg10[%mul3A_7, %dma_wait3A_51] : memref<10112x128xf32, #tpu.memory_space<hbm>> -> memref<632x128xf32, #tpu.memory_space<hbm>>
        %dma_wait3A_53 = arith.constant 0 : i32
        %dma_wait3A_54 = tpu.memref_slice %arg20[%mul3A_7, %dma_wait3A_53] : memref<10112x128xf32, #tpu.memory_space<vmem_shared>> -> memref<632x128xf32, #tpu.memory_space<vmem_shared>>
        tpu.wait_dma2 semaphore(%run_scoped3A : memref<!tpu.dma_semaphore, #tpu.memory_space<semaphore_mem>>) src(%dma_wait3A_54 : memref<632x128xf32, #tpu.memory_space<vmem_shared>>) dst(%dma_wait3A_52 : memref<632x128xf32, #tpu.memory_space<hbm>>)
        tpu.yield
      }) : () -> ()
    } else {
    }
    return
  }
}

#map = affine_map<(d0, d1) -> (0, 0)>
#map1 = affine_map<(d0, d1) -> (0)>
module attributes {stable_mosaic.version = 14 : i64} {
  func.func @_spmm_body(%arg0: i32, %arg1: i32, %arg2: memref<10000x128xf32, #tpu.memory_space<hbm>>, %arg3: memref<322560xi32, #tpu.memory_space<hbm>>, %arg4: memref<322560xi32, #tpu.memory_space<hbm>>, %arg5: memref<10000x128xf32, #tpu.memory_space<hbm>>, %arg6: memref<322560xi32, #tpu.memory_space<hbm>>, %arg7: memref<322560xi32, #tpu.memory_space<hbm>>, %arg8: memref<10112x128xf32, #tpu.memory_space<hbm>>, %arg9: memref<10112x128xf32, #tpu.memory_space<hbm>>, %arg10: memref<10112x128xf32, #tpu.memory_space<hbm>>, %arg11: memref<80xi32, #tpu.memory_space<vmem>>, %arg12: memref<80xi32, #tpu.memory_space<vmem>>, %arg13: memref<80xi32, #tpu.memory_space<vmem>>, %arg14: memref<80xi32, #tpu.memory_space<vmem>>, %arg15: memref<80xi32, #tpu.memory_space<vmem>>, %arg16: memref<80xi32, #tpu.memory_space<vmem>>, %arg17: memref<80x128xf32, #tpu.memory_space<vmem>>, %arg18: memref<80x128xf32, #tpu.memory_space<vmem>>, %arg19: memref<80x128xf32, #tpu.memory_space<vmem>>, %arg20: memref<10112x128xf32, #tpu.memory_space<vmem_shared>>, %arg21: memref<!tpu.dma_semaphore, #tpu.memory_space<semaphore_mem>>, %arg22: memref<!tpu.dma_semaphore, #tpu.memory_space<semaphore_mem>>, %arg23: memref<!tpu.dma_semaphore, #tpu.memory_space<semaphore_mem>>, %arg24: memref<!tpu.dma_semaphore, #tpu.memory_space<semaphore_mem>>, %arg25: memref<!tpu.dma_semaphore, #tpu.memory_space<semaphore_mem>>, %arg26: memref<!tpu.dma_semaphore, #tpu.memory_space<semaphore_mem>>, %arg27: memref<!tpu.dma_semaphore, #tpu.memory_space<semaphore_mem>>, %arg28: memref<!tpu.dma_semaphore, #tpu.memory_space<semaphore_mem>>, %arg29: memref<!tpu.dma_semaphore, #tpu.memory_space<semaphore_mem>>, %arg30: memref<!tpu.dma_semaphore, #tpu.memory_space<semaphore_mem>>, %arg31: memref<!tpu.dma_semaphore, #tpu.memory_space<semaphore_mem>>, %arg32: memref<!tpu.dma_semaphore, #tpu.memory_space<semaphore_mem>>) attributes {dimension_semantics = [#tpu.dimension_semantics<core_parallel>, #tpu.dimension_semantics<subcore_parallel>], iteration_bounds = array<i64: 2, 16>, scalar_prefetch = 0 : i64, scratch_operands = 22 : i64, tpu.core_type = #tpu.core_type<sc_vector_subcore>, window_params = [{transform_indices = #map}, {transform_indices = #map1}, {transform_indices = #map1}, {transform_indices = #map}, {transform_indices = #map1}, {transform_indices = #map1}, {transform_indices = #map}, {transform_indices = #map}, {transform_indices = #map}]} {
    %eq3A = arith.constant 0 : i32
    %eq3A_0 = arith.cmpi eq, %arg0, %eq3A : i32
    %convert_element_type3A = arith.extui %eq3A_0 : i1 to i32
    %cond3A = arith.constant 0 : i32
    %cond3A_1 = arith.cmpi ne, %convert_element_type3A, %cond3A : i32
    scf.if %cond3A_1 {
      %mul3A = arith.constant 632 : i32
      %mul3A_7 = arith.muli %arg1, %mul3A : i32
      "tpu.region"() ({
        %run_scoped3A = tpu.sem_alloc : memref<!tpu.dma_semaphore, #tpu.memory_space<semaphore_mem>>
        %dma_start3A_47 = arith.constant 0 : i32
        %dma_start3A_48 = tpu.memref_slice %arg20[%mul3A_7, %dma_start3A_47] : memref<10112x128xf32, #tpu.memory_space<vmem_shared>> -> memref<632x128xf32, #tpu.memory_space<vmem_shared>>
        %dma_start3A_49 = arith.constant 0 : i32
        %dma_start3A_50 = tpu.memref_slice %arg8[%mul3A_7, %dma_start3A_49] : memref<10112x128xf32, #tpu.memory_space<hbm>> -> memref<632x128xf32, #tpu.memory_space<hbm>>
        tpu.enqueue_dma source(%dma_start3A_50 : memref<632x128xf32, #tpu.memory_space<hbm>>) target(%dma_start3A_48 : memref<632x128xf32, #tpu.memory_space<vmem_shared>>) target_semaphore(%run_scoped3A : memref<!tpu.dma_semaphore, #tpu.memory_space<semaphore_mem>>)
        %dma_wait3A_51 = arith.constant 0 : i32
        %dma_wait3A_52 = tpu.memref_slice %arg20[%mul3A_7, %dma_wait3A_51] : memref<10112x128xf32, #tpu.memory_space<vmem_shared>> -> memref<632x128xf32, #tpu.memory_space<vmem_shared>>
        %dma_wait3A_53 = arith.constant 0 : i32
        %dma_wait3A_54 = tpu.memref_slice %arg8[%mul3A_7, %dma_wait3A_53] : memref<10112x128xf32, #tpu.memory_space<hbm>> -> memref<632x128xf32, #tpu.memory_space<hbm>>
        tpu.wait_dma2 semaphore(%run_scoped3A : memref<!tpu.dma_semaphore, #tpu.memory_space<semaphore_mem>>) src(%dma_wait3A_54 : memref<632x128xf32, #tpu.memory_space<hbm>>) dst(%dma_wait3A_52 : memref<632x128xf32, #tpu.memory_space<vmem_shared>>)
        tpu.yield
      }) : () -> ()
      %barrier3A = arith.constant 0 : index
      tpu.barrier barrier_id(%barrier3A)
      %mul3A_8 = arith.constant 20160 : i32
      %mul3A_9 = arith.muli %arg1, %mul3A_8 : i32
      %add3A = arith.constant 0 : i32
      %add3A_10 = arith.addi %mul3A_9, %add3A : i32
      %multiple_of3A = tpu.assume_multiple %add3A_10, 80 : i32
      %dma_start3A = tpu.memref_slice %arg3[%multiple_of3A] : memref<322560xi32, #tpu.memory_space<hbm>> -> memref<80xi32, #tpu.memory_space<hbm>>
      %dma_start3A_11 = tpu.memref_slice %arg3[%multiple_of3A] : memref<322560xi32, #tpu.memory_space<hbm>> -> memref<80xi32, #tpu.memory_space<hbm>>
      tpu.enqueue_dma source(%dma_start3A_11 : memref<80xi32, #tpu.memory_space<hbm>>) target(%arg11 : memref<80xi32, #tpu.memory_space<vmem>>) target_semaphore(%arg21 : memref<!tpu.dma_semaphore, #tpu.memory_space<semaphore_mem>>)
      %add3A_12 = arith.constant 80 : i32
      %add3A_13 = arith.addi %mul3A_9, %add3A_12 : i32
      %multiple_of3A_14 = tpu.assume_multiple %add3A_13, 80 : i32
      %dma_start3A_15 = tpu.memref_slice %arg3[%multiple_of3A_14] : memref<322560xi32, #tpu.memory_space<hbm>> -> memref<80xi32, #tpu.memory_space<hbm>>
      %dma_start3A_16 = tpu.memref_slice %arg3[%multiple_of3A_14] : memref<322560xi32, #tpu.memory_space<hbm>> -> memref<80xi32, #tpu.memory_space<hbm>>
      tpu.enqueue_dma source(%dma_start3A_16 : memref<80xi32, #tpu.memory_space<hbm>>) target(%arg12 : memref<80xi32, #tpu.memory_space<vmem>>) target_semaphore(%arg22 : memref<!tpu.dma_semaphore, #tpu.memory_space<semaphore_mem>>)
      %add3A_17 = arith.constant 160 : i32
      %add3A_18 = arith.addi %mul3A_9, %add3A_17 : i32
      %multiple_of3A_19 = tpu.assume_multiple %add3A_18, 80 : i32
      %dma_start3A_20 = tpu.memref_slice %arg3[%multiple_of3A_19] : memref<322560xi32, #tpu.memory_space<hbm>> -> memref<80xi32, #tpu.memory_space<hbm>>
      %dma_start3A_21 = tpu.memref_slice %arg3[%multiple_of3A_19] : memref<322560xi32, #tpu.memory_space<hbm>> -> memref<80xi32, #tpu.memory_space<hbm>>
      tpu.enqueue_dma source(%dma_start3A_21 : memref<80xi32, #tpu.memory_space<hbm>>) target(%arg13 : memref<80xi32, #tpu.memory_space<vmem>>) target_semaphore(%arg23 : memref<!tpu.dma_semaphore, #tpu.memory_space<semaphore_mem>>)
      %add3A_22 = arith.constant 0 : i32
      %add3A_23 = arith.addi %mul3A_9, %add3A_22 : i32
      %multiple_of3A_24 = tpu.assume_multiple %add3A_23, 80 : i32
      %dma_start3A_25 = tpu.memref_slice %arg4[%multiple_of3A_24] : memref<322560xi32, #tpu.memory_space<hbm>> -> memref<80xi32, #tpu.memory_space<hbm>>
      %dma_start3A_26 = tpu.memref_slice %arg4[%multiple_of3A_24] : memref<322560xi32, #tpu.memory_space<hbm>> -> memref<80xi32, #tpu.memory_space<hbm>>
      tpu.enqueue_dma source(%dma_start3A_26 : memref<80xi32, #tpu.memory_space<hbm>>) target(%arg14 : memref<80xi32, #tpu.memory_space<vmem>>) target_semaphore(%arg24 : memref<!tpu.dma_semaphore, #tpu.memory_space<semaphore_mem>>)
      %add3A_27 = arith.constant 80 : i32
      %add3A_28 = arith.addi %mul3A_9, %add3A_27 : i32
      %multiple_of3A_29 = tpu.assume_multiple %add3A_28, 80 : i32
      %dma_start3A_30 = tpu.memref_slice %arg4[%multiple_of3A_29] : memref<322560xi32, #tpu.memory_space<hbm>> -> memref<80xi32, #tpu.memory_space<hbm>>
      %dma_start3A_31 = tpu.memref_slice %arg4[%multiple_of3A_29] : memref<322560xi32, #tpu.memory_space<hbm>> -> memref<80xi32, #tpu.memory_space<hbm>>
      tpu.enqueue_dma source(%dma_start3A_31 : memref<80xi32, #tpu.memory_space<hbm>>) target(%arg15 : memref<80xi32, #tpu.memory_space<vmem>>) target_semaphore(%arg25 : memref<!tpu.dma_semaphore, #tpu.memory_space<semaphore_mem>>)
      %dma_wait3A = tpu.memref_slice %arg3[%mul3A_9] : memref<322560xi32, #tpu.memory_space<hbm>> -> memref<80xi32, #tpu.memory_space<hbm>>
      %dma_wait3A_32 = tpu.memref_slice %arg3[%mul3A_9] : memref<322560xi32, #tpu.memory_space<hbm>> -> memref<80xi32, #tpu.memory_space<hbm>>
      tpu.wait_dma2 semaphore(%arg21 : memref<!tpu.dma_semaphore, #tpu.memory_space<semaphore_mem>>) src(%dma_wait3A_32 : memref<80xi32, #tpu.memory_space<hbm>>) dst(%arg11 : memref<80xi32, #tpu.memory_space<vmem>>)
      %dma_start3A_33 = arith.constant 0 : i32
      %dma_start3A_34 = arith.constant 0 : i32
      %dma_start3A_35 = tpu.memref_slice %arg2[%dma_start3A_33, %dma_start3A_34] : memref<10000x128xf32, #tpu.memory_space<hbm>> -> memref<10000x128xf32, #tpu.memory_space<hbm>>
      tpu.enqueue_indirect_dma source(%dma_start3A_35 : memref<10000x128xf32, #tpu.memory_space<hbm>>) target(%arg17 : memref<80x128xf32, #tpu.memory_space<vmem>>) offsets(%arg11 : memref<80xi32, #tpu.memory_space<vmem>>) semaphore(%arg27 : memref<!tpu.dma_semaphore, #tpu.memory_space<semaphore_mem>>)
      %dma_wait3A_36 = tpu.memref_slice %arg3[%mul3A_9] : memref<322560xi32, #tpu.memory_space<hbm>> -> memref<80xi32, #tpu.memory_space<hbm>>
      %dma_wait3A_37 = tpu.memref_slice %arg3[%mul3A_9] : memref<322560xi32, #tpu.memory_space<hbm>> -> memref<80xi32, #tpu.memory_space<hbm>>
      tpu.wait_dma2 semaphore(%arg22 : memref<!tpu.dma_semaphore, #tpu.memory_space<semaphore_mem>>) src(%dma_wait3A_37 : memref<80xi32, #tpu.memory_space<hbm>>) dst(%arg12 : memref<80xi32, #tpu.memory_space<vmem>>)
      %dma_start3A_38 = arith.constant 0 : i32
      %dma_start3A_39 = arith.constant 0 : i32
      %dma_start3A_40 = tpu.memref_slice %arg2[%dma_start3A_38, %dma_start3A_39] : memref<10000x128xf32, #tpu.memory_space<hbm>> -> memref<10000x128xf32, #tpu.memory_space<hbm>>
      tpu.enqueue_indirect_dma source(%dma_start3A_40 : memref<10000x128xf32, #tpu.memory_space<hbm>>) target(%arg18 : memref<80x128xf32, #tpu.memory_space<vmem>>) offsets(%arg12 : memref<80xi32, #tpu.memory_space<vmem>>) semaphore(%arg28 : memref<!tpu.dma_semaphore, #tpu.memory_space<semaphore_mem>>)
      %scan3A = arith.constant 0 : i32
      %scan3A_41 = arith.constant 0 : i32
      %scan3A_42 = arith.constant 84 : i32
      %scan3A_43 = arith.addi %scan3A_41, %scan3A_42 : i32
      %scan3A_44 = arith.constant 1 : i32
      scf.for %scan3A_47 = %scan3A_41 to %scan3A_43 step %scan3A_44  : i32 {
        %mul3A_48 = arith.constant 3 : i32
        %mul3A_49 = arith.muli %mul3A_48, %scan3A_47 : i32
        %add3A_50 = arith.constant 0 : i32
        %add3A_51 = arith.addi %mul3A_49, %add3A_50 : i32
        %dma_wait3A_52 = arith.constant 0 : i32
        %dma_wait3A_53 = arith.constant 0 : i32
        %dma_wait3A_54 = tpu.memref_slice %arg2[%dma_wait3A_52, %dma_wait3A_53] : memref<10000x128xf32, #tpu.memory_space<hbm>> -> memref<10000x128xf32, #tpu.memory_space<hbm>>
        tpu.wait_indirect_dma semaphore(%arg27 : memref<!tpu.dma_semaphore, #tpu.memory_space<semaphore_mem>>) src(%dma_wait3A_54 : memref<10000x128xf32, #tpu.memory_space<hbm>>) dst(%arg17 : memref<80x128xf32, #tpu.memory_space<vmem>>)
        %dma_wait3A_55 = tpu.memref_slice %arg4[%mul3A_9] : memref<322560xi32, #tpu.memory_space<hbm>> -> memref<80xi32, #tpu.memory_space<hbm>>
        %dma_wait3A_56 = tpu.memref_slice %arg4[%mul3A_9] : memref<322560xi32, #tpu.memory_space<hbm>> -> memref<80xi32, #tpu.memory_space<hbm>>
        tpu.wait_dma2 semaphore(%arg24 : memref<!tpu.dma_semaphore, #tpu.memory_space<semaphore_mem>>) src(%dma_wait3A_56 : memref<80xi32, #tpu.memory_space<hbm>>) dst(%arg14 : memref<80xi32, #tpu.memory_space<vmem>>)
        "tpu.region"() ({
          %run_scoped3A = tpu.sem_alloc : memref<!tpu.dma_semaphore, #tpu.memory_space<semaphore_mem>>
          %dma_start3A_116 = arith.constant 0 : i32
          %dma_start3A_117 = arith.constant 0 : i32
          %dma_start3A_118 = tpu.memref_slice %arg20[%dma_start3A_116, %dma_start3A_117] : memref<10112x128xf32, #tpu.memory_space<vmem_shared>> -> memref<10112x128xf32, #tpu.memory_space<vmem_shared>>
          tpu.enqueue_indirect_dma source(%arg17 : memref<80x128xf32, #tpu.memory_space<vmem>>) target(%dma_start3A_118 : memref<10112x128xf32, #tpu.memory_space<vmem_shared>>) offsets(%arg14 : memref<80xi32, #tpu.memory_space<vmem>>) semaphore(%run_scoped3A : memref<!tpu.dma_semaphore, #tpu.memory_space<semaphore_mem>>) {add = true}
          %dma_wait3A_119 = arith.constant 0 : i32
          %dma_wait3A_120 = arith.constant 0 : i32
          %dma_wait3A_121 = tpu.memref_slice %arg20[%dma_wait3A_119, %dma_wait3A_120] : memref<10112x128xf32, #tpu.memory_space<vmem_shared>> -> memref<10112x128xf32, #tpu.memory_space<vmem_shared>>
          tpu.wait_indirect_dma semaphore(%run_scoped3A : memref<!tpu.dma_semaphore, #tpu.memory_space<semaphore_mem>>) src(%arg17 : memref<80x128xf32, #tpu.memory_space<vmem>>) dst(%dma_wait3A_121 : memref<10112x128xf32, #tpu.memory_space<vmem_shared>>)
          tpu.yield
        }) : () -> ()
        %add3A_57 = arith.constant 3 : i32
        %add3A_58 = arith.addi %add3A_51, %add3A_57 : i32
        %lt3A = arith.constant 252 : i32
        %lt3A_59 = arith.cmpi slt, %add3A_58, %lt3A : i32
        %convert_element_type3A_60 = arith.extui %lt3A_59 : i1 to i32
        %cond3A_61 = arith.constant 0 : i32
        %cond3A_62 = arith.cmpi ne, %convert_element_type3A_60, %cond3A_61 : i32
        scf.if %cond3A_62 {
          %add3A_116 = arith.constant 3 : i32
          %add3A_117 = arith.addi %add3A_51, %add3A_116 : i32
          %mul3A_118 = arith.constant 80 : i32
          %mul3A_119 = arith.muli %add3A_117, %mul3A_118 : i32
          %add3A_120 = arith.addi %mul3A_9, %mul3A_119 : i32
          %multiple_of3A_121 = tpu.assume_multiple %add3A_120, 80 : i32
          %dma_start3A_122 = tpu.memref_slice %arg3[%multiple_of3A_121] : memref<322560xi32, #tpu.memory_space<hbm>> -> memref<80xi32, #tpu.memory_space<hbm>>
          %dma_start3A_123 = tpu.memref_slice %arg3[%multiple_of3A_121] : memref<322560xi32, #tpu.memory_space<hbm>> -> memref<80xi32, #tpu.memory_space<hbm>>
          tpu.enqueue_dma source(%dma_start3A_123 : memref<80xi32, #tpu.memory_space<hbm>>) target(%arg11 : memref<80xi32, #tpu.memory_space<vmem>>) target_semaphore(%arg21 : memref<!tpu.dma_semaphore, #tpu.memory_space<semaphore_mem>>)
        } else {
        }
        %add3A_63 = arith.constant 2 : i32
        %add3A_64 = arith.addi %add3A_51, %add3A_63 : i32
        %lt3A_65 = arith.constant 252 : i32
        %lt3A_66 = arith.cmpi slt, %add3A_64, %lt3A_65 : i32
        %convert_element_type3A_67 = arith.extui %lt3A_66 : i1 to i32
        %cond3A_68 = arith.constant 0 : i32
        %cond3A_69 = arith.cmpi ne, %convert_element_type3A_67, %cond3A_68 : i32
        scf.if %cond3A_69 {
          %add3A_116 = arith.constant 2 : i32
          %add3A_117 = arith.addi %add3A_51, %add3A_116 : i32
          %mul3A_118 = arith.constant 80 : i32
          %mul3A_119 = arith.muli %add3A_117, %mul3A_118 : i32
          %add3A_120 = arith.addi %mul3A_9, %mul3A_119 : i32
          %multiple_of3A_121 = tpu.assume_multiple %add3A_120, 80 : i32
          %dma_start3A_122 = tpu.memref_slice %arg4[%multiple_of3A_121] : memref<322560xi32, #tpu.memory_space<hbm>> -> memref<80xi32, #tpu.memory_space<hbm>>
          %dma_start3A_123 = tpu.memref_slice %arg4[%multiple_of3A_121] : memref<322560xi32, #tpu.memory_space<hbm>> -> memref<80xi32, #tpu.memory_space<hbm>>
          tpu.enqueue_dma source(%dma_start3A_123 : memref<80xi32, #tpu.memory_space<hbm>>) target(%arg16 : memref<80xi32, #tpu.memory_space<vmem>>) target_semaphore(%arg26 : memref<!tpu.dma_semaphore, #tpu.memory_space<semaphore_mem>>)
          %dma_wait3A_124 = tpu.memref_slice %arg3[%mul3A_9] : memref<322560xi32, #tpu.memory_space<hbm>> -> memref<80xi32, #tpu.memory_space<hbm>>
          %dma_wait3A_125 = tpu.memref_slice %arg3[%mul3A_9] : memref<322560xi32, #tpu.memory_space<hbm>> -> memref<80xi32, #tpu.memory_space<hbm>>
          tpu.wait_dma2 semaphore(%arg23 : memref<!tpu.dma_semaphore, #tpu.memory_space<semaphore_mem>>) src(%dma_wait3A_125 : memref<80xi32, #tpu.memory_space<hbm>>) dst(%arg13 : memref<80xi32, #tpu.memory_space<vmem>>)
          %dma_start3A_126 = arith.constant 0 : i32
          %dma_start3A_127 = arith.constant 0 : i32
          %dma_start3A_128 = tpu.memref_slice %arg2[%dma_start3A_126, %dma_start3A_127] : memref<10000x128xf32, #tpu.memory_space<hbm>> -> memref<10000x128xf32, #tpu.memory_space<hbm>>
          tpu.enqueue_indirect_dma source(%dma_start3A_128 : memref<10000x128xf32, #tpu.memory_space<hbm>>) target(%arg19 : memref<80x128xf32, #tpu.memory_space<vmem>>) offsets(%arg13 : memref<80xi32, #tpu.memory_space<vmem>>) semaphore(%arg29 : memref<!tpu.dma_semaphore, #tpu.memory_space<semaphore_mem>>)
        } else {
        }
        %mul3A_70 = arith.constant 3 : i32
        %mul3A_71 = arith.muli %mul3A_70, %scan3A_47 : i32
        %add3A_72 = arith.constant 1 : i32
        %add3A_73 = arith.addi %mul3A_71, %add3A_72 : i32
        %dma_wait3A_74 = arith.constant 0 : i32
        %dma_wait3A_75 = arith.constant 0 : i32
        %dma_wait3A_76 = tpu.memref_slice %arg2[%dma_wait3A_74, %dma_wait3A_75] : memref<10000x128xf32, #tpu.memory_space<hbm>> -> memref<10000x128xf32, #tpu.memory_space<hbm>>
        tpu.wait_indirect_dma semaphore(%arg28 : memref<!tpu.dma_semaphore, #tpu.memory_space<semaphore_mem>>) src(%dma_wait3A_76 : memref<10000x128xf32, #tpu.memory_space<hbm>>) dst(%arg18 : memref<80x128xf32, #tpu.memory_space<vmem>>)
        %dma_wait3A_77 = tpu.memref_slice %arg4[%mul3A_9] : memref<322560xi32, #tpu.memory_space<hbm>> -> memref<80xi32, #tpu.memory_space<hbm>>
        %dma_wait3A_78 = tpu.memref_slice %arg4[%mul3A_9] : memref<322560xi32, #tpu.memory_space<hbm>> -> memref<80xi32, #tpu.memory_space<hbm>>
        tpu.wait_dma2 semaphore(%arg25 : memref<!tpu.dma_semaphore, #tpu.memory_space<semaphore_mem>>) src(%dma_wait3A_78 : memref<80xi32, #tpu.memory_space<hbm>>) dst(%arg15 : memref<80xi32, #tpu.memory_space<vmem>>)
        "tpu.region"() ({
          %run_scoped3A = tpu.sem_alloc : memref<!tpu.dma_semaphore, #tpu.memory_space<semaphore_mem>>
          %dma_start3A_116 = arith.constant 0 : i32
          %dma_start3A_117 = arith.constant 0 : i32
          %dma_start3A_118 = tpu.memref_slice %arg20[%dma_start3A_116, %dma_start3A_117] : memref<10112x128xf32, #tpu.memory_space<vmem_shared>> -> memref<10112x128xf32, #tpu.memory_space<vmem_shared>>
          tpu.enqueue_indirect_dma source(%arg18 : memref<80x128xf32, #tpu.memory_space<vmem>>) target(%dma_start3A_118 : memref<10112x128xf32, #tpu.memory_space<vmem_shared>>) offsets(%arg15 : memref<80xi32, #tpu.memory_space<vmem>>) semaphore(%run_scoped3A : memref<!tpu.dma_semaphore, #tpu.memory_space<semaphore_mem>>) {add = true}
          %dma_wait3A_119 = arith.constant 0 : i32
          %dma_wait3A_120 = arith.constant 0 : i32
          %dma_wait3A_121 = tpu.memref_slice %arg20[%dma_wait3A_119, %dma_wait3A_120] : memref<10112x128xf32, #tpu.memory_space<vmem_shared>> -> memref<10112x128xf32, #tpu.memory_space<vmem_shared>>
          tpu.wait_indirect_dma semaphore(%run_scoped3A : memref<!tpu.dma_semaphore, #tpu.memory_space<semaphore_mem>>) src(%arg18 : memref<80x128xf32, #tpu.memory_space<vmem>>) dst(%dma_wait3A_121 : memref<10112x128xf32, #tpu.memory_space<vmem_shared>>)
          tpu.yield
        }) : () -> ()
        %add3A_79 = arith.constant 3 : i32
        %add3A_80 = arith.addi %add3A_73, %add3A_79 : i32
        %lt3A_81 = arith.constant 252 : i32
        %lt3A_82 = arith.cmpi slt, %add3A_80, %lt3A_81 : i32
        %convert_element_type3A_83 = arith.extui %lt3A_82 : i1 to i32
        %cond3A_84 = arith.constant 0 : i32
        %cond3A_85 = arith.cmpi ne, %convert_element_type3A_83, %cond3A_84 : i32
        scf.if %cond3A_85 {
          %add3A_116 = arith.constant 3 : i32
          %add3A_117 = arith.addi %add3A_73, %add3A_116 : i32
          %mul3A_118 = arith.constant 80 : i32
          %mul3A_119 = arith.muli %add3A_117, %mul3A_118 : i32
          %add3A_120 = arith.addi %mul3A_9, %mul3A_119 : i32
          %multiple_of3A_121 = tpu.assume_multiple %add3A_120, 80 : i32
          %dma_start3A_122 = tpu.memref_slice %arg3[%multiple_of3A_121] : memref<322560xi32, #tpu.memory_space<hbm>> -> memref<80xi32, #tpu.memory_space<hbm>>
          %dma_start3A_123 = tpu.memref_slice %arg3[%multiple_of3A_121] : memref<322560xi32, #tpu.memory_space<hbm>> -> memref<80xi32, #tpu.memory_space<hbm>>
          tpu.enqueue_dma source(%dma_start3A_123 : memref<80xi32, #tpu.memory_space<hbm>>) target(%arg12 : memref<80xi32, #tpu.memory_space<vmem>>) target_semaphore(%arg22 : memref<!tpu.dma_semaphore, #tpu.memory_space<semaphore_mem>>)
        } else {
        }
        %add3A_86 = arith.constant 2 : i32
        %add3A_87 = arith.addi %add3A_73, %add3A_86 : i32
        %lt3A_88 = arith.constant 252 : i32
        %lt3A_89 = arith.cmpi slt, %add3A_87, %lt3A_88 : i32
        %convert_element_type3A_90 = arith.extui %lt3A_89 : i1 to i32
        %cond3A_91 = arith.constant 0 : i32
        %cond3A_92 = arith.cmpi ne, %convert_element_type3A_90, %cond3A_91 : i32
        scf.if %cond3A_92 {
          %add3A_116 = arith.constant 2 : i32
          %add3A_117 = arith.addi %add3A_73, %add3A_116 : i32
          %mul3A_118 = arith.constant 80 : i32
          %mul3A_119 = arith.muli %add3A_117, %mul3A_118 : i32
          %add3A_120 = arith.addi %mul3A_9, %mul3A_119 : i32
          %multiple_of3A_121 = tpu.assume_multiple %add3A_120, 80 : i32
          %dma_start3A_122 = tpu.memref_slice %arg4[%multiple_of3A_121] : memref<322560xi32, #tpu.memory_space<hbm>> -> memref<80xi32, #tpu.memory_space<hbm>>
          %dma_start3A_123 = tpu.memref_slice %arg4[%multiple_of3A_121] : memref<322560xi32, #tpu.memory_space<hbm>> -> memref<80xi32, #tpu.memory_space<hbm>>
          tpu.enqueue_dma source(%dma_start3A_123 : memref<80xi32, #tpu.memory_space<hbm>>) target(%arg14 : memref<80xi32, #tpu.memory_space<vmem>>) target_semaphore(%arg24 : memref<!tpu.dma_semaphore, #tpu.memory_space<semaphore_mem>>)
          %dma_wait3A_124 = tpu.memref_slice %arg3[%mul3A_9] : memref<322560xi32, #tpu.memory_space<hbm>> -> memref<80xi32, #tpu.memory_space<hbm>>
          %dma_wait3A_125 = tpu.memref_slice %arg3[%mul3A_9] : memref<322560xi32, #tpu.memory_space<hbm>> -> memref<80xi32, #tpu.memory_space<hbm>>
          tpu.wait_dma2 semaphore(%arg21 : memref<!tpu.dma_semaphore, #tpu.memory_space<semaphore_mem>>) src(%dma_wait3A_125 : memref<80xi32, #tpu.memory_space<hbm>>) dst(%arg11 : memref<80xi32, #tpu.memory_space<vmem>>)
          %dma_start3A_126 = arith.constant 0 : i32
          %dma_start3A_127 = arith.constant 0 : i32
          %dma_start3A_128 = tpu.memref_slice %arg2[%dma_start3A_126, %dma_start3A_127] : memref<10000x128xf32, #tpu.memory_space<hbm>> -> memref<10000x128xf32, #tpu.memory_space<hbm>>
          tpu.enqueue_indirect_dma source(%dma_start3A_128 : memref<10000x128xf32, #tpu.memory_space<hbm>>) target(%arg17 : memref<80x128xf32, #tpu.memory_space<vmem>>) offsets(%arg11 : memref<80xi32, #tpu.memory_space<vmem>>) semaphore(%arg27 : memref<!tpu.dma_semaphore, #tpu.memory_space<semaphore_mem>>)
        } else {
        }
        %mul3A_93 = arith.constant 3 : i32
        %mul3A_94 = arith.muli %mul3A_93, %scan3A_47 : i32
        %add3A_95 = arith.constant 2 : i32
        %add3A_96 = arith.addi %mul3A_94, %add3A_95 : i32
        %dma_wait3A_97 = arith.constant 0 : i32
        %dma_wait3A_98 = arith.constant 0 : i32
        %dma_wait3A_99 = tpu.memref_slice %arg2[%dma_wait3A_97, %dma_wait3A_98] : memref<10000x128xf32, #tpu.memory_space<hbm>> -> memref<10000x128xf32, #tpu.memory_space<hbm>>
        tpu.wait_indirect_dma semaphore(%arg29 : memref<!tpu.dma_semaphore, #tpu.memory_space<semaphore_mem>>) src(%dma_wait3A_99 : memref<10000x128xf32, #tpu.memory_space<hbm>>) dst(%arg19 : memref<80x128xf32, #tpu.memory_space<vmem>>)
        %dma_wait3A_100 = tpu.memref_slice %arg4[%mul3A_9] : memref<322560xi32, #tpu.memory_space<hbm>> -> memref<80xi32, #tpu.memory_space<hbm>>
        %dma_wait3A_101 = tpu.memref_slice %arg4[%mul3A_9] : memref<322560xi32, #tpu.memory_space<hbm>> -> memref<80xi32, #tpu.memory_space<hbm>>
        tpu.wait_dma2 semaphore(%arg26 : memref<!tpu.dma_semaphore, #tpu.memory_space<semaphore_mem>>) src(%dma_wait3A_101 : memref<80xi32, #tpu.memory_space<hbm>>) dst(%arg16 : memref<80xi32, #tpu.memory_space<vmem>>)
        "tpu.region"() ({
          %run_scoped3A = tpu.sem_alloc : memref<!tpu.dma_semaphore, #tpu.memory_space<semaphore_mem>>
          %dma_start3A_116 = arith.constant 0 : i32
          %dma_start3A_117 = arith.constant 0 : i32
          %dma_start3A_118 = tpu.memref_slice %arg20[%dma_start3A_116, %dma_start3A_117] : memref<10112x128xf32, #tpu.memory_space<vmem_shared>> -> memref<10112x128xf32, #tpu.memory_space<vmem_shared>>
          tpu.enqueue_indirect_dma source(%arg19 : memref<80x128xf32, #tpu.memory_space<vmem>>) target(%dma_start3A_118 : memref<10112x128xf32, #tpu.memory_space<vmem_shared>>) offsets(%arg16 : memref<80xi32, #tpu.memory_space<vmem>>) semaphore(%run_scoped3A : memref<!tpu.dma_semaphore, #tpu.memory_space<semaphore_mem>>) {add = true}
          %dma_wait3A_119 = arith.constant 0 : i32
          %dma_wait3A_120 = arith.constant 0 : i32
          %dma_wait3A_121 = tpu.memref_slice %arg20[%dma_wait3A_119, %dma_wait3A_120] : memref<10112x128xf32, #tpu.memory_space<vmem_shared>> -> memref<10112x128xf32, #tpu.memory_space<vmem_shared>>
          tpu.wait_indirect_dma semaphore(%run_scoped3A : memref<!tpu.dma_semaphore, #tpu.memory_space<semaphore_mem>>) src(%arg19 : memref<80x128xf32, #tpu.memory_space<vmem>>) dst(%dma_wait3A_121 : memref<10112x128xf32, #tpu.memory_space<vmem_shared>>)
          tpu.yield
        }) : () -> ()
        %add3A_102 = arith.constant 3 : i32
        %add3A_103 = arith.addi %add3A_96, %add3A_102 : i32
        %lt3A_104 = arith.constant 252 : i32
        %lt3A_105 = arith.cmpi slt, %add3A_103, %lt3A_104 : i32
        %convert_element_type3A_106 = arith.extui %lt3A_105 : i1 to i32
        %cond3A_107 = arith.constant 0 : i32
        %cond3A_108 = arith.cmpi ne, %convert_element_type3A_106, %cond3A_107 : i32
        scf.if %cond3A_108 {
          %add3A_116 = arith.constant 3 : i32
          %add3A_117 = arith.addi %add3A_96, %add3A_116 : i32
          %mul3A_118 = arith.constant 80 : i32
          %mul3A_119 = arith.muli %add3A_117, %mul3A_118 : i32
          %add3A_120 = arith.addi %mul3A_9, %mul3A_119 : i32
          %multiple_of3A_121 = tpu.assume_multiple %add3A_120, 80 : i32
          %dma_start3A_122 = tpu.memref_slice %arg3[%multiple_of3A_121] : memref<322560xi32, #tpu.memory_space<hbm>> -> memref<80xi32, #tpu.memory_space<hbm>>
          %dma_start3A_123 = tpu.memref_slice %arg3[%multiple_of3A_121] : memref<322560xi32, #tpu.memory_space<hbm>> -> memref<80xi32, #tpu.memory_space<hbm>>
          tpu.enqueue_dma source(%dma_start3A_123 : memref<80xi32, #tpu.memory_space<hbm>>) target(%arg13 : memref<80xi32, #tpu.memory_space<vmem>>) target_semaphore(%arg23 : memref<!tpu.dma_semaphore, #tpu.memory_space<semaphore_mem>>)
        } else {
        }
        %add3A_109 = arith.constant 2 : i32
        %add3A_110 = arith.addi %add3A_96, %add3A_109 : i32
        %lt3A_111 = arith.constant 252 : i32
        %lt3A_112 = arith.cmpi slt, %add3A_110, %lt3A_111 : i32
        %convert_element_type3A_113 = arith.extui %lt3A_112 : i1 to i32
        %cond3A_114 = arith.constant 0 : i32
        %cond3A_115 = arith.cmpi ne, %convert_element_type3A_113, %cond3A_114 : i32
        scf.if %cond3A_115 {
          %add3A_116 = arith.constant 2 : i32
          %add3A_117 = arith.addi %add3A_96, %add3A_116 : i32
          %mul3A_118 = arith.constant 80 : i32
          %mul3A_119 = arith.muli %add3A_117, %mul3A_118 : i32
          %add3A_120 = arith.addi %mul3A_9, %mul3A_119 : i32
          %multiple_of3A_121 = tpu.assume_multiple %add3A_120, 80 : i32
          %dma_start3A_122 = tpu.memref_slice %arg4[%multiple_of3A_121] : memref<322560xi32, #tpu.memory_space<hbm>> -> memref<80xi32, #tpu.memory_space<hbm>>
          %dma_start3A_123 = tpu.memref_slice %arg4[%multiple_of3A_121] : memref<322560xi32, #tpu.memory_space<hbm>> -> memref<80xi32, #tpu.memory_space<hbm>>
          tpu.enqueue_dma source(%dma_start3A_123 : memref<80xi32, #tpu.memory_space<hbm>>) target(%arg15 : memref<80xi32, #tpu.memory_space<vmem>>) target_semaphore(%arg25 : memref<!tpu.dma_semaphore, #tpu.memory_space<semaphore_mem>>)
          %dma_wait3A_124 = tpu.memref_slice %arg3[%mul3A_9] : memref<322560xi32, #tpu.memory_space<hbm>> -> memref<80xi32, #tpu.memory_space<hbm>>
          %dma_wait3A_125 = tpu.memref_slice %arg3[%mul3A_9] : memref<322560xi32, #tpu.memory_space<hbm>> -> memref<80xi32, #tpu.memory_space<hbm>>
          tpu.wait_dma2 semaphore(%arg22 : memref<!tpu.dma_semaphore, #tpu.memory_space<semaphore_mem>>) src(%dma_wait3A_125 : memref<80xi32, #tpu.memory_space<hbm>>) dst(%arg12 : memref<80xi32, #tpu.memory_space<vmem>>)
          %dma_start3A_126 = arith.constant 0 : i32
          %dma_start3A_127 = arith.constant 0 : i32
          %dma_start3A_128 = tpu.memref_slice %arg2[%dma_start3A_126, %dma_start3A_127] : memref<10000x128xf32, #tpu.memory_space<hbm>> -> memref<10000x128xf32, #tpu.memory_space<hbm>>
          tpu.enqueue_indirect_dma source(%dma_start3A_128 : memref<10000x128xf32, #tpu.memory_space<hbm>>) target(%arg18 : memref<80x128xf32, #tpu.memory_space<vmem>>) offsets(%arg12 : memref<80xi32, #tpu.memory_space<vmem>>) semaphore(%arg28 : memref<!tpu.dma_semaphore, #tpu.memory_space<semaphore_mem>>)
        } else {
        }
      }
      %scan3A_45 = arith.constant 84 : i32
      %barrier3A_46 = arith.constant 0 : index
      tpu.barrier barrier_id(%barrier3A_46)
      "tpu.region"() ({
        %run_scoped3A = tpu.sem_alloc : memref<!tpu.dma_semaphore, #tpu.memory_space<semaphore_mem>>
        %dma_start3A_47 = arith.constant 0 : i32
        %dma_start3A_48 = tpu.memref_slice %arg9[%mul3A_7, %dma_start3A_47] : memref<10112x128xf32, #tpu.memory_space<hbm>> -> memref<632x128xf32, #tpu.memory_space<hbm>>
        %dma_start3A_49 = arith.constant 0 : i32
        %dma_start3A_50 = tpu.memref_slice %arg20[%mul3A_7, %dma_start3A_49] : memref<10112x128xf32, #tpu.memory_space<vmem_shared>> -> memref<632x128xf32, #tpu.memory_space<vmem_shared>>
        tpu.enqueue_dma source(%dma_start3A_50 : memref<632x128xf32, #tpu.memory_space<vmem_shared>>) target(%dma_start3A_48 : memref<632x128xf32, #tpu.memory_space<hbm>>) target_semaphore(%run_scoped3A : memref<!tpu.dma_semaphore, #tpu.memory_space<semaphore_mem>>)
        %dma_wait3A_51 = arith.constant 0 : i32
        %dma_wait3A_52 = tpu.memref_slice %arg9[%mul3A_7, %dma_wait3A_51] : memref<10112x128xf32, #tpu.memory_space<hbm>> -> memref<632x128xf32, #tpu.memory_space<hbm>>
        %dma_wait3A_53 = arith.constant 0 : i32
        %dma_wait3A_54 = tpu.memref_slice %arg20[%mul3A_7, %dma_wait3A_53] : memref<10112x128xf32, #tpu.memory_space<vmem_shared>> -> memref<632x128xf32, #tpu.memory_space<vmem_shared>>
        tpu.wait_dma2 semaphore(%run_scoped3A : memref<!tpu.dma_semaphore, #tpu.memory_space<semaphore_mem>>) src(%dma_wait3A_54 : memref<632x128xf32, #tpu.memory_space<vmem_shared>>) dst(%dma_wait3A_52 : memref<632x128xf32, #tpu.memory_space<hbm>>)
        tpu.yield
      }) : () -> ()
    } else {
    }
    %eq3A_2 = arith.constant 1 : i32
    %eq3A_3 = arith.cmpi eq, %arg0, %eq3A_2 : i32
    %convert_element_type3A_4 = arith.extui %eq3A_3 : i1 to i32
    %cond3A_5 = arith.constant 0 : i32
    %cond3A_6 = arith.cmpi ne, %convert_element_type3A_4, %cond3A_5 : i32
    scf.if %cond3A_6 {
      %mul3A = arith.constant 632 : i32
      %mul3A_7 = arith.muli %arg1, %mul3A : i32
      "tpu.region"() ({
        %run_scoped3A = tpu.sem_alloc : memref<!tpu.dma_semaphore, #tpu.memory_space<semaphore_mem>>
        %dma_start3A_47 = arith.constant 0 : i32
        %dma_start3A_48 = tpu.memref_slice %arg20[%mul3A_7, %dma_start3A_47] : memref<10112x128xf32, #tpu.memory_space<vmem_shared>> -> memref<632x128xf32, #tpu.memory_space<vmem_shared>>
        %dma_start3A_49 = arith.constant 0 : i32
        %dma_start3A_50 = tpu.memref_slice %arg8[%mul3A_7, %dma_start3A_49] : memref<10112x128xf32, #tpu.memory_space<hbm>> -> memref<632x128xf32, #tpu.memory_space<hbm>>
        tpu.enqueue_dma source(%dma_start3A_50 : memref<632x128xf32, #tpu.memory_space<hbm>>) target(%dma_start3A_48 : memref<632x128xf32, #tpu.memory_space<vmem_shared>>) target_semaphore(%run_scoped3A : memref<!tpu.dma_semaphore, #tpu.memory_space<semaphore_mem>>)
        %dma_wait3A_51 = arith.constant 0 : i32
        %dma_wait3A_52 = tpu.memref_slice %arg20[%mul3A_7, %dma_wait3A_51] : memref<10112x128xf32, #tpu.memory_space<vmem_shared>> -> memref<632x128xf32, #tpu.memory_space<vmem_shared>>
        %dma_wait3A_53 = arith.constant 0 : i32
        %dma_wait3A_54 = tpu.memref_slice %arg8[%mul3A_7, %dma_wait3A_53] : memref<10112x128xf32, #tpu.memory_space<hbm>> -> memref<632x128xf32, #tpu.memory_space<hbm>>
        tpu.wait_dma2 semaphore(%run_scoped3A : memref<!tpu.dma_semaphore, #tpu.memory_space<semaphore_mem>>) src(%dma_wait3A_54 : memref<632x128xf32, #tpu.memory_space<hbm>>) dst(%dma_wait3A_52 : memref<632x128xf32, #tpu.memory_space<vmem_shared>>)
        tpu.yield
      }) : () -> ()
      %barrier3A = arith.constant 0 : index
      tpu.barrier barrier_id(%barrier3A)
      %mul3A_8 = arith.constant 20160 : i32
      %mul3A_9 = arith.muli %arg1, %mul3A_8 : i32
      %add3A = arith.constant 0 : i32
      %add3A_10 = arith.addi %mul3A_9, %add3A : i32
      %multiple_of3A = tpu.assume_multiple %add3A_10, 80 : i32
      %dma_start3A = tpu.memref_slice %arg6[%multiple_of3A] : memref<322560xi32, #tpu.memory_space<hbm>> -> memref<80xi32, #tpu.memory_space<hbm>>
      %dma_start3A_11 = tpu.memref_slice %arg6[%multiple_of3A] : memref<322560xi32, #tpu.memory_space<hbm>> -> memref<80xi32, #tpu.memory_space<hbm>>
      tpu.enqueue_dma source(%dma_start3A_11 : memref<80xi32, #tpu.memory_space<hbm>>) target(%arg11 : memref<80xi32, #tpu.memory_space<vmem>>) target_semaphore(%arg21 : memref<!tpu.dma_semaphore, #tpu.memory_space<semaphore_mem>>)
      %add3A_12 = arith.constant 80 : i32
      %add3A_13 = arith.addi %mul3A_9, %add3A_12 : i32
      %multiple_of3A_14 = tpu.assume_multiple %add3A_13, 80 : i32
      %dma_start3A_15 = tpu.memref_slice %arg6[%multiple_of3A_14] : memref<322560xi32, #tpu.memory_space<hbm>> -> memref<80xi32, #tpu.memory_space<hbm>>
      %dma_start3A_16 = tpu.memref_slice %arg6[%multiple_of3A_14] : memref<322560xi32, #tpu.memory_space<hbm>> -> memref<80xi32, #tpu.memory_space<hbm>>
      tpu.enqueue_dma source(%dma_start3A_16 : memref<80xi32, #tpu.memory_space<hbm>>) target(%arg12 : memref<80xi32, #tpu.memory_space<vmem>>) target_semaphore(%arg22 : memref<!tpu.dma_semaphore, #tpu.memory_space<semaphore_mem>>)
      %add3A_17 = arith.constant 160 : i32
      %add3A_18 = arith.addi %mul3A_9, %add3A_17 : i32
      %multiple_of3A_19 = tpu.assume_multiple %add3A_18, 80 : i32
      %dma_start3A_20 = tpu.memref_slice %arg6[%multiple_of3A_19] : memref<322560xi32, #tpu.memory_space<hbm>> -> memref<80xi32, #tpu.memory_space<hbm>>
      %dma_start3A_21 = tpu.memref_slice %arg6[%multiple_of3A_19] : memref<322560xi32, #tpu.memory_space<hbm>> -> memref<80xi32, #tpu.memory_space<hbm>>
      tpu.enqueue_dma source(%dma_start3A_21 : memref<80xi32, #tpu.memory_space<hbm>>) target(%arg13 : memref<80xi32, #tpu.memory_space<vmem>>) target_semaphore(%arg23 : memref<!tpu.dma_semaphore, #tpu.memory_space<semaphore_mem>>)
      %add3A_22 = arith.constant 0 : i32
      %add3A_23 = arith.addi %mul3A_9, %add3A_22 : i32
      %multiple_of3A_24 = tpu.assume_multiple %add3A_23, 80 : i32
      %dma_start3A_25 = tpu.memref_slice %arg7[%multiple_of3A_24] : memref<322560xi32, #tpu.memory_space<hbm>> -> memref<80xi32, #tpu.memory_space<hbm>>
      %dma_start3A_26 = tpu.memref_slice %arg7[%multiple_of3A_24] : memref<322560xi32, #tpu.memory_space<hbm>> -> memref<80xi32, #tpu.memory_space<hbm>>
      tpu.enqueue_dma source(%dma_start3A_26 : memref<80xi32, #tpu.memory_space<hbm>>) target(%arg14 : memref<80xi32, #tpu.memory_space<vmem>>) target_semaphore(%arg24 : memref<!tpu.dma_semaphore, #tpu.memory_space<semaphore_mem>>)
      %add3A_27 = arith.constant 80 : i32
      %add3A_28 = arith.addi %mul3A_9, %add3A_27 : i32
      %multiple_of3A_29 = tpu.assume_multiple %add3A_28, 80 : i32
      %dma_start3A_30 = tpu.memref_slice %arg7[%multiple_of3A_29] : memref<322560xi32, #tpu.memory_space<hbm>> -> memref<80xi32, #tpu.memory_space<hbm>>
      %dma_start3A_31 = tpu.memref_slice %arg7[%multiple_of3A_29] : memref<322560xi32, #tpu.memory_space<hbm>> -> memref<80xi32, #tpu.memory_space<hbm>>
      tpu.enqueue_dma source(%dma_start3A_31 : memref<80xi32, #tpu.memory_space<hbm>>) target(%arg15 : memref<80xi32, #tpu.memory_space<vmem>>) target_semaphore(%arg25 : memref<!tpu.dma_semaphore, #tpu.memory_space<semaphore_mem>>)
      %dma_wait3A = tpu.memref_slice %arg6[%mul3A_9] : memref<322560xi32, #tpu.memory_space<hbm>> -> memref<80xi32, #tpu.memory_space<hbm>>
      %dma_wait3A_32 = tpu.memref_slice %arg6[%mul3A_9] : memref<322560xi32, #tpu.memory_space<hbm>> -> memref<80xi32, #tpu.memory_space<hbm>>
      tpu.wait_dma2 semaphore(%arg21 : memref<!tpu.dma_semaphore, #tpu.memory_space<semaphore_mem>>) src(%dma_wait3A_32 : memref<80xi32, #tpu.memory_space<hbm>>) dst(%arg11 : memref<80xi32, #tpu.memory_space<vmem>>)
      %dma_start3A_33 = arith.constant 0 : i32
      %dma_start3A_34 = arith.constant 0 : i32
      %dma_start3A_35 = tpu.memref_slice %arg5[%dma_start3A_33, %dma_start3A_34] : memref<10000x128xf32, #tpu.memory_space<hbm>> -> memref<10000x128xf32, #tpu.memory_space<hbm>>
      tpu.enqueue_indirect_dma source(%dma_start3A_35 : memref<10000x128xf32, #tpu.memory_space<hbm>>) target(%arg17 : memref<80x128xf32, #tpu.memory_space<vmem>>) offsets(%arg11 : memref<80xi32, #tpu.memory_space<vmem>>) semaphore(%arg27 : memref<!tpu.dma_semaphore, #tpu.memory_space<semaphore_mem>>)
      %dma_wait3A_36 = tpu.memref_slice %arg6[%mul3A_9] : memref<322560xi32, #tpu.memory_space<hbm>> -> memref<80xi32, #tpu.memory_space<hbm>>
      %dma_wait3A_37 = tpu.memref_slice %arg6[%mul3A_9] : memref<322560xi32, #tpu.memory_space<hbm>> -> memref<80xi32, #tpu.memory_space<hbm>>
      tpu.wait_dma2 semaphore(%arg22 : memref<!tpu.dma_semaphore, #tpu.memory_space<semaphore_mem>>) src(%dma_wait3A_37 : memref<80xi32, #tpu.memory_space<hbm>>) dst(%arg12 : memref<80xi32, #tpu.memory_space<vmem>>)
      %dma_start3A_38 = arith.constant 0 : i32
      %dma_start3A_39 = arith.constant 0 : i32
      %dma_start3A_40 = tpu.memref_slice %arg5[%dma_start3A_38, %dma_start3A_39] : memref<10000x128xf32, #tpu.memory_space<hbm>> -> memref<10000x128xf32, #tpu.memory_space<hbm>>
      tpu.enqueue_indirect_dma source(%dma_start3A_40 : memref<10000x128xf32, #tpu.memory_space<hbm>>) target(%arg18 : memref<80x128xf32, #tpu.memory_space<vmem>>) offsets(%arg12 : memref<80xi32, #tpu.memory_space<vmem>>) semaphore(%arg28 : memref<!tpu.dma_semaphore, #tpu.memory_space<semaphore_mem>>)
      %scan3A = arith.constant 0 : i32
      %scan3A_41 = arith.constant 0 : i32
      %scan3A_42 = arith.constant 84 : i32
      %scan3A_43 = arith.addi %scan3A_41, %scan3A_42 : i32
      %scan3A_44 = arith.constant 1 : i32
      scf.for %scan3A_47 = %scan3A_41 to %scan3A_43 step %scan3A_44  : i32 {
        %mul3A_48 = arith.constant 3 : i32
        %mul3A_49 = arith.muli %mul3A_48, %scan3A_47 : i32
        %add3A_50 = arith.constant 0 : i32
        %add3A_51 = arith.addi %mul3A_49, %add3A_50 : i32
        %dma_wait3A_52 = arith.constant 0 : i32
        %dma_wait3A_53 = arith.constant 0 : i32
        %dma_wait3A_54 = tpu.memref_slice %arg5[%dma_wait3A_52, %dma_wait3A_53] : memref<10000x128xf32, #tpu.memory_space<hbm>> -> memref<10000x128xf32, #tpu.memory_space<hbm>>
        tpu.wait_indirect_dma semaphore(%arg27 : memref<!tpu.dma_semaphore, #tpu.memory_space<semaphore_mem>>) src(%dma_wait3A_54 : memref<10000x128xf32, #tpu.memory_space<hbm>>) dst(%arg17 : memref<80x128xf32, #tpu.memory_space<vmem>>)
        %dma_wait3A_55 = tpu.memref_slice %arg7[%mul3A_9] : memref<322560xi32, #tpu.memory_space<hbm>> -> memref<80xi32, #tpu.memory_space<hbm>>
        %dma_wait3A_56 = tpu.memref_slice %arg7[%mul3A_9] : memref<322560xi32, #tpu.memory_space<hbm>> -> memref<80xi32, #tpu.memory_space<hbm>>
        tpu.wait_dma2 semaphore(%arg24 : memref<!tpu.dma_semaphore, #tpu.memory_space<semaphore_mem>>) src(%dma_wait3A_56 : memref<80xi32, #tpu.memory_space<hbm>>) dst(%arg14 : memref<80xi32, #tpu.memory_space<vmem>>)
        "tpu.region"() ({
          %run_scoped3A = tpu.sem_alloc : memref<!tpu.dma_semaphore, #tpu.memory_space<semaphore_mem>>
          %dma_start3A_116 = arith.constant 0 : i32
          %dma_start3A_117 = arith.constant 0 : i32
          %dma_start3A_118 = tpu.memref_slice %arg20[%dma_start3A_116, %dma_start3A_117] : memref<10112x128xf32, #tpu.memory_space<vmem_shared>> -> memref<10112x128xf32, #tpu.memory_space<vmem_shared>>
          tpu.enqueue_indirect_dma source(%arg17 : memref<80x128xf32, #tpu.memory_space<vmem>>) target(%dma_start3A_118 : memref<10112x128xf32, #tpu.memory_space<vmem_shared>>) offsets(%arg14 : memref<80xi32, #tpu.memory_space<vmem>>) semaphore(%run_scoped3A : memref<!tpu.dma_semaphore, #tpu.memory_space<semaphore_mem>>) {add = true}
          %dma_wait3A_119 = arith.constant 0 : i32
          %dma_wait3A_120 = arith.constant 0 : i32
          %dma_wait3A_121 = tpu.memref_slice %arg20[%dma_wait3A_119, %dma_wait3A_120] : memref<10112x128xf32, #tpu.memory_space<vmem_shared>> -> memref<10112x128xf32, #tpu.memory_space<vmem_shared>>
          tpu.wait_indirect_dma semaphore(%run_scoped3A : memref<!tpu.dma_semaphore, #tpu.memory_space<semaphore_mem>>) src(%arg17 : memref<80x128xf32, #tpu.memory_space<vmem>>) dst(%dma_wait3A_121 : memref<10112x128xf32, #tpu.memory_space<vmem_shared>>)
          tpu.yield
        }) : () -> ()
        %add3A_57 = arith.constant 3 : i32
        %add3A_58 = arith.addi %add3A_51, %add3A_57 : i32
        %lt3A = arith.constant 252 : i32
        %lt3A_59 = arith.cmpi slt, %add3A_58, %lt3A : i32
        %convert_element_type3A_60 = arith.extui %lt3A_59 : i1 to i32
        %cond3A_61 = arith.constant 0 : i32
        %cond3A_62 = arith.cmpi ne, %convert_element_type3A_60, %cond3A_61 : i32
        scf.if %cond3A_62 {
          %add3A_116 = arith.constant 3 : i32
          %add3A_117 = arith.addi %add3A_51, %add3A_116 : i32
          %mul3A_118 = arith.constant 80 : i32
          %mul3A_119 = arith.muli %add3A_117, %mul3A_118 : i32
          %add3A_120 = arith.addi %mul3A_9, %mul3A_119 : i32
          %multiple_of3A_121 = tpu.assume_multiple %add3A_120, 80 : i32
          %dma_start3A_122 = tpu.memref_slice %arg6[%multiple_of3A_121] : memref<322560xi32, #tpu.memory_space<hbm>> -> memref<80xi32, #tpu.memory_space<hbm>>
          %dma_start3A_123 = tpu.memref_slice %arg6[%multiple_of3A_121] : memref<322560xi32, #tpu.memory_space<hbm>> -> memref<80xi32, #tpu.memory_space<hbm>>
          tpu.enqueue_dma source(%dma_start3A_123 : memref<80xi32, #tpu.memory_space<hbm>>) target(%arg11 : memref<80xi32, #tpu.memory_space<vmem>>) target_semaphore(%arg21 : memref<!tpu.dma_semaphore, #tpu.memory_space<semaphore_mem>>)
        } else {
        }
        %add3A_63 = arith.constant 2 : i32
        %add3A_64 = arith.addi %add3A_51, %add3A_63 : i32
        %lt3A_65 = arith.constant 252 : i32
        %lt3A_66 = arith.cmpi slt, %add3A_64, %lt3A_65 : i32
        %convert_element_type3A_67 = arith.extui %lt3A_66 : i1 to i32
        %cond3A_68 = arith.constant 0 : i32
        %cond3A_69 = arith.cmpi ne, %convert_element_type3A_67, %cond3A_68 : i32
        scf.if %cond3A_69 {
          %add3A_116 = arith.constant 2 : i32
          %add3A_117 = arith.addi %add3A_51, %add3A_116 : i32
          %mul3A_118 = arith.constant 80 : i32
          %mul3A_119 = arith.muli %add3A_117, %mul3A_118 : i32
          %add3A_120 = arith.addi %mul3A_9, %mul3A_119 : i32
          %multiple_of3A_121 = tpu.assume_multiple %add3A_120, 80 : i32
          %dma_start3A_122 = tpu.memref_slice %arg7[%multiple_of3A_121] : memref<322560xi32, #tpu.memory_space<hbm>> -> memref<80xi32, #tpu.memory_space<hbm>>
          %dma_start3A_123 = tpu.memref_slice %arg7[%multiple_of3A_121] : memref<322560xi32, #tpu.memory_space<hbm>> -> memref<80xi32, #tpu.memory_space<hbm>>
          tpu.enqueue_dma source(%dma_start3A_123 : memref<80xi32, #tpu.memory_space<hbm>>) target(%arg16 : memref<80xi32, #tpu.memory_space<vmem>>) target_semaphore(%arg26 : memref<!tpu.dma_semaphore, #tpu.memory_space<semaphore_mem>>)
          %dma_wait3A_124 = tpu.memref_slice %arg6[%mul3A_9] : memref<322560xi32, #tpu.memory_space<hbm>> -> memref<80xi32, #tpu.memory_space<hbm>>
          %dma_wait3A_125 = tpu.memref_slice %arg6[%mul3A_9] : memref<322560xi32, #tpu.memory_space<hbm>> -> memref<80xi32, #tpu.memory_space<hbm>>
          tpu.wait_dma2 semaphore(%arg23 : memref<!tpu.dma_semaphore, #tpu.memory_space<semaphore_mem>>) src(%dma_wait3A_125 : memref<80xi32, #tpu.memory_space<hbm>>) dst(%arg13 : memref<80xi32, #tpu.memory_space<vmem>>)
          %dma_start3A_126 = arith.constant 0 : i32
          %dma_start3A_127 = arith.constant 0 : i32
          %dma_start3A_128 = tpu.memref_slice %arg5[%dma_start3A_126, %dma_start3A_127] : memref<10000x128xf32, #tpu.memory_space<hbm>> -> memref<10000x128xf32, #tpu.memory_space<hbm>>
          tpu.enqueue_indirect_dma source(%dma_start3A_128 : memref<10000x128xf32, #tpu.memory_space<hbm>>) target(%arg19 : memref<80x128xf32, #tpu.memory_space<vmem>>) offsets(%arg13 : memref<80xi32, #tpu.memory_space<vmem>>) semaphore(%arg29 : memref<!tpu.dma_semaphore, #tpu.memory_space<semaphore_mem>>)
        } else {
        }
        %mul3A_70 = arith.constant 3 : i32
        %mul3A_71 = arith.muli %mul3A_70, %scan3A_47 : i32
        %add3A_72 = arith.constant 1 : i32
        %add3A_73 = arith.addi %mul3A_71, %add3A_72 : i32
        %dma_wait3A_74 = arith.constant 0 : i32
        %dma_wait3A_75 = arith.constant 0 : i32
        %dma_wait3A_76 = tpu.memref_slice %arg5[%dma_wait3A_74, %dma_wait3A_75] : memref<10000x128xf32, #tpu.memory_space<hbm>> -> memref<10000x128xf32, #tpu.memory_space<hbm>>
        tpu.wait_indirect_dma semaphore(%arg28 : memref<!tpu.dma_semaphore, #tpu.memory_space<semaphore_mem>>) src(%dma_wait3A_76 : memref<10000x128xf32, #tpu.memory_space<hbm>>) dst(%arg18 : memref<80x128xf32, #tpu.memory_space<vmem>>)
        %dma_wait3A_77 = tpu.memref_slice %arg7[%mul3A_9] : memref<322560xi32, #tpu.memory_space<hbm>> -> memref<80xi32, #tpu.memory_space<hbm>>
        %dma_wait3A_78 = tpu.memref_slice %arg7[%mul3A_9] : memref<322560xi32, #tpu.memory_space<hbm>> -> memref<80xi32, #tpu.memory_space<hbm>>
        tpu.wait_dma2 semaphore(%arg25 : memref<!tpu.dma_semaphore, #tpu.memory_space<semaphore_mem>>) src(%dma_wait3A_78 : memref<80xi32, #tpu.memory_space<hbm>>) dst(%arg15 : memref<80xi32, #tpu.memory_space<vmem>>)
        "tpu.region"() ({
          %run_scoped3A = tpu.sem_alloc : memref<!tpu.dma_semaphore, #tpu.memory_space<semaphore_mem>>
          %dma_start3A_116 = arith.constant 0 : i32
          %dma_start3A_117 = arith.constant 0 : i32
          %dma_start3A_118 = tpu.memref_slice %arg20[%dma_start3A_116, %dma_start3A_117] : memref<10112x128xf32, #tpu.memory_space<vmem_shared>> -> memref<10112x128xf32, #tpu.memory_space<vmem_shared>>
          tpu.enqueue_indirect_dma source(%arg18 : memref<80x128xf32, #tpu.memory_space<vmem>>) target(%dma_start3A_118 : memref<10112x128xf32, #tpu.memory_space<vmem_shared>>) offsets(%arg15 : memref<80xi32, #tpu.memory_space<vmem>>) semaphore(%run_scoped3A : memref<!tpu.dma_semaphore, #tpu.memory_space<semaphore_mem>>) {add = true}
          %dma_wait3A_119 = arith.constant 0 : i32
          %dma_wait3A_120 = arith.constant 0 : i32
          %dma_wait3A_121 = tpu.memref_slice %arg20[%dma_wait3A_119, %dma_wait3A_120] : memref<10112x128xf32, #tpu.memory_space<vmem_shared>> -> memref<10112x128xf32, #tpu.memory_space<vmem_shared>>
          tpu.wait_indirect_dma semaphore(%run_scoped3A : memref<!tpu.dma_semaphore, #tpu.memory_space<semaphore_mem>>) src(%arg18 : memref<80x128xf32, #tpu.memory_space<vmem>>) dst(%dma_wait3A_121 : memref<10112x128xf32, #tpu.memory_space<vmem_shared>>)
          tpu.yield
        }) : () -> ()
        %add3A_79 = arith.constant 3 : i32
        %add3A_80 = arith.addi %add3A_73, %add3A_79 : i32
        %lt3A_81 = arith.constant 252 : i32
        %lt3A_82 = arith.cmpi slt, %add3A_80, %lt3A_81 : i32
        %convert_element_type3A_83 = arith.extui %lt3A_82 : i1 to i32
        %cond3A_84 = arith.constant 0 : i32
        %cond3A_85 = arith.cmpi ne, %convert_element_type3A_83, %cond3A_84 : i32
        scf.if %cond3A_85 {
          %add3A_116 = arith.constant 3 : i32
          %add3A_117 = arith.addi %add3A_73, %add3A_116 : i32
          %mul3A_118 = arith.constant 80 : i32
          %mul3A_119 = arith.muli %add3A_117, %mul3A_118 : i32
          %add3A_120 = arith.addi %mul3A_9, %mul3A_119 : i32
          %multiple_of3A_121 = tpu.assume_multiple %add3A_120, 80 : i32
          %dma_start3A_122 = tpu.memref_slice %arg6[%multiple_of3A_121] : memref<322560xi32, #tpu.memory_space<hbm>> -> memref<80xi32, #tpu.memory_space<hbm>>
          %dma_start3A_123 = tpu.memref_slice %arg6[%multiple_of3A_121] : memref<322560xi32, #tpu.memory_space<hbm>> -> memref<80xi32, #tpu.memory_space<hbm>>
          tpu.enqueue_dma source(%dma_start3A_123 : memref<80xi32, #tpu.memory_space<hbm>>) target(%arg12 : memref<80xi32, #tpu.memory_space<vmem>>) target_semaphore(%arg22 : memref<!tpu.dma_semaphore, #tpu.memory_space<semaphore_mem>>)
        } else {
        }
        %add3A_86 = arith.constant 2 : i32
        %add3A_87 = arith.addi %add3A_73, %add3A_86 : i32
        %lt3A_88 = arith.constant 252 : i32
        %lt3A_89 = arith.cmpi slt, %add3A_87, %lt3A_88 : i32
        %convert_element_type3A_90 = arith.extui %lt3A_89 : i1 to i32
        %cond3A_91 = arith.constant 0 : i32
        %cond3A_92 = arith.cmpi ne, %convert_element_type3A_90, %cond3A_91 : i32
        scf.if %cond3A_92 {
          %add3A_116 = arith.constant 2 : i32
          %add3A_117 = arith.addi %add3A_73, %add3A_116 : i32
          %mul3A_118 = arith.constant 80 : i32
          %mul3A_119 = arith.muli %add3A_117, %mul3A_118 : i32
          %add3A_120 = arith.addi %mul3A_9, %mul3A_119 : i32
          %multiple_of3A_121 = tpu.assume_multiple %add3A_120, 80 : i32
          %dma_start3A_122 = tpu.memref_slice %arg7[%multiple_of3A_121] : memref<322560xi32, #tpu.memory_space<hbm>> -> memref<80xi32, #tpu.memory_space<hbm>>
          %dma_start3A_123 = tpu.memref_slice %arg7[%multiple_of3A_121] : memref<322560xi32, #tpu.memory_space<hbm>> -> memref<80xi32, #tpu.memory_space<hbm>>
          tpu.enqueue_dma source(%dma_start3A_123 : memref<80xi32, #tpu.memory_space<hbm>>) target(%arg14 : memref<80xi32, #tpu.memory_space<vmem>>) target_semaphore(%arg24 : memref<!tpu.dma_semaphore, #tpu.memory_space<semaphore_mem>>)
          %dma_wait3A_124 = tpu.memref_slice %arg6[%mul3A_9] : memref<322560xi32, #tpu.memory_space<hbm>> -> memref<80xi32, #tpu.memory_space<hbm>>
          %dma_wait3A_125 = tpu.memref_slice %arg6[%mul3A_9] : memref<322560xi32, #tpu.memory_space<hbm>> -> memref<80xi32, #tpu.memory_space<hbm>>
          tpu.wait_dma2 semaphore(%arg21 : memref<!tpu.dma_semaphore, #tpu.memory_space<semaphore_mem>>) src(%dma_wait3A_125 : memref<80xi32, #tpu.memory_space<hbm>>) dst(%arg11 : memref<80xi32, #tpu.memory_space<vmem>>)
          %dma_start3A_126 = arith.constant 0 : i32
          %dma_start3A_127 = arith.constant 0 : i32
          %dma_start3A_128 = tpu.memref_slice %arg5[%dma_start3A_126, %dma_start3A_127] : memref<10000x128xf32, #tpu.memory_space<hbm>> -> memref<10000x128xf32, #tpu.memory_space<hbm>>
          tpu.enqueue_indirect_dma source(%dma_start3A_128 : memref<10000x128xf32, #tpu.memory_space<hbm>>) target(%arg17 : memref<80x128xf32, #tpu.memory_space<vmem>>) offsets(%arg11 : memref<80xi32, #tpu.memory_space<vmem>>) semaphore(%arg27 : memref<!tpu.dma_semaphore, #tpu.memory_space<semaphore_mem>>)
        } else {
        }
        %mul3A_93 = arith.constant 3 : i32
        %mul3A_94 = arith.muli %mul3A_93, %scan3A_47 : i32
        %add3A_95 = arith.constant 2 : i32
        %add3A_96 = arith.addi %mul3A_94, %add3A_95 : i32
        %dma_wait3A_97 = arith.constant 0 : i32
        %dma_wait3A_98 = arith.constant 0 : i32
        %dma_wait3A_99 = tpu.memref_slice %arg5[%dma_wait3A_97, %dma_wait3A_98] : memref<10000x128xf32, #tpu.memory_space<hbm>> -> memref<10000x128xf32, #tpu.memory_space<hbm>>
        tpu.wait_indirect_dma semaphore(%arg29 : memref<!tpu.dma_semaphore, #tpu.memory_space<semaphore_mem>>) src(%dma_wait3A_99 : memref<10000x128xf32, #tpu.memory_space<hbm>>) dst(%arg19 : memref<80x128xf32, #tpu.memory_space<vmem>>)
        %dma_wait3A_100 = tpu.memref_slice %arg7[%mul3A_9] : memref<322560xi32, #tpu.memory_space<hbm>> -> memref<80xi32, #tpu.memory_space<hbm>>
        %dma_wait3A_101 = tpu.memref_slice %arg7[%mul3A_9] : memref<322560xi32, #tpu.memory_space<hbm>> -> memref<80xi32, #tpu.memory_space<hbm>>
        tpu.wait_dma2 semaphore(%arg26 : memref<!tpu.dma_semaphore, #tpu.memory_space<semaphore_mem>>) src(%dma_wait3A_101 : memref<80xi32, #tpu.memory_space<hbm>>) dst(%arg16 : memref<80xi32, #tpu.memory_space<vmem>>)
        "tpu.region"() ({
          %run_scoped3A = tpu.sem_alloc : memref<!tpu.dma_semaphore, #tpu.memory_space<semaphore_mem>>
          %dma_start3A_116 = arith.constant 0 : i32
          %dma_start3A_117 = arith.constant 0 : i32
          %dma_start3A_118 = tpu.memref_slice %arg20[%dma_start3A_116, %dma_start3A_117] : memref<10112x128xf32, #tpu.memory_space<vmem_shared>> -> memref<10112x128xf32, #tpu.memory_space<vmem_shared>>
          tpu.enqueue_indirect_dma source(%arg19 : memref<80x128xf32, #tpu.memory_space<vmem>>) target(%dma_start3A_118 : memref<10112x128xf32, #tpu.memory_space<vmem_shared>>) offsets(%arg16 : memref<80xi32, #tpu.memory_space<vmem>>) semaphore(%run_scoped3A : memref<!tpu.dma_semaphore, #tpu.memory_space<semaphore_mem>>) {add = true}
          %dma_wait3A_119 = arith.constant 0 : i32
          %dma_wait3A_120 = arith.constant 0 : i32
          %dma_wait3A_121 = tpu.memref_slice %arg20[%dma_wait3A_119, %dma_wait3A_120] : memref<10112x128xf32, #tpu.memory_space<vmem_shared>> -> memref<10112x128xf32, #tpu.memory_space<vmem_shared>>
          tpu.wait_indirect_dma semaphore(%run_scoped3A : memref<!tpu.dma_semaphore, #tpu.memory_space<semaphore_mem>>) src(%arg19 : memref<80x128xf32, #tpu.memory_space<vmem>>) dst(%dma_wait3A_121 : memref<10112x128xf32, #tpu.memory_space<vmem_shared>>)
          tpu.yield
        }) : () -> ()
        %add3A_102 = arith.constant 3 : i32
        %add3A_103 = arith.addi %add3A_96, %add3A_102 : i32
        %lt3A_104 = arith.constant 252 : i32
        %lt3A_105 = arith.cmpi slt, %add3A_103, %lt3A_104 : i32
        %convert_element_type3A_106 = arith.extui %lt3A_105 : i1 to i32
        %cond3A_107 = arith.constant 0 : i32
        %cond3A_108 = arith.cmpi ne, %convert_element_type3A_106, %cond3A_107 : i32
        scf.if %cond3A_108 {
          %add3A_116 = arith.constant 3 : i32
          %add3A_117 = arith.addi %add3A_96, %add3A_116 : i32
          %mul3A_118 = arith.constant 80 : i32
          %mul3A_119 = arith.muli %add3A_117, %mul3A_118 : i32
          %add3A_120 = arith.addi %mul3A_9, %mul3A_119 : i32
          %multiple_of3A_121 = tpu.assume_multiple %add3A_120, 80 : i32
          %dma_start3A_122 = tpu.memref_slice %arg6[%multiple_of3A_121] : memref<322560xi32, #tpu.memory_space<hbm>> -> memref<80xi32, #tpu.memory_space<hbm>>
          %dma_start3A_123 = tpu.memref_slice %arg6[%multiple_of3A_121] : memref<322560xi32, #tpu.memory_space<hbm>> -> memref<80xi32, #tpu.memory_space<hbm>>
          tpu.enqueue_dma source(%dma_start3A_123 : memref<80xi32, #tpu.memory_space<hbm>>) target(%arg13 : memref<80xi32, #tpu.memory_space<vmem>>) target_semaphore(%arg23 : memref<!tpu.dma_semaphore, #tpu.memory_space<semaphore_mem>>)
        } else {
        }
        %add3A_109 = arith.constant 2 : i32
        %add3A_110 = arith.addi %add3A_96, %add3A_109 : i32
        %lt3A_111 = arith.constant 252 : i32
        %lt3A_112 = arith.cmpi slt, %add3A_110, %lt3A_111 : i32
        %convert_element_type3A_113 = arith.extui %lt3A_112 : i1 to i32
        %cond3A_114 = arith.constant 0 : i32
        %cond3A_115 = arith.cmpi ne, %convert_element_type3A_113, %cond3A_114 : i32
        scf.if %cond3A_115 {
          %add3A_116 = arith.constant 2 : i32
          %add3A_117 = arith.addi %add3A_96, %add3A_116 : i32
          %mul3A_118 = arith.constant 80 : i32
          %mul3A_119 = arith.muli %add3A_117, %mul3A_118 : i32
          %add3A_120 = arith.addi %mul3A_9, %mul3A_119 : i32
          %multiple_of3A_121 = tpu.assume_multiple %add3A_120, 80 : i32
          %dma_start3A_122 = tpu.memref_slice %arg7[%multiple_of3A_121] : memref<322560xi32, #tpu.memory_space<hbm>> -> memref<80xi32, #tpu.memory_space<hbm>>
          %dma_start3A_123 = tpu.memref_slice %arg7[%multiple_of3A_121] : memref<322560xi32, #tpu.memory_space<hbm>> -> memref<80xi32, #tpu.memory_space<hbm>>
          tpu.enqueue_dma source(%dma_start3A_123 : memref<80xi32, #tpu.memory_space<hbm>>) target(%arg15 : memref<80xi32, #tpu.memory_space<vmem>>) target_semaphore(%arg25 : memref<!tpu.dma_semaphore, #tpu.memory_space<semaphore_mem>>)
          %dma_wait3A_124 = tpu.memref_slice %arg6[%mul3A_9] : memref<322560xi32, #tpu.memory_space<hbm>> -> memref<80xi32, #tpu.memory_space<hbm>>
          %dma_wait3A_125 = tpu.memref_slice %arg6[%mul3A_9] : memref<322560xi32, #tpu.memory_space<hbm>> -> memref<80xi32, #tpu.memory_space<hbm>>
          tpu.wait_dma2 semaphore(%arg22 : memref<!tpu.dma_semaphore, #tpu.memory_space<semaphore_mem>>) src(%dma_wait3A_125 : memref<80xi32, #tpu.memory_space<hbm>>) dst(%arg12 : memref<80xi32, #tpu.memory_space<vmem>>)
          %dma_start3A_126 = arith.constant 0 : i32
          %dma_start3A_127 = arith.constant 0 : i32
          %dma_start3A_128 = tpu.memref_slice %arg5[%dma_start3A_126, %dma_start3A_127] : memref<10000x128xf32, #tpu.memory_space<hbm>> -> memref<10000x128xf32, #tpu.memory_space<hbm>>
          tpu.enqueue_indirect_dma source(%dma_start3A_128 : memref<10000x128xf32, #tpu.memory_space<hbm>>) target(%arg18 : memref<80x128xf32, #tpu.memory_space<vmem>>) offsets(%arg12 : memref<80xi32, #tpu.memory_space<vmem>>) semaphore(%arg28 : memref<!tpu.dma_semaphore, #tpu.memory_space<semaphore_mem>>)
        } else {
        }
      }
      %scan3A_45 = arith.constant 84 : i32
      %barrier3A_46 = arith.constant 0 : index
      tpu.barrier barrier_id(%barrier3A_46)
      "tpu.region"() ({
        %run_scoped3A = tpu.sem_alloc : memref<!tpu.dma_semaphore, #tpu.memory_space<semaphore_mem>>
        %dma_start3A_47 = arith.constant 0 : i32
        %dma_start3A_48 = tpu.memref_slice %arg10[%mul3A_7, %dma_start3A_47] : memref<10112x128xf32, #tpu.memory_space<hbm>> -> memref<632x128xf32, #tpu.memory_space<hbm>>
        %dma_start3A_49 = arith.constant 0 : i32
        %dma_start3A_50 = tpu.memref_slice %arg20[%mul3A_7, %dma_start3A_49] : memref<10112x128xf32, #tpu.memory_space<vmem_shared>> -> memref<632x128xf32, #tpu.memory_space<vmem_shared>>
        tpu.enqueue_dma source(%dma_start3A_50 : memref<632x128xf32, #tpu.memory_space<vmem_shared>>) target(%dma_start3A_48 : memref<632x128xf32, #tpu.memory_space<hbm>>) target_semaphore(%run_scoped3A : memref<!tpu.dma_semaphore, #tpu.memory_space<semaphore_mem>>)
        %dma_wait3A_51 = arith.constant 0 : i32
        %dma_wait3A_52 = tpu.memref_slice %arg10[%mul3A_7, %dma_wait3A_51] : memref<10112x128xf32, #tpu.memory_space<hbm>> -> memref<632x128xf32, #tpu.memory_space<hbm>>
        %dma_wait3A_53 = arith.constant 0 : i32
        %dma_wait3A_54 = tpu.memref_slice %arg20[%mul3A_7, %dma_wait3A_53] : memref<10112x128xf32, #tpu.memory_space<vmem_shared>> -> memref<632x128xf32, #tpu.memory_space<vmem_shared>>
        tpu.wait_dma2 semaphore(%run_scoped3A : memref<!tpu.dma_semaphore, #tpu.memory_space<semaphore_mem>>) src(%dma_wait3A_54 : memref<632x128xf32, #tpu.memory_space<vmem_shared>>) dst(%dma_wait3A_52 : memref<632x128xf32, #tpu.memory_space<hbm>>)
        tpu.yield
      }) : () -> ()
    } else {
    }
    return
  }
}

module attributes {stable_mosaic.version = 14 : i64} {
  func.func @_hidden_body(%arg0: i32, %arg1: memref<2000x128xf32, #tpu.memory_space<vmem>>, %arg2: memref<2000x128xf32, #tpu.memory_space<vmem>>, %arg3: memref<128x128xf32, #tpu.memory_space<vmem>>, %arg4: memref<128x128xf32, #tpu.memory_space<vmem>>, %arg5: memref<2000x128xf32, #tpu.memory_space<vmem>>, %arg6: memref<2000x128xf32, #tpu.memory_space<vmem>>) attributes {dimension_semantics = [#tpu.dimension_semantics<arbitrary>], iteration_bounds = array<i64: 5>, scalar_prefetch = 0 : i64, scratch_operands = 0 : i64, tpu.core_type = #tpu.core_type<tc>, window_params = [{transform_indices = @transform_0, window_bounds = array<i64: 2000, 128>}, {transform_indices = @transform_1, window_bounds = array<i64: 2000, 128>}, {pipeline_mode = #tpu.pipeline_mode<synchronous>, transform_indices = @transform_2, window_bounds = array<i64: 128, 128>}, {pipeline_mode = #tpu.pipeline_mode<synchronous>, transform_indices = @transform_3, window_bounds = array<i64: 128, 128>}, {transform_indices = @transform_4, window_bounds = array<i64: 2000, 128>}, {transform_indices = @transform_5, window_bounds = array<i64: 2000, 128>}]} {
    %get3A = arith.constant 0 : index
    %get3A_0 = arith.constant 0 : index
    %get3A_1 = vector.load %arg1[%get3A, %get3A_0] : memref<2000x128xf32, #tpu.memory_space<vmem>>, vector<2000x128xf32>
    %get3A_2 = arith.constant 0 : index
    %get3A_3 = arith.constant 0 : index
    %get3A_4 = vector.load %arg3[%get3A_2, %get3A_3] : memref<128x128xf32, #tpu.memory_space<vmem>>, vector<128x128xf32>
    %dot_general3A = arith.constant dense<0.000000e+00> : vector<2000x128xf32>
    %dot_general3A_5 = tpu.matmul %get3A_1, %get3A_4, %dot_general3A {dimension_numbers = #tpu.dot_dimension_numbers<[1], [0], [0], [1], [0, 0, 1, 1], [], []>, transpose_lhs_hint = false} : vector<2000x128xf32>, vector<128x128xf32>, vector<2000x128xf32> -> vector<2000x128xf32>
    %ge3A = arith.constant 0.000000e+00 : f32
    %ge3A_6 = vector.broadcast %ge3A : f32 to vector<2000x128xf32>
    %ge3A_7 = arith.cmpf oge, %dot_general3A_5, %ge3A_6 : vector<2000x128xf32>
    %mul3A = arith.constant 2.000000e-01 : f32
    %mul3A_8 = vector.broadcast %mul3A : f32 to vector<2000x128xf32>
    %mul3A_9 = arith.mulf %mul3A_8, %dot_general3A_5 : vector<2000x128xf32>
    %select_n3A = arith.select %ge3A_7, %dot_general3A_5, %mul3A_9 : vector<2000x128xi1>, vector<2000x128xf32>
    %swap3A = arith.constant 0 : index
    %swap3A_10 = arith.constant 0 : index
    %swap3A_11 = vector.load %arg5[%swap3A, %swap3A_10] : memref<2000x128xf32, #tpu.memory_space<vmem>>, vector<2000x128xf32>
    tpu.vector_store %arg5[%swap3A, %swap3A_10], %select_n3A {strides = array<i32>} : memref<2000x128xf32, #tpu.memory_space<vmem>>, vector<2000x128xf32>,
    %get3A_12 = arith.constant 0 : index
    %get3A_13 = arith.constant 0 : index
    %get3A_14 = vector.load %arg2[%get3A_12, %get3A_13] : memref<2000x128xf32, #tpu.memory_space<vmem>>, vector<2000x128xf32>
    %get3A_15 = arith.constant 0 : index
    %get3A_16 = arith.constant 0 : index
    %get3A_17 = vector.load %arg4[%get3A_15, %get3A_16] : memref<128x128xf32, #tpu.memory_space<vmem>>, vector<128x128xf32>
    %dot_general3A_18 = arith.constant dense<0.000000e+00> : vector<2000x128xf32>
    %dot_general3A_19 = tpu.matmul %get3A_14, %get3A_17, %dot_general3A_18 {dimension_numbers = #tpu.dot_dimension_numbers<[1], [0], [0], [1], [0, 0, 1, 1], [], []>, transpose_lhs_hint = false} : vector<2000x128xf32>, vector<128x128xf32>, vector<2000x128xf32> -> vector<2000x128xf32>
    %ge3A_20 = arith.constant 0.000000e+00 : f32
    %ge3A_21 = vector.broadcast %ge3A_20 : f32 to vector<2000x128xf32>
    %ge3A_22 = arith.cmpf oge, %dot_general3A_19, %ge3A_21 : vector<2000x128xf32>
    %mul3A_23 = arith.constant 2.000000e-01 : f32
    %mul3A_24 = vector.broadcast %mul3A_23 : f32 to vector<2000x128xf32>
    %mul3A_25 = arith.mulf %mul3A_24, %dot_general3A_19 : vector<2000x128xf32>
    %select_n3A_26 = arith.select %ge3A_22, %dot_general3A_19, %mul3A_25 : vector<2000x128xi1>, vector<2000x128xf32>
    %swap3A_27 = arith.constant 0 : index
    %swap3A_28 = arith.constant 0 : index
    %swap3A_29 = vector.load %arg6[%swap3A_27, %swap3A_28] : memref<2000x128xf32, #tpu.memory_space<vmem>>, vector<2000x128xf32>
    tpu.vector_store %arg6[%swap3A_27, %swap3A_28], %select_n3A_26 {strides = array<i32>} : memref<2000x128xf32, #tpu.memory_space<vmem>>, vector<2000x128xf32>,
    return
  }
  func.func @transform_0(%arg0: i32) -> (i32, i32) {
    %c0_i32 = arith.constant 0 : i32
    %c0_i32_0 = arith.constant 0 : i32
    return %arg0, %c0_i32 : i32, i32
  }
  func.func @transform_1(%arg0: i32) -> (i32, i32) {
    %c0_i32 = arith.constant 0 : i32
    %c0_i32_0 = arith.constant 0 : i32
    return %arg0, %c0_i32 : i32, i32
  }
  func.func @transform_2(%arg0: i32) -> (i32, i32) {
    %c0_i32 = arith.constant 0 : i32
    %c0_i32_0 = arith.constant 0 : i32
    %c0_i32_1 = arith.constant 0 : i32
    return %c0_i32, %c0_i32_0 : i32, i32
  }
  func.func @transform_3(%arg0: i32) -> (i32, i32) {
    %c0_i32 = arith.constant 0 : i32
    %c0_i32_0 = arith.constant 0 : i32
    %c0_i32_1 = arith.constant 0 : i32
    return %c0_i32, %c0_i32_0 : i32, i32
  }
  func.func @transform_4(%arg0: i32) -> (i32, i32) {
    %c0_i32 = arith.constant 0 : i32
    %c0_i32_0 = arith.constant 0 : i32
    return %arg0, %c0_i32 : i32, i32
  }
  func.func @transform_5(%arg0: i32) -> (i32, i32) {
    %c0_i32 = arith.constant 0 : i32
    %c0_i32_0 = arith.constant 0 : i32
    return %arg0, %c0_i32 : i32, i32
  }
}

module attributes {stable_mosaic.version = 14 : i64} {
  func.func @_final_body(%arg0: i32, %arg1: memref<2000x128xf32, #tpu.memory_space<vmem>>, %arg2: memref<2000x128xf32, #tpu.memory_space<vmem>>, %arg3: memref<2000x128xf32, #tpu.memory_space<vmem>>, %arg4: memref<2000x128xf32, #tpu.memory_space<vmem>>, %arg5: memref<128x128xf32, #tpu.memory_space<vmem>>, %arg6: memref<128x128xf32, #tpu.memory_space<vmem>>, %arg7: memref<128x128xf32, #tpu.memory_space<vmem>>, %arg8: memref<128x128xf32, #tpu.memory_space<vmem>>, %arg9: memref<128x128xf32, #tpu.memory_space<vmem>>, %arg10: memref<128x128xf32, #tpu.memory_space<vmem>>, %arg11: memref<1x128xf32, #tpu.memory_space<vmem>>, %arg12: memref<1x128xf32, #tpu.memory_space<vmem>>, %arg13: memref<128x128xf32, #tpu.memory_space<vmem>>, %arg14: memref<128x128xf32, #tpu.memory_space<vmem>>, %arg15: memref<128x128xf32, #tpu.memory_space<vmem>>, %arg16: memref<128x128xf32, #tpu.memory_space<vmem>>, %arg17: memref<128x128xf32, #tpu.memory_space<vmem>>, %arg18: memref<128x128xf32, #tpu.memory_space<vmem>>, %arg19: memref<1x128xf32, #tpu.memory_space<vmem>>, %arg20: memref<1x128xf32, #tpu.memory_space<vmem>>, %arg21: memref<2000x128xf32, #tpu.memory_space<vmem>>, %arg22: memref<2000x128xf32, #tpu.memory_space<vmem>>) attributes {dimension_semantics = [#tpu.dimension_semantics<arbitrary>], iteration_bounds = array<i64: 5>, scalar_prefetch = 0 : i64, scratch_operands = 0 : i64, tpu.core_type = #tpu.core_type<tc>, window_params = [{transform_indices = @transform_0, window_bounds = array<i64: 2000, 128>}, {transform_indices = @transform_1, window_bounds = array<i64: 2000, 128>}, {transform_indices = @transform_2, window_bounds = array<i64: 2000, 128>}, {transform_indices = @transform_3, window_bounds = array<i64: 2000, 128>}, {pipeline_mode = #tpu.pipeline_mode<synchronous>, transform_indices = @transform_4, window_bounds = array<i64: 128, 128>}, {pipeline_mode = #tpu.pipeline_mode<synchronous>, transform_indices = @transform_5, window_bounds = array<i64: 128, 128>}, {pipeline_mode = #tpu.pipeline_mode<synchronous>, transform_indices = @transform_6, window_bounds = array<i64: 128, 128>}, {pipeline_mode = #tpu.pipeline_mode<synchronous>, transform_indices = @transform_7, window_bounds = array<i64: 128, 128>}, {pipeline_mode = #tpu.pipeline_mode<synchronous>, transform_indices = @transform_8, window_bounds = array<i64: 128, 128>}, {pipeline_mode = #tpu.pipeline_mode<synchronous>, transform_indices = @transform_9, window_bounds = array<i64: 128, 128>}, {pipeline_mode = #tpu.pipeline_mode<synchronous>, transform_indices = @transform_10, window_bounds = array<i64: 1, 128>}, {pipeline_mode = #tpu.pipeline_mode<synchronous>, transform_indices = @transform_11, window_bounds = array<i64: 1, 128>}, {pipeline_mode = #tpu.pipeline_mode<synchronous>, transform_indices = @transform_12, window_bounds = array<i64: 128, 128>}, {pipeline_mode = #tpu.pipeline_mode<synchronous>, transform_indices = @transform_13, window_bounds = array<i64: 128, 128>}, {pipeline_mode = #tpu.pipeline_mode<synchronous>, transform_indices = @transform_14, window_bounds = array<i64: 128, 128>}, {pipeline_mode = #tpu.pipeline_mode<synchronous>, transform_indices = @transform_15, window_bounds = array<i64: 128, 128>}, {pipeline_mode = #tpu.pipeline_mode<synchronous>, transform_indices = @transform_16, window_bounds = array<i64: 128, 128>}, {pipeline_mode = #tpu.pipeline_mode<synchronous>, transform_indices = @transform_17, window_bounds = array<i64: 128, 128>}, {pipeline_mode = #tpu.pipeline_mode<synchronous>, transform_indices = @transform_18, window_bounds = array<i64: 1, 128>}, {pipeline_mode = #tpu.pipeline_mode<synchronous>, transform_indices = @transform_19, window_bounds = array<i64: 1, 128>}, {transform_indices = @transform_20, window_bounds = array<i64: 2000, 128>}, {transform_indices = @transform_21, window_bounds = array<i64: 2000, 128>}]} {
    %get3A = arith.constant 0 : index
    %get3A_0 = arith.constant 0 : index
    %get3A_1 = vector.load %arg1[%get3A, %get3A_0] : memref<2000x128xf32, #tpu.memory_space<vmem>>, vector<2000x128xf32>
    %get3A_2 = arith.constant 0 : index
    %get3A_3 = arith.constant 0 : index
    %get3A_4 = vector.load %arg5[%get3A_2, %get3A_3] : memref<128x128xf32, #tpu.memory_space<vmem>>, vector<128x128xf32>
    %dot_general3A = arith.constant dense<0.000000e+00> : vector<2000x128xf32>
    %dot_general3A_5 = tpu.matmul %get3A_1, %get3A_4, %dot_general3A {dimension_numbers = #tpu.dot_dimension_numbers<[1], [0], [0], [1], [0, 0, 1, 1], [], []>, transpose_lhs_hint = false} : vector<2000x128xf32>, vector<128x128xf32>, vector<2000x128xf32> -> vector<2000x128xf32>
    %ge3A = arith.constant 0.000000e+00 : f32
    %ge3A_6 = vector.broadcast %ge3A : f32 to vector<2000x128xf32>
    %ge3A_7 = arith.cmpf oge, %dot_general3A_5, %ge3A_6 : vector<2000x128xf32>
    %mul3A = arith.constant 2.000000e-01 : f32
    %mul3A_8 = vector.broadcast %mul3A : f32 to vector<2000x128xf32>
    %mul3A_9 = arith.mulf %mul3A_8, %dot_general3A_5 : vector<2000x128xf32>
    %select_n3A = arith.select %ge3A_7, %dot_general3A_5, %mul3A_9 : vector<2000x128xi1>, vector<2000x128xf32>
    %get3A_10 = arith.constant 0 : index
    %get3A_11 = arith.constant 0 : index
    %get3A_12 = vector.load %arg1[%get3A_10, %get3A_11] : memref<2000x128xf32, #tpu.memory_space<vmem>>, vector<2000x128xf32>
    %get3A_13 = arith.constant 0 : index
    %get3A_14 = arith.constant 0 : index
    %get3A_15 = vector.load %arg6[%get3A_13, %get3A_14] : memref<128x128xf32, #tpu.memory_space<vmem>>, vector<128x128xf32>
    %dot_general3A_16 = arith.constant dense<0.000000e+00> : vector<2000x128xf32>
    %dot_general3A_17 = tpu.matmul %get3A_12, %get3A_15, %dot_general3A_16 {dimension_numbers = #tpu.dot_dimension_numbers<[1], [0], [0], [1], [0, 0, 1, 1], [], []>, transpose_lhs_hint = false} : vector<2000x128xf32>, vector<128x128xf32>, vector<2000x128xf32> -> vector<2000x128xf32>
    %ge3A_18 = arith.constant 0.000000e+00 : f32
    %ge3A_19 = vector.broadcast %ge3A_18 : f32 to vector<2000x128xf32>
    %ge3A_20 = arith.cmpf oge, %dot_general3A_17, %ge3A_19 : vector<2000x128xf32>
    %mul3A_21 = arith.constant 2.000000e-01 : f32
    %mul3A_22 = vector.broadcast %mul3A_21 : f32 to vector<2000x128xf32>
    %mul3A_23 = arith.mulf %mul3A_22, %dot_general3A_17 : vector<2000x128xf32>
    %select_n3A_24 = arith.select %ge3A_20, %dot_general3A_17, %mul3A_23 : vector<2000x128xi1>, vector<2000x128xf32>
    %get3A_25 = arith.constant 0 : index
    %get3A_26 = arith.constant 0 : index
    %get3A_27 = vector.load %arg7[%get3A_25, %get3A_26] : memref<128x128xf32, #tpu.memory_space<vmem>>, vector<128x128xf32>
    %dot_general3A_28 = arith.constant dense<0.000000e+00> : vector<2000x128xf32>
    %dot_general3A_29 = tpu.matmul %select_n3A, %get3A_27, %dot_general3A_28 {dimension_numbers = #tpu.dot_dimension_numbers<[1], [0], [0], [1], [0, 0, 1, 1], [], []>, transpose_lhs_hint = false} : vector<2000x128xf32>, vector<128x128xf32>, vector<2000x128xf32> -> vector<2000x128xf32>
    %get3A_30 = arith.constant 0 : index
    %get3A_31 = arith.constant 0 : index
    %get3A_32 = vector.load %arg2[%get3A_30, %get3A_31] : memref<2000x128xf32, #tpu.memory_space<vmem>>, vector<2000x128xf32>
    %get3A_33 = arith.constant 0 : index
    %get3A_34 = arith.constant 0 : index
    %get3A_35 = vector.load %arg8[%get3A_33, %get3A_34] : memref<128x128xf32, #tpu.memory_space<vmem>>, vector<128x128xf32>
    %dot_general3A_36 = arith.constant dense<0.000000e+00> : vector<2000x128xf32>
    %dot_general3A_37 = tpu.matmul %get3A_32, %get3A_35, %dot_general3A_36 {dimension_numbers = #tpu.dot_dimension_numbers<[1], [0], [0], [1], [0, 0, 1, 1], [], []>, transpose_lhs_hint = false} : vector<2000x128xf32>, vector<128x128xf32>, vector<2000x128xf32> -> vector<2000x128xf32>
    %add3A = arith.addf %dot_general3A_29, %dot_general3A_37 : vector<2000x128xf32>
    %get3A_38 = arith.constant 0 : index
    %get3A_39 = arith.constant 0 : index
    %get3A_40 = vector.load %arg11[%get3A_38, %get3A_39] : memref<1x128xf32, #tpu.memory_space<vmem>>, vector<1x128xf32>
    %add3A_41 = vector.broadcast %get3A_40 : vector<1x128xf32> to vector<2000x128xf32>
    %add3A_42 = arith.addf %add3A, %add3A_41 : vector<2000x128xf32>
    %get3A_43 = arith.constant 0 : index
    %get3A_44 = arith.constant 0 : index
    %get3A_45 = vector.load %arg9[%get3A_43, %get3A_44] : memref<128x128xf32, #tpu.memory_space<vmem>>, vector<128x128xf32>
    %dot_general3A_46 = arith.constant dense<0.000000e+00> : vector<2000x128xf32>
    %dot_general3A_47 = tpu.matmul %select_n3A_24, %get3A_45, %dot_general3A_46 {dimension_numbers = #tpu.dot_dimension_numbers<[1], [0], [0], [1], [0, 0, 1, 1], [], []>, transpose_lhs_hint = false} : vector<2000x128xf32>, vector<128x128xf32>, vector<2000x128xf32> -> vector<2000x128xf32>
    %get3A_48 = arith.constant 0 : index
    %get3A_49 = arith.constant 0 : index
    %get3A_50 = vector.load %arg2[%get3A_48, %get3A_49] : memref<2000x128xf32, #tpu.memory_space<vmem>>, vector<2000x128xf32>
    %get3A_51 = arith.constant 0 : index
    %get3A_52 = arith.constant 0 : index
    %get3A_53 = vector.load %arg10[%get3A_51, %get3A_52] : memref<128x128xf32, #tpu.memory_space<vmem>>, vector<128x128xf32>
    %dot_general3A_54 = arith.constant dense<0.000000e+00> : vector<2000x128xf32>
    %dot_general3A_55 = tpu.matmul %get3A_50, %get3A_53, %dot_general3A_54 {dimension_numbers = #tpu.dot_dimension_numbers<[1], [0], [0], [1], [0, 0, 1, 1], [], []>, transpose_lhs_hint = false} : vector<2000x128xf32>, vector<128x128xf32>, vector<2000x128xf32> -> vector<2000x128xf32>
    %add3A_56 = arith.addf %dot_general3A_47, %dot_general3A_55 : vector<2000x128xf32>
    %get3A_57 = arith.constant 0 : index
    %get3A_58 = arith.constant 0 : index
    %get3A_59 = vector.load %arg12[%get3A_57, %get3A_58] : memref<1x128xf32, #tpu.memory_space<vmem>>, vector<1x128xf32>
    %add3A_60 = vector.broadcast %get3A_59 : vector<1x128xf32> to vector<2000x128xf32>
    %add3A_61 = arith.addf %add3A_56, %add3A_60 : vector<2000x128xf32>
    %get3A_62 = arith.constant 0 : index
    %get3A_63 = arith.constant 0 : index
    %get3A_64 = vector.load %arg3[%get3A_62, %get3A_63] : memref<2000x128xf32, #tpu.memory_space<vmem>>, vector<2000x128xf32>
    %get3A_65 = arith.constant 0 : index
    %get3A_66 = arith.constant 0 : index
    %get3A_67 = vector.load %arg13[%get3A_65, %get3A_66] : memref<128x128xf32, #tpu.memory_space<vmem>>, vector<128x128xf32>
    %dot_general3A_68 = arith.constant dense<0.000000e+00> : vector<2000x128xf32>
    %dot_general3A_69 = tpu.matmul %get3A_64, %get3A_67, %dot_general3A_68 {dimension_numbers = #tpu.dot_dimension_numbers<[1], [0], [0], [1], [0, 0, 1, 1], [], []>, transpose_lhs_hint = false} : vector<2000x128xf32>, vector<128x128xf32>, vector<2000x128xf32> -> vector<2000x128xf32>
    %ge3A_70 = arith.constant 0.000000e+00 : f32
    %ge3A_71 = vector.broadcast %ge3A_70 : f32 to vector<2000x128xf32>
    %ge3A_72 = arith.cmpf oge, %dot_general3A_69, %ge3A_71 : vector<2000x128xf32>
    %mul3A_73 = arith.constant 2.000000e-01 : f32
    %mul3A_74 = vector.broadcast %mul3A_73 : f32 to vector<2000x128xf32>
    %mul3A_75 = arith.mulf %mul3A_74, %dot_general3A_69 : vector<2000x128xf32>
    %select_n3A_76 = arith.select %ge3A_72, %dot_general3A_69, %mul3A_75 : vector<2000x128xi1>, vector<2000x128xf32>
    %get3A_77 = arith.constant 0 : index
    %get3A_78 = arith.constant 0 : index
    %get3A_79 = vector.load %arg3[%get3A_77, %get3A_78] : memref<2000x128xf32, #tpu.memory_space<vmem>>, vector<2000x128xf32>
    %get3A_80 = arith.constant 0 : index
    %get3A_81 = arith.constant 0 : index
    %get3A_82 = vector.load %arg14[%get3A_80, %get3A_81] : memref<128x128xf32, #tpu.memory_space<vmem>>, vector<128x128xf32>
    %dot_general3A_83 = arith.constant dense<0.000000e+00> : vector<2000x128xf32>
    %dot_general3A_84 = tpu.matmul %get3A_79, %get3A_82, %dot_general3A_83 {dimension_numbers = #tpu.dot_dimension_numbers<[1], [0], [0], [1], [0, 0, 1, 1], [], []>, transpose_lhs_hint = false} : vector<2000x128xf32>, vector<128x128xf32>, vector<2000x128xf32> -> vector<2000x128xf32>
    %ge3A_85 = arith.constant 0.000000e+00 : f32
    %ge3A_86 = vector.broadcast %ge3A_85 : f32 to vector<2000x128xf32>
    %ge3A_87 = arith.cmpf oge, %dot_general3A_84, %ge3A_86 : vector<2000x128xf32>
    %mul3A_88 = arith.constant 2.000000e-01 : f32
    %mul3A_89 = vector.broadcast %mul3A_88 : f32 to vector<2000x128xf32>
    %mul3A_90 = arith.mulf %mul3A_89, %dot_general3A_84 : vector<2000x128xf32>
    %select_n3A_91 = arith.select %ge3A_87, %dot_general3A_84, %mul3A_90 : vector<2000x128xi1>, vector<2000x128xf32>
    %get3A_92 = arith.constant 0 : index
    %get3A_93 = arith.constant 0 : index
    %get3A_94 = vector.load %arg15[%get3A_92, %get3A_93] : memref<128x128xf32, #tpu.memory_space<vmem>>, vector<128x128xf32>
    %dot_general3A_95 = arith.constant dense<0.000000e+00> : vector<2000x128xf32>
    %dot_general3A_96 = tpu.matmul %select_n3A_76, %get3A_94, %dot_general3A_95 {dimension_numbers = #tpu.dot_dimension_numbers<[1], [0], [0], [1], [0, 0, 1, 1], [], []>, transpose_lhs_hint = false} : vector<2000x128xf32>, vector<128x128xf32>, vector<2000x128xf32> -> vector<2000x128xf32>
    %get3A_97 = arith.constant 0 : index
    %get3A_98 = arith.constant 0 : index
    %get3A_99 = vector.load %arg4[%get3A_97, %get3A_98] : memref<2000x128xf32, #tpu.memory_space<vmem>>, vector<2000x128xf32>
    %get3A_100 = arith.constant 0 : index
    %get3A_101 = arith.constant 0 : index
    %get3A_102 = vector.load %arg16[%get3A_100, %get3A_101] : memref<128x128xf32, #tpu.memory_space<vmem>>, vector<128x128xf32>
    %dot_general3A_103 = arith.constant dense<0.000000e+00> : vector<2000x128xf32>
    %dot_general3A_104 = tpu.matmul %get3A_99, %get3A_102, %dot_general3A_103 {dimension_numbers = #tpu.dot_dimension_numbers<[1], [0], [0], [1], [0, 0, 1, 1], [], []>, transpose_lhs_hint = false} : vector<2000x128xf32>, vector<128x128xf32>, vector<2000x128xf32> -> vector<2000x128xf32>
    %add3A_105 = arith.addf %dot_general3A_96, %dot_general3A_104 : vector<2000x128xf32>
    %get3A_106 = arith.constant 0 : index
    %get3A_107 = arith.constant 0 : index
    %get3A_108 = vector.load %arg19[%get3A_106, %get3A_107] : memref<1x128xf32, #tpu.memory_space<vmem>>, vector<1x128xf32>
    %add3A_109 = vector.broadcast %get3A_108 : vector<1x128xf32> to vector<2000x128xf32>
    %add3A_110 = arith.addf %add3A_105, %add3A_109 : vector<2000x128xf32>
    %get3A_111 = arith.constant 0 : index
    %get3A_112 = arith.constant 0 : index
    %get3A_113 = vector.load %arg17[%get3A_111, %get3A_112] : memref<128x128xf32, #tpu.memory_space<vmem>>, vector<128x128xf32>
    %dot_general3A_114 = arith.constant dense<0.000000e+00> : vector<2000x128xf32>
    %dot_general3A_115 = tpu.matmul %select_n3A_91, %get3A_113, %dot_general3A_114 {dimension_numbers = #tpu.dot_dimension_numbers<[1], [0], [0], [1], [0, 0, 1, 1], [], []>, transpose_lhs_hint = false} : vector<2000x128xf32>, vector<128x128xf32>, vector<2000x128xf32> -> vector<2000x128xf32>
    %get3A_116 = arith.constant 0 : index
    %get3A_117 = arith.constant 0 : index
    %get3A_118 = vector.load %arg4[%get3A_116, %get3A_117] : memref<2000x128xf32, #tpu.memory_space<vmem>>, vector<2000x128xf32>
    %get3A_119 = arith.constant 0 : index
    %get3A_120 = arith.constant 0 : index
    %get3A_121 = vector.load %arg18[%get3A_119, %get3A_120] : memref<128x128xf32, #tpu.memory_space<vmem>>, vector<128x128xf32>
    %dot_general3A_122 = arith.constant dense<0.000000e+00> : vector<2000x128xf32>
    %dot_general3A_123 = tpu.matmul %get3A_118, %get3A_121, %dot_general3A_122 {dimension_numbers = #tpu.dot_dimension_numbers<[1], [0], [0], [1], [0, 0, 1, 1], [], []>, transpose_lhs_hint = false} : vector<2000x128xf32>, vector<128x128xf32>, vector<2000x128xf32> -> vector<2000x128xf32>
    %add3A_124 = arith.addf %dot_general3A_115, %dot_general3A_123 : vector<2000x128xf32>
    %get3A_125 = arith.constant 0 : index
    %get3A_126 = arith.constant 0 : index
    %get3A_127 = vector.load %arg20[%get3A_125, %get3A_126] : memref<1x128xf32, #tpu.memory_space<vmem>>, vector<1x128xf32>
    %add3A_128 = vector.broadcast %get3A_127 : vector<1x128xf32> to vector<2000x128xf32>
    %add3A_129 = arith.addf %add3A_124, %add3A_128 : vector<2000x128xf32>
    %mul3A_130 = arith.constant 5.000000e-01 : f32
    %mul3A_131 = vector.broadcast %mul3A_130 : f32 to vector<2000x128xf32>
    %mul3A_132 = arith.mulf %mul3A_131, %add3A_42 : vector<2000x128xf32>
    %mul3A_133 = arith.constant 5.000000e-01 : f32
    %mul3A_134 = vector.broadcast %mul3A_133 : f32 to vector<2000x128xf32>
    %mul3A_135 = arith.mulf %mul3A_134, %add3A_110 : vector<2000x128xf32>
    %add3A_136 = arith.addf %mul3A_132, %mul3A_135 : vector<2000x128xf32>
    %swap3A = arith.constant 0 : index
    %swap3A_137 = arith.constant 0 : index
    %swap3A_138 = vector.load %arg21[%swap3A, %swap3A_137] : memref<2000x128xf32, #tpu.memory_space<vmem>>, vector<2000x128xf32>
    tpu.vector_store %arg21[%swap3A, %swap3A_137], %add3A_136 {strides = array<i32>} : memref<2000x128xf32, #tpu.memory_space<vmem>>, vector<2000x128xf32>,
    %mul3A_139 = arith.constant 5.000000e-01 : f32
    %mul3A_140 = vector.broadcast %mul3A_139 : f32 to vector<2000x128xf32>
    %mul3A_141 = arith.mulf %mul3A_140, %add3A_61 : vector<2000x128xf32>
    %mul3A_142 = arith.constant 5.000000e-01 : f32
    %mul3A_143 = vector.broadcast %mul3A_142 : f32 to vector<2000x128xf32>
    %mul3A_144 = arith.mulf %mul3A_143, %add3A_129 : vector<2000x128xf32>
    %add3A_145 = arith.addf %mul3A_141, %mul3A_144 : vector<2000x128xf32>
    %swap3A_146 = arith.constant 0 : index
    %swap3A_147 = arith.constant 0 : index
    %swap3A_148 = vector.load %arg22[%swap3A_146, %swap3A_147] : memref<2000x128xf32, #tpu.memory_space<vmem>>, vector<2000x128xf32>
    tpu.vector_store %arg22[%swap3A_146, %swap3A_147], %add3A_145 {strides = array<i32>} : memref<2000x128xf32, #tpu.memory_space<vmem>>, vector<2000x128xf32>,
    return
  }
  func.func @transform_0(%arg0: i32) -> (i32, i32) {
    %c0_i32 = arith.constant 0 : i32
    %c0_i32_0 = arith.constant 0 : i32
    return %arg0, %c0_i32 : i32, i32
  }
  func.func @transform_1(%arg0: i32) -> (i32, i32) {
    %c0_i32 = arith.constant 0 : i32
    %c0_i32_0 = arith.constant 0 : i32
    return %arg0, %c0_i32 : i32, i32
  }
  func.func @transform_2(%arg0: i32) -> (i32, i32) {
    %c0_i32 = arith.constant 0 : i32
    %c0_i32_0 = arith.constant 0 : i32
    return %arg0, %c0_i32 : i32, i32
  }
  func.func @transform_3(%arg0: i32) -> (i32, i32) {
    %c0_i32 = arith.constant 0 : i32
    %c0_i32_0 = arith.constant 0 : i32
    return %arg0, %c0_i32 : i32, i32
  }
  func.func @transform_4(%arg0: i32) -> (i32, i32) {
    %c0_i32 = arith.constant 0 : i32
    %c0_i32_0 = arith.constant 0 : i32
    %c0_i32_1 = arith.constant 0 : i32
    return %c0_i32, %c0_i32_0 : i32, i32
  }
  func.func @transform_5(%arg0: i32) -> (i32, i32) {
    %c0_i32 = arith.constant 0 : i32
    %c0_i32_0 = arith.constant 0 : i32
    %c0_i32_1 = arith.constant 0 : i32
    return %c0_i32, %c0_i32_0 : i32, i32
  }
  func.func @transform_6(%arg0: i32) -> (i32, i32) {
    %c0_i32 = arith.constant 0 : i32
    %c0_i32_0 = arith.constant 0 : i32
    %c0_i32_1 = arith.constant 0 : i32
    return %c0_i32, %c0_i32_0 : i32, i32
  }
  func.func @transform_7(%arg0: i32) -> (i32, i32) {
    %c0_i32 = arith.constant 0 : i32
    %c0_i32_0 = arith.constant 0 : i32
    %c0_i32_1 = arith.constant 0 : i32
    return %c0_i32, %c0_i32_0 : i32, i32
  }
  func.func @transform_8(%arg0: i32) -> (i32, i32) {
    %c0_i32 = arith.constant 0 : i32
    %c0_i32_0 = arith.constant 0 : i32
    %c0_i32_1 = arith.constant 0 : i32
    return %c0_i32, %c0_i32_0 : i32, i32
  }
  func.func @transform_9(%arg0: i32) -> (i32, i32) {
    %c0_i32 = arith.constant 0 : i32
    %c0_i32_0 = arith.constant 0 : i32
    %c0_i32_1 = arith.constant 0 : i32
    return %c0_i32, %c0_i32_0 : i32, i32
  }
  func.func @transform_10(%arg0: i32) -> (i32, i32) {
    %c0_i32 = arith.constant 0 : i32
    %c0_i32_0 = arith.constant 0 : i32
    %c0_i32_1 = arith.constant 0 : i32
    return %c0_i32, %c0_i32_0 : i32, i32
  }
  func.func @transform_11(%arg0: i32) -> (i32, i32) {
    %c0_i32 = arith.constant 0 : i32
    %c0_i32_0 = arith.constant 0 : i32
    %c0_i32_1 = arith.constant 0 : i32
    return %c0_i32, %c0_i32_0 : i32, i32
  }
  func.func @transform_12(%arg0: i32) -> (i32, i32) {
    %c0_i32 = arith.constant 0 : i32
    %c0_i32_0 = arith.constant 0 : i32
    %c0_i32_1 = arith.constant 0 : i32
    return %c0_i32, %c0_i32_0 : i32, i32
  }
  func.func @transform_13(%arg0: i32) -> (i32, i32) {
    %c0_i32 = arith.constant 0 : i32
    %c0_i32_0 = arith.constant 0 : i32
    %c0_i32_1 = arith.constant 0 : i32
    return %c0_i32, %c0_i32_0 : i32, i32
  }
  func.func @transform_14(%arg0: i32) -> (i32, i32) {
    %c0_i32 = arith.constant 0 : i32
    %c0_i32_0 = arith.constant 0 : i32
    %c0_i32_1 = arith.constant 0 : i32
    return %c0_i32, %c0_i32_0 : i32, i32
  }
  func.func @transform_15(%arg0: i32) -> (i32, i32) {
    %c0_i32 = arith.constant 0 : i32
    %c0_i32_0 = arith.constant 0 : i32
    %c0_i32_1 = arith.constant 0 : i32
    return %c0_i32, %c0_i32_0 : i32, i32
  }
  func.func @transform_16(%arg0: i32) -> (i32, i32) {
    %c0_i32 = arith.constant 0 : i32
    %c0_i32_0 = arith.constant 0 : i32
    %c0_i32_1 = arith.constant 0 : i32
    return %c0_i32, %c0_i32_0 : i32, i32
  }
  func.func @transform_17(%arg0: i32) -> (i32, i32) {
    %c0_i32 = arith.constant 0 : i32
    %c0_i32_0 = arith.constant 0 : i32
    %c0_i32_1 = arith.constant 0 : i32
    return %c0_i32, %c0_i32_0 : i32, i32
  }
  func.func @transform_18(%arg0: i32) -> (i32, i32) {
    %c0_i32 = arith.constant 0 : i32
    %c0_i32_0 = arith.constant 0 : i32
    %c0_i32_1 = arith.constant 0 : i32
    return %c0_i32, %c0_i32_0 : i32, i32
  }
  func.func @transform_19(%arg0: i32) -> (i32, i32) {
    %c0_i32 = arith.constant 0 : i32
    %c0_i32_0 = arith.constant 0 : i32
    %c0_i32_1 = arith.constant 0 : i32
    return %c0_i32, %c0_i32_0 : i32, i32
  }
  func.func @transform_20(%arg0: i32) -> (i32, i32) {
    %c0_i32 = arith.constant 0 : i32
    %c0_i32_0 = arith.constant 0 : i32
    return %arg0, %c0_i32 : i32, i32
  }
  func.func @transform_21(%arg0: i32) -> (i32, i32) {
    %c0_i32 = arith.constant 0 : i32
    %c0_i32_0 = arith.constant 0 : i32
    return %arg0, %c0_i32 : i32, i32
  }
}

</mosaic_0001>

<sc_bundles>
// kernel: kernel.6.cloned.1.call-start
scs
__scs_entry_jumppad:
0x0: {  	(pc) =	sbr.rel $0x88, $3  }
0x1: {  	(tag) =	ssettag $0x0;
	lr =	simm.s32 $0x1  }
0x2: {  	[smem:$0x3F8F] =	sst lr;
	_ =	strace $0xD0000000  }
0x3: {  	_ = 	snop  }
0x4: {  	_ = 	snop  }
0x5: {  	_ = 	snop  }
0x6: {  	_ = 	snop  }
0x7: {  	_ = 	snop  }
__scs_overlays_trampoline_lowered:
0x8: {  	[smem:$0x3F9E] =	sst s0  }
0x9: {  	[smem:$0x3F9F] =	sst s1  }
0xa: {  	[smem:$0x3FA0] =	sst s2  }
0xb: {  	[smem:$0x3FA1] =	sst s3  }
0xc: {  	[smem:$0x3FA2] =	sst s4  }
0xd: {  	[smem:$0x3FA3] =	sst s5  }
0xe: {  	[smem:$0x3FA4] =	sst s6  }
0xf: {  	[smem:$0x3FA5] =	sst s7  }
0x10: {  	[smem:$0x3FA6] =	sst s8  }
0x11: {  	[smem:$0x3FA7] =	sst s9;
	s0 =	simm.s32 @!p0 $0x0  }
0x12: {  	s1 =	sld [smem:$0x3F8D];
	s0 =	simm.s32 @p0 $0x1  }
0x13: {  	[smem:$0x3FA8] =	sst s0;
	s0 =	simm.s32 @!p1 $0x0  }
0x14: {  	s2 =	sld [smem:$0x3F8C];
	s0 =	simm.s32 @p1 $0x1  }
0x15: {  	[smem:$0x3FA9] =	sst s0;
	s0 =	simm.s32 @!p2 $0x0  }
0x16: {  	s3 =	sld [smem:$0x3FDB];
	s0 =	simm.s32 @p2 $0x1  }
0x17: {  	s4 =	simm.s32 $0x1BF5;
	[smem:$0x3FAB] =	sst s0  }
0x18: {  	s0 =	sld [smem:$0x3F8E];
	_ =	swait.ge [sflag:s4], $0x0  }
0x19: {  	s7 =	sld [smem:$0x3F8F]  }
0x1a: {  	s8 =	sadd.s32 $0xFFFFE003, lr  }
0x1b: {  	s9 =	sadd.s32 $0xFFFFFEF7, lr;
	s5 =	simm.s32 $0xFFFFFFFF;
	p2 =	slt.u32 s8, $0xFFFFF086  }
0x1c: {  	p1 =	slt.u32 s9, $0xF7A;
	s5 =	simm.s32 @!p2 $0x0  }
0x1d: {  	s5 =	simm.s32 @p1 $0x1;
	p0 =	seq.s32 s7, s2  }
0x1e: {  	s7 =	smul.u32 @!p0 $0xF7A, s2;
	p2 =	seq.s32 @!p0 s5, $0x0  }
0x1f: {  	s9 =	smul.u32 $0xF7A, s1;
	s8 =	simm.s32 @!p0 $0x1BF5;
	p2 =	por !p2, p0  }
0x20: {  	[sflag:s8] =	ssyncset.s32 @!p0 $0xFFFFF086;
	s6 =	sadd.s32 @!p0 s3, s7;
	s7 =	simm.s32 @!p0 $0x108  }
0x21: {  	s3 =	sadd.s32 s3, s9;
	s6 =	sadd.s32 @!p0 $0x88, s6;
	s7 =	simm.s32 @p2 $0x1082  }
0x22: {  	[simem:s7], [sflag:s8] =	dma.local @!p0 [hbm:s6], $0xF7A  }
0x23: {  	s9 =	sor.u32 $0xD0000000, s2;
	s6 =	simm.s32 $0x108;
	_ =	swait.ge @!p0 [sflag:s8], $0x0  }
0x24: {  	s3 =	sadd.s32 $0x88, s3;
	s6 =	simm.s32 @!p1 $0x1082;
	[sflag:s4] =	ssyncset.s32 $0xFFFFF086  }
0x25: {  	[simem:s6], [sflag:s4] =	dma.local [hbm:s3], $0xF7A  }
0x26: {  	[smem:$0x3F8F] =	sst s1;
	(tag) =	ssettag s2;
	_ =	strace s9  }
0x27: {  	s1 =	sld [smem:$0x3F9F]  }
0x28: {  	s2 =	sld [smem:$0x3FA0]  }
0x29: {  	s4 =	sld [smem:$0x3FA2]  }
0x2a: {  	p0 =	seq.s32 s5, $0x0;
	s5 =	sld [smem:$0x3FA3]  }
0x2b: {  	s6 =	sld [smem:$0x3FA4]  }
0x2c: {  	s7 =	sld [smem:$0x3FA5]  }
0x2d: {  	s3 =	simm.s32 $0x108;
	s8 =	sld [smem:$0x3FA6]  }
0x2e: {  	s3 =	simm.s32 @!p0 $0x1082;
	s9 =	sld [smem:$0x3FA7]  }
0x2f: {  	lr =	sadd.s32 s0, s3;
	s0 =	sld [smem:$0x3F9E]  }
0x30: {  	s3 =	sld [smem:$0x3FA1]  }
0x31: {  	[smem:$0x3FAA] =	sst s10  }
0x32: {  	s10 =	sld [smem:$0x3FA8];
	_ =	sdelay $0x3  }
0x33: {  	p0 =	seq.s32 s10, $0x1;
	s10 =	sld [smem:$0x3FAA];
	_ =	sdelay $0x3  }
0x34: {  	[smem:$0x3FAA] =	sst s10  }
0x35: {  	s10 =	sld [smem:$0x3FA9];
	_ =	sdelay $0x3  }
0x36: {  	p1 =	seq.s32 s10, $0x1;
	s10 =	sld [smem:$0x3FAA];
	_ =	sdelay $0x3  }
0x37: {  	[smem:$0x3FAA] =	sst s10  }
0x38: {  	s10 =	sld [smem:$0x3FAB]  }
0x39: {  	_ = 	snop;
	(pc) =	sbr.ind lr, $3  }
0x3a: {  	_ = 	snop  }
0x3b: {  	_ = 	snop  }
0x3c: {  	p2 =	seq.s32 s10, $0x1;
	s10 =	sld [smem:$0x3FAA]  }
0x3d: {  	_ =	shalt  }
0x3e: {  	_ =	shalt  }
0x3f: {  	_ =	shalt  }
0x40: {  	_ =	shalt  }
0x41: {  	_ =	shalt  }
0x42: {  	_ =	shalt  }
0x43: {  	_ =	shalt  }
0x44: {  	_ =	shalt  }
0x45: {  	_ =	shalt  }
0x46: {  	_ =	shalt  }
0x47: {  	_ =	shalt  }
0x48: {  	_ =	shalt  }
0x49: {  	_ =	shalt  }
0x4a: {  	_ =	shalt  }
0x4b: {  	_ =	shalt  }
0x4c: {  	_ =	shalt  }
0x4d: {  	_ =	shalt  }
0x4e: {  	_ =	shalt  }
0x4f: {  	_ =	shalt  }
0x50: {  	_ =	shalt  }
0x51: {  	_ =	shalt  }
0x52: {  	_ =	shalt  }
0x53: {  	_ =	shalt  }
0x54: {  	_ =	shalt  }
0x55: {  	_ =	shalt  }
0x56: {  	_ =	shalt  }
0x57: {  	_ =	shalt  }
0x58: {  	_ =	shalt  }
0x59: {  	_ =	shalt  }
0x5a: {  	_ =	shalt  }
0x5b: {  	_ =	shalt  }
0x5c: {  	_ =	shalt  }
0x5d: {  	_ =	shalt  }
0x5e: {  	_ =	shalt  }
0x5f: {  	_ =	shalt  }
0x60: {  	_ =	shalt  }
0x61: {  	_ =	shalt  }
0x62: {  	_ =	shalt  }
0x63: {  	_ =	shalt  }
0x64: {  	_ =	shalt  }
0x65: {  	_ =	shalt  }
0x66: {  	_ =	shalt  }
0x67: {  	_ =	shalt  }
0x68: {  	_ =	shalt  }
0x69: {  	_ =	shalt  }
0x6a: {  	_ =	shalt  }
0x6b: {  	_ =	shalt  }
0x6c: {  	_ =	shalt  }
0x6d: {  	_ =	shalt  }
0x6e: {  	_ =	shalt  }
0x6f: {  	_ =	shalt  }
0x70: {  	_ =	shalt  }
0x71: {  	_ =	shalt  }
0x72: {  	_ =	shalt  }
0x73: {  	_ =	shalt  }
0x74: {  	_ =	shalt  }
0x75: {  	_ =	shalt  }
0x76: {  	_ =	shalt  }
0x77: {  	_ =	shalt  }
0x78: {  	_ =	shalt  }
0x79: {  	_ =	shalt  }
0x7a: {  	_ =	shalt  }
0x7b: {  	_ =	shalt  }
0x7c: {  	_ =	shalt  }
0x7d: {  	_ =	shalt  }
0x7e: {  	_ =	shalt  }
0x7f: {  	_ =	shalt  }
0x80: {  	_ =	shalt  }
0x81: {  	_ =	shalt  }
0x82: {  	_ =	shalt  }
0x83: {  	_ =	shalt  }
0x84: {  	_ =	shalt  }
0x85: {  	_ =	shalt  }
0x86: {  	_ =	shalt  }
0x87: {  	_ =	shalt  }
.Lfunc_end0:
.L_simem_size_0:
called_computation_lowered:
.L_overlay_start_0:
0x88: {  	s2 =	sld [smem:$0x3FD9]  }
0x89: {  	s3 =	sld [smem:$0x3FFE];
	_ =	sdelay $0x1  }
0x8a: {  	s1 =	srdreg.scid  }
0x8b: {  	s0 =	sand.u32 $0x1, s1  }
0x8c: {  	s14 =	sshll.u32 s0, $0xA;
	s2 =	sadd.s32 s3, s2  }
0x8d: {  	s2 =	sadd.s32 s2, s14  }
0x8e: {  	[smem:$0x3FB6] =	sst s2  }
0x8f: {  	_ = 	snop  }
0x90: {  	s2 =	sld [smem:$0x3FD0];
	_ =	sdelay $0x1  }
0x91: {  	s15 =	sld [smem:$0x3FC9]  }
0x92: {  	s5 =	simm.s32 $0xA;
	s6 =	simm.s32 $0x10;
	s4 =	sld [smem:$0x3FC8]  }
0x93: {  	[smem:s6], [sflag:s5] =	dma.local [hbm:s2], $0x1  }
0x94: {  	_ =	swait.eq [sflag:s5], $0x1  }
0x95: {  	[sflag:s5] =	ssyncset.done $0x0  }
0x96: {  	s16 =	sld [smem:$0x10];
	[sflag:s5] =	ssyncadd.s32 $0xFFFFFFFF  }
0x97: {  	s17 =	sld [smem:$0x11];
	(tm) =	ssettm $0x1  }
0x98: {  	s18 =	sld [smem:$0x3FFB];
	_ =	sdelay $0x3  }
0x99: {  	_ =	strace s18  }
0x9a: {  	s6 =	sld [smem:$0x3FFC];
	_ =	sdelay $0x3  }
0x9b: {  	_ =	strace s6  }
0x9c: {  	s6 =	sld [smem:$0x3FFD];
	_ =	sdelay $0x3  }
0x9d: {  	_ =	strace s6  }
0x9e: {  	_ =	strace $0x8FFFFFFF  }
0x9f: {  	s19 =	sld [smem:$0x3FDB];
	_ =	sdelay $0x1  }
0xa0: {  	s7 =	simm.s32 $_scs_section_size  }
0xa1: {  	s8 =	simm.s32 $_size__tile_overlayer_lowered;
	s9 =	simm.s32 $_tile_overlayer_lowered  }
0xa2: {  	s22 =	simm.s32 $0x1BFF;
	s21 =	sshll.u32 s9, $0x1;
	s6 =	sadd.s32 s7, s19  }
0xa3: {  	s10 =	simm.s32 $0x0;
	s20 =	sshll.u32 s8, $0x1;
	s8 =	sadd.s32 s21, s6  }
0xa4: {  	[timem:s10], [sflag:s22] =	dma.local [hbm:s8], s20  }
0xa5: {  	_ =	swait.ge [sflag:s22], s20  }
0xa6: {  	s7 =	ssub.s32 $0x0, s20;
	[sflag:s22] =	ssyncset.done $0x0  }
0xa7: {  	[sflag:s22] =	ssyncadd.s32 s7;
	_ =	sdelay $0x1  }
0xa8: {  	s23 =	simm.s32 $0x1B8B  }
0xa9: {  	_ =	swait.ge [sflag:s23], $0x1  }
0xaa: {  	[sflag:s23] =	ssyncset.done $0x0  }
0xab: {  	s25 =	simm.s32 $0x1B8E;
	s24 =	sld [smem:$0x3FFE];
	[sflag:s23] =	ssyncadd.s32 $0xFFFFFFFF  }
0xac: {  	s26 =	simm.s32 $execute0_lowered;
	[smem:$0x3FD2] =	sst s25  }
0xad: {  	s8 =	sshll.u32 s26, $0x1;
	_ =	strace $0x80000046;
	[dreg:$0x1] =	wrdreg $0xFFFFFFFF  }
0xae: {  	s28 =	simm.s32 $_size_execute0_lowered;
	s6 =	sadd.s32 s6, s8;
	[dreg:$0x0] =	wrdreg $0x0  }
0xaf: {  	s8 =	sshll.u32 s28, $0x1;
	[dreg:$0x2] =	wrdreg s6  }
0xb0: {  	[dreg:$0x3] =	wrdreg s8  }
0xb1: {  	[dreg:$0x4] =	wrdreg $0xC0  }
0xb2: {  	_ =	task [dreg:s10], $0x5FFFF  }
0xb3: {  	[dreg:$0x1] =	wrdreg $0xFFFFFFFF  }
0xb4: {  	[dreg:$0x0] =	wrdreg $0x60  }
0xb5: {  	[dreg:$0x2] =	wrdreg s15  }
0xb6: {  	[dreg:$0x3] =	wrdreg s24  }
0xb7: {  	[dreg:$0x4] =	wrdreg s17  }
0xb8: {  	[dreg:$0x5] =	wrdreg s4  }
0xb9: {  	[dreg:$0x6] =	wrdreg s16  }
0xba: {  	[dreg:$0x7] =	wrdreg $0x7B000  }
0xbb: {  	[dreg:$0x8] =	wrdreg $0x9  }
0xbc: {  	_ =	task.clear_ibuf [dreg:s10], $0x9FFFF;
	_ =	strace $0x90000046  }
0xbd: {  	s29 =	simm.s32 $0x9;
	_ =	strace $0x80000048  }
0xbe: {  	_ =	swait.ge [sflag:s29], $0x1  }
0xbf: {  	[sflag:s29] =	ssyncadd.s32 $0xFFFFFFFF  }
0xc0: {  	_ =	strace $0x90000048  }
0xc1: {  	_ =	sfence  }
0xc2: {  	s30 =	sld [smem:$0x0];
	_ =	sdelay $0x2  }
0xc3: {  	s31 =	sshll.u32 s1, $0xD;
	s1 =	sshrl.u32 s1, $0x2  }
0xc4: {  	s3 =	sand.u32 $0x4000, s31;
	s1 =	sadd.s32 s1, s30  }
0xc5: {  	s0 =	sor.u32 s3, s0;
	s1 =	sshll.u32 s1, $0x11  }
0xc6: {  	s0 =	sor.u32 s1, s0  }
0xc7: {  	s0 =	sadd.s32 $0x8F2B, s0  }
0xc8: {  	[sflag:s0] =	ssyncadd.remote.s32 $0x1  }
0xc9: {  	_ =	sfence.sel $0xFFFF  }
0xca: {  	[dreg:$0x0] =	wrdreg $0xFFFFFFFF;
	(pc) =	sbr.abs _section_cstart, $3  }
0xcb: {  	[dreg:$0x1] =	wrdreg $0xFFFFFFFF  }
0xcc: {  	_ =	task.clear_ibuf [dreg:s10], $0x2FFFF;
	_ =	strace $0x9FFFFFFF  }
0xcd: {  	(tm) =	ssettm $0x7FFFFFFF  }
tec
execute0_lowered:
.L_overlay_start_1:
0x0: {  	(tag) =	ssettag $0x1  }
0x1: {  	s1 =	rddreg [dreg:$0x0]  }
0x2: {  	s0 =	rddreg [dreg:$0x1]  }
0x3: {  	s4 =	rddreg [dreg:$0x2]  }
0x4: {  	s2 =	rddreg [dreg:$0x3]  }
0x5: {  	s6 =	rddreg [dreg:$0x4]  }
0x6: {  	s3 =	rddreg [dreg:$0x5];
	s5 =	simm.s32 $0x0;
	s16 =	stileid.u32  }
0x7: {  	s7 =	srdreg.scid;
	s28 =	simm.s32 $0xA;
	s29 =	simm.s32 $0x80  }
0x8: {  	s30 =	simm.s32 $0x100;
	s31 =	simm.s32 $0x180;
	s12 =	smul.u32 $0x2780, s16  }
0x9: {  	[smem:$0x7FF] =	sst s5;
	s8 =	sadd.s32 $0xDA00, s0;
	s11 =	smul.u32 $0x4EC0, s16  }
0xa: {  	s7 =	sand.u32 $0x1, s7;
	s9 =	sadd.s32 $0x3C00, s0;
	s14 =	smul.u32 $0x4F000, s16  }
0xb: {  	s26 =	smul.u32 $0x9D8, s16;
	_ =	strace $0x80000047;
	s10 =	ssub.s32 $0x2, s7  }
0xc: {  	p0 =	seq.s32 s7, $0x1;
	[dreg:$0x7] =	wrdreg s12;
	s12 =	sadd.s32 s12, s0  }
0xd: {  	s13 =	sshrl.u32 s10, $0x1;
	s18 =	sshrl.u32 s11, $0x3;
	s11 =	sshrl.u32 s14, $0x2  }
0xe: {  	s10 =	ssub.s32 s10, s13;
	s19 =	sadd.s32 $0xA, s18;
	s21 =	sadd.s32 $0x14, s18  }
0xf: {  	s15 =	sadd.s32 s8, s18;
	s24 =	sadd.s32 s4, s18;
	s17 =	sadd.s32 s6, s18  }
0x10: {  	s7 =	sadd.s32 s9, s18;
	s18 =	sadd.s32 s26, s8;
	[dreg:$0x8] =	wrdreg s15  }
0x11: {  	s13 =	simm.s32 $0x280;
	s22 =	sadd.s32 s8, s19;
	[dreg:$0xb] =	wrdreg s24  }
0x12: {  	s23 =	sadd.s32 s8, s21;
	s25 =	sadd.s32 s4, s19;
	[dreg:$0xd] =	wrdreg s17  }
0x13: {  	s20 =	sadd.s32 s6, s19;
	s14 =	sadd.s32 s6, s21;
	[dreg:$0x10] =	wrdreg s7  }
0x14: {  	s21 =	sadd.s32 s9, s19;
	s17 =	sadd.s32 s26, s4;
	[dreg:$0x9] =	wrdreg s22  }
0x15: {  	s19 =	sadd.s32 s26, s9;
	s24 =	sadd.s32 $0x3F000, s12;
	[dreg:$0xa] =	wrdreg s23  }
0x16: {  	s4 =	simm.s32 $0x1;
	s7 =	simm.s32 $0x50;
	[dreg:$0xc] =	wrdreg s25  }
0x17: {  	s8 =	simm.s32 $0x300;
	s9 =	simm.s32 $0x2;
	[dreg:$0xe] =	wrdreg s20  }
0x18: {  	s12 =	simm.s32 $0x4;
	s15 =	simm.s32 $0x5300;
	[dreg:$0xf] =	wrdreg s14  }
0x19: {  	[dreg:$0x11] =	wrdreg s21;
	s20 =	sadd.s32 s26, s6;
	s22 =	sadd.s32 $0x66800, s0  }
0x1a: {  	s0 =	sadd.s32 $0x8E000, s0;
	s23 =	sadd.s32 s11, s3;
	[dreg:$0x15] =	wrdreg s24  }
0x1b: {  	s25 =	smax.u32 s10, $0x1;
	s26 =	sshll.u32 s16, $0x6;
	s10 =	simm.s32 $0x2B00  }
.Ltmp0:
0x1c: {  	s11 =	simm.s32 $0x7;
	[dreg:$0x12] =	wrdreg s22;
	(pc) =	sbr.rel .LBB2_1-.Ltmp0, $4  }
0x1d: {  	s14 =	simm.s32 $0x3;
	s16 =	simm.s32 $0x8;
	[dreg:$0x13] =	wrdreg s0  }
0x1e: {  	s21 =	simm.s32 $0x5;
	s6 =	simm.s32 $0x6;
	[dreg:$0x14] =	wrdreg s23  }
0x1f: {  	[dreg:$0x16] =	wrdreg s25;
	s24 =	sor.u32 $0x1C0A, s26;
	s0 =	simm.s32 $0x200  }
0x20: {  	s22 =	simm.s32 $0x9;
	s26 =	simm.s32 $0x0;
	[dreg:$0x17] =	wrdreg s24  }
.LBB2_8:
0x21: {  	s25 =	rddreg [dreg:$0x13]  }
0x22: {  	s26 =	rddreg [dreg:$0x18]  }
.LBB2_9:
0x23: {  	_ =	swait.ge [sflag:s22], $0x2800  }
0x24: {  	[sflag:s22] =	ssyncset.done $0x0  }
0x25: {  	[sflag:s22] =	ssyncadd.s32 $0xFFFFD800  }
0x26: {  	_ =	swait.ge [sflag:s6], $0x50  }
0x27: {  	[sflag:s6] =	ssyncset.done $0x0  }
0x28: {  	[sflag:s6] =	ssyncadd.s32 $0xFFFFFFB0  }
0x29: {  	[spmem:s3] =	stream.indirect.scatter.add.f32 [tilespmem:s15], [sflag:$0xA], $0x80, s13, s7, $0xb8;
	[tilespmem:$0x1B700] =	vst v63  }
0x2a: {  	_ =	swait.ge [sflag:s28], $0x2800  }
0x2b: {  	[sflag:s28] =	ssyncset.done $0x0  }
0x2c: {  	[sflag:s28] =	ssyncadd.s32 $0xFFFFD800  }
0x2d: {  	s23 =	rddreg [dreg:$0x7];
	[bflag:$0x0] =	sbarrier.arrive $0xFFFF  }
0x2e: {  	s24 =	rddreg [dreg:$0x17]  }
0x2f: {  	s23 =	sadd.s32 s25, s23;
	s25 =	rddreg [dreg:$0x19]  }
0x30: {  	[hbm:s23], [sflag:s24] =	dma.local [spmem:s25], $0x2780  }
0x31: {  	_ =	swait.ge [sflag:s28], $0x2780  }
0x32: {  	s26 =	sadd.s32 $0x1, s26;
	s25 =	rddreg [dreg:$0x16]  }
0x33: {  	p1 =	sne.s32 s26, s25  }
.Ltmp1:
0x34: {  	_ = 	snop;
	(pc) =	sbr.rel @!p1 .LBB2_10-.Ltmp1, $3  }
0x35: {  	_ =	sdelay $0x1  }
0x36: {  	[sflag:s28] =	ssyncset.done $0x0  }
0x37: {  	[sflag:s28] =	ssyncadd.s32 $0xFFFFD880  }
.LBB2_1:
0x38: {  	[dreg:$0x18] =	wrdreg s26  }
0x39: {  	s23 =	rddreg [dreg:$0x14]  }
0x3a: {  	s26 =	rddreg [dreg:$0x15];
	s25 =	sshrl.u32 s23, $0x3  }
0x3b: {  	[dreg:$0x19] =	wrdreg s25  }
0x3c: {  	[spmem:s25], [sflag:s24] =	dma.local [hbm:s26], $0x2780  }
.Ltmp2:
0x3d: {  	_ =	swait.ge [sflag:s28], $0x2780;
	(pc) =	sbr.rel @!p0 .LBB2_2-.Ltmp2, $4  }
0x3e: {  	[sflag:s28] =	ssyncset.done $0x0  }
0x3f: {  	[sflag:s28] =	ssyncadd.s32 $0xFFFFD880  }
0x40: {  	[bflag:$0x0] =	sbarrier.arrive $0xFFFF  }
0x41: {  	s25 =	simm.s32 $0x0  }
0x42: {  	s23 =	rddreg [dreg:$0xd]  }
0x43: {  	[tilespmem:s25], [sflag:$0x1] =	stream.linear.gather [hbm4b:s23+s25], $0x50, $0x38;
	[tilespmem:$0x1B700] =	vst v63  }
0x44: {  	s24 =	rddreg [dreg:$0xe]  }
0x45: {  	[tilespmem:s29], [sflag:$0x2] =	stream.linear.gather [hbm4b:s24+s25], $0x50, $0x38;
	[tilespmem:$0x1B700] =	vst v63  }
0x46: {  	s26 =	rddreg [dreg:$0xf]  }
0x47: {  	[tilespmem:s30], [sflag:$0x3] =	stream.linear.gather [hbm4b:s26+s25], $0x50, $0x38;
	[tilespmem:$0x1B700] =	vst v63  }
0x48: {  	s24 =	rddreg [dreg:$0x10]  }
0x49: {  	[tilespmem:s31], [sflag:$0x4] =	stream.linear.gather [hbm4b:s24+s25], $0x50, $0x38;
	[tilespmem:$0x1B700] =	vst v63  }
0x4a: {  	s26 =	rddreg [dreg:$0x11]  }
0x4b: {  	[tilespmem:s0], [sflag:$0x5] =	stream.linear.gather [hbm4b:s26+s25], $0x50, $0x38;
	[tilespmem:$0x1B700] =	vst v63  }
0x4c: {  	_ =	swait.ge [sflag:s4], $0x50  }
0x4d: {  	[sflag:s4] =	ssyncset.done $0x0  }
0x4e: {  	[sflag:s4] =	ssyncadd.s32 $0xFFFFFFB0  }
0x4f: {  	[tilespmem:s8], [sflag:$0x7] =	stream.indirect.gather [hbm4b:s2+s7], $0x80, s25, s7, $0xb8;
	[tilespmem:$0x1B700] =	vst v63  }
0x50: {  	_ =	swait.ge [sflag:s9], $0x50  }
0x51: {  	[sflag:s9] =	ssyncset.done $0x0  }
0x52: {  	[sflag:s9] =	ssyncadd.s32 $0xFFFFFFB0  }
0x53: {  	[tilespmem:s10], [sflag:$0x8] =	stream.indirect.gather [hbm4b:s2+s7], $0x80, s29, s7, $0xb8;
	[tilespmem:$0x1B700] =	vst v63  }
.LBB2_7:
0x54: {  	_ =	swait.ge [sflag:s11], $0x2800  }
0x55: {  	[sflag:s11] =	ssyncset.done $0x0  }
0x56: {  	[sflag:s11] =	ssyncadd.s32 $0xFFFFD800  }
0x57: {  	_ =	swait.ge [sflag:s12], $0x50  }
0x58: {  	[sflag:s12] =	ssyncset.done $0x0  }
0x59: {  	[sflag:s12] =	ssyncadd.s32 $0xFFFFFFB0  }
0x5a: {  	[spmem:s3] =	stream.indirect.scatter.add.f32 [tilespmem:s8], [sflag:$0xA], $0x80, s31, s7, $0xb8;
	[tilespmem:$0x1B700] =	vst v63  }
0x5b: {  	p1 =	seq.s32 s25, $0x9BA;
	_ =	swait.ge [sflag:s28], $0x2800  }
0x5c: {  	s26 =	sadd.s32 s25, s19;
	s23 =	sadd.s32 @!p1 s25, s20;
	[sflag:s28] =	ssyncset.done $0x0  }
0x5d: {  	s24 =	simm.s32 @!p1 $0x0;
	s23 =	sadd.s32 @!p1 $0x1E, s23;
	[sflag:s28] =	ssyncadd.s32 $0xFFFFD800  }
0x5e: {  	[tilespmem:s24], [sflag:$0x1] =	stream.linear.gather @!p1 [hbm4b:s23+s24], $0x50, $0x38;
	[tilespmem:$0x1B700] =	vst v63  }
0x5f: {  	s24 =	sadd.s32 $0x14, s26  }
0x60: {  	[tilespmem:s13], [sflag:$0x6] =	stream.linear.gather [hbm4b:s24+s5], $0x50, $0x38;
	[tilespmem:$0x1B700] =	vst v63  }
0x61: {  	_ =	swait.ge [sflag:s14], $0x50  }
0x62: {  	[sflag:s14] =	ssyncset.done $0x0  }
0x63: {  	[sflag:s14] =	ssyncadd.s32 $0xFFFFFFB0  }
0x64: {  	[tilespmem:s15], [sflag:$0x9] =	stream.indirect.gather [hbm4b:s2+s7], $0x80, s30, s7, $0xb8;
	[tilespmem:$0x1B700] =	vst v63  }
0x65: {  	_ =	swait.ge [sflag:s16], $0x2800  }
0x66: {  	[sflag:s16] =	ssyncset.done $0x0  }
0x67: {  	[sflag:s16] =	ssyncadd.s32 $0xFFFFD800  }
0x68: {  	_ =	swait.ge [sflag:s21], $0x50  }
0x69: {  	[sflag:s21] =	ssyncset.done $0x0  }
.Ltmp3:
0x6a: {  	[sflag:s21] =	ssyncadd.s32 $0xFFFFFFB0;
	(pc) =	sbr.rel @p1 .LBB2_8-.Ltmp3, $4  }
0x6b: {  	[spmem:s3] =	stream.indirect.scatter.add.f32 [tilespmem:s10], [sflag:$0xA], $0x80, s0, s7, $0xb8;
	[tilespmem:$0x1B700] =	vst v63  }
0x6c: {  	_ =	swait.ge [sflag:s28], $0x2800  }
0x6d: {  	[sflag:s28] =	ssyncset.done $0x0  }
0x6e: {  	[sflag:s28] =	ssyncadd.s32 $0xFFFFD800  }
0x6f: {  	s23 =	sadd.s32 s25, s20  }
0x70: {  	s24 =	sadd.s32 $0x28, s23  }
0x71: {  	[tilespmem:s29], [sflag:$0x2] =	stream.linear.gather [hbm4b:s24+s5], $0x50, $0x38;
	[tilespmem:$0x1B700] =	vst v63  }
0x72: {  	s24 =	sadd.s32 $0x1E, s26  }
0x73: {  	[tilespmem:s31], [sflag:$0x4] =	stream.linear.gather [hbm4b:s24+s5], $0x50, $0x38;
	[tilespmem:$0x1B700] =	vst v63  }
0x74: {  	_ =	swait.ge [sflag:s4], $0x50  }
0x75: {  	[sflag:s4] =	ssyncset.done $0x0  }
0x76: {  	[sflag:s4] =	ssyncadd.s32 $0xFFFFFFB0  }
0x77: {  	[tilespmem:s8], [sflag:$0x7] =	stream.indirect.gather [hbm4b:s2+s7], $0x80, s5, s7, $0xb8;
	[tilespmem:$0x1B700] =	vst v63  }
0x78: {  	_ =	swait.ge [sflag:s22], $0x2800  }
0x79: {  	[sflag:s22] =	ssyncset.done $0x0  }
0x7a: {  	[sflag:s22] =	ssyncadd.s32 $0xFFFFD800  }
0x7b: {  	_ =	swait.ge [sflag:s6], $0x50  }
0x7c: {  	[sflag:s6] =	ssyncset.done $0x0  }
0x7d: {  	[sflag:s6] =	ssyncadd.s32 $0xFFFFFFB0  }
0x7e: {  	[spmem:s3] =	stream.indirect.scatter.add.f32 [tilespmem:s15], [sflag:$0xA], $0x80, s13, s7, $0xb8;
	[tilespmem:$0x1B700] =	vst v63  }
0x7f: {  	_ =	swait.ge [sflag:s28], $0x2800  }
0x80: {  	[sflag:s28] =	ssyncset.done $0x0  }
0x81: {  	s23 =	sadd.s32 $0x32, s23;
	[sflag:s28] =	ssyncadd.s32 $0xFFFFD800  }
0x82: {  	[tilespmem:s30], [sflag:$0x3] =	stream.linear.gather [hbm4b:s23+s5], $0x50, $0x38;
	[tilespmem:$0x1B700] =	vst v63  }
0x83: {  	s26 =	sadd.s32 $0x28, s26  }
0x84: {  	[tilespmem:s0], [sflag:$0x5] =	stream.linear.gather [hbm4b:s26+s5], $0x50, $0x38;
	[tilespmem:$0x1B700] =	vst v63  }
.Ltmp4:
0x85: {  	_ = 	snop;
	(pc) =	sbr.rel .LBB2_7-.Ltmp4, $4  }
0x86: {  	_ =	swait.ge [sflag:s9], $0x50  }
0x87: {  	[sflag:s9] =	ssyncset.done $0x0  }
0x88: {  	s25 =	sadd.s32 $0x1E, s25;
	[sflag:s9] =	ssyncadd.s32 $0xFFFFFFB0  }
0x89: {  	[tilespmem:s10], [sflag:$0x8] =	stream.indirect.gather [hbm4b:s2+s7], $0x80, s29, s7, $0xb8;
	[tilespmem:$0x1B700] =	vst v63  }
.LBB2_2:
0x8a: {  	s23 =	rddreg [dreg:$0x8]  }
0x8b: {  	[tilespmem:s25], [sflag:$0x1] =	stream.linear.gather [hbm4b:s23+s25], $0x50, $0x38;
	[tilespmem:$0x1B700] =	vst v63  }
0x8c: {  	s24 =	rddreg [dreg:$0x9]  }
0x8d: {  	[tilespmem:s29], [sflag:$0x2] =	stream.linear.gather [hbm4b:s24+s25], $0x50, $0x38;
	[tilespmem:$0x1B700] =	vst v63  }
0x8e: {  	s26 =	rddreg [dreg:$0xa]  }
0x8f: {  	[tilespmem:s30], [sflag:$0x3] =	stream.linear.gather [hbm4b:s26+s25], $0x50, $0x38;
	[tilespmem:$0x1B700] =	vst v63  }
0x90: {  	s24 =	rddreg [dreg:$0xb]  }
0x91: {  	[tilespmem:s31], [sflag:$0x4] =	stream.linear.gather [hbm4b:s24+s25], $0x50, $0x38;
	[tilespmem:$0x1B700] =	vst v63  }
0x92: {  	s26 =	rddreg [dreg:$0xc]  }
0x93: {  	[tilespmem:s0], [sflag:$0x5] =	stream.linear.gather [hbm4b:s26+s25], $0x50, $0x38;
	[tilespmem:$0x1B700] =	vst v63  }
0x94: {  	_ =	swait.ge [sflag:s4], $0x50  }
0x95: {  	[sflag:s4] =	ssyncset.done $0x0  }
0x96: {  	[sflag:s4] =	ssyncadd.s32 $0xFFFFFFB0  }
0x97: {  	[tilespmem:s8], [sflag:$0x7] =	stream.indirect.gather [hbm4b:s1+s7], $0x80, s25, s7, $0xb8;
	[tilespmem:$0x1B700] =	vst v63  }
0x98: {  	_ =	swait.ge [sflag:s9], $0x50  }
0x99: {  	[sflag:s9] =	ssyncset.done $0x0  }
0x9a: {  	[sflag:s9] =	ssyncadd.s32 $0xFFFFFFB0  }
0x9b: {  	[tilespmem:s10], [sflag:$0x8] =	stream.indirect.gather [hbm4b:s1+s7], $0x80, s29, s7, $0xb8;
	[tilespmem:$0x1B700] =	vst v63  }
.LBB2_3:
0x9c: {  	_ =	swait.ge [sflag:s11], $0x2800  }
0x9d: {  	[sflag:s11] =	ssyncset.done $0x0  }
0x9e: {  	[sflag:s11] =	ssyncadd.s32 $0xFFFFD800  }
0x9f: {  	_ =	swait.ge [sflag:s12], $0x50  }
0xa0: {  	[sflag:s12] =	ssyncset.done $0x0  }
0xa1: {  	[sflag:s12] =	ssyncadd.s32 $0xFFFFFFB0  }
0xa2: {  	[spmem:s3] =	stream.indirect.scatter.add.f32 [tilespmem:s8], [sflag:$0xA], $0x80, s31, s7, $0xb8;
	[tilespmem:$0x1B700] =	vst v63  }
0xa3: {  	p1 =	seq.s32 s25, $0x9BA;
	_ =	swait.ge [sflag:s28], $0x2800  }
0xa4: {  	s26 =	sadd.s32 @!p1 s25, s18;
	[sflag:s28] =	ssyncset.done $0x0  }
0xa5: {  	s24 =	simm.s32 @!p1 $0x0;
	s26 =	sadd.s32 @!p1 $0x1E, s26;
	[sflag:s28] =	ssyncadd.s32 $0xFFFFD800  }
0xa6: {  	[tilespmem:s24], [sflag:$0x1] =	stream.linear.gather @!p1 [hbm4b:s26+s24], $0x50, $0x38;
	[tilespmem:$0x1B700] =	vst v63  }
0xa7: {  	s26 =	sadd.s32 s25, s17  }
0xa8: {  	s23 =	sadd.s32 $0x14, s26  }
0xa9: {  	[tilespmem:s13], [sflag:$0x6] =	stream.linear.gather [hbm4b:s23+s5], $0x50, $0x38;
	[tilespmem:$0x1B700] =	vst v63  }
0xaa: {  	_ =	swait.ge [sflag:s14], $0x50  }
0xab: {  	[sflag:s14] =	ssyncset.done $0x0  }
0xac: {  	[sflag:s14] =	ssyncadd.s32 $0xFFFFFFB0  }
0xad: {  	[tilespmem:s15], [sflag:$0x9] =	stream.indirect.gather [hbm4b:s1+s7], $0x80, s30, s7, $0xb8;
	[tilespmem:$0x1B700] =	vst v63  }
0xae: {  	_ =	swait.ge [sflag:s16], $0x2800  }
0xaf: {  	[sflag:s16] =	ssyncset.done $0x0  }
0xb0: {  	[sflag:s16] =	ssyncadd.s32 $0xFFFFD800  }
0xb1: {  	_ =	swait.ge [sflag:s21], $0x50  }
0xb2: {  	[sflag:s21] =	ssyncset.done $0x0  }
.Ltmp5:
0xb3: {  	[sflag:s21] =	ssyncadd.s32 $0xFFFFFFB0;
	(pc) =	sbr.rel @p1 .LBB2_4-.Ltmp5, $4  }
0xb4: {  	[spmem:s3] =	stream.indirect.scatter.add.f32 [tilespmem:s10], [sflag:$0xA], $0x80, s0, s7, $0xb8;
	[tilespmem:$0x1B700] =	vst v63  }
0xb5: {  	_ =	swait.ge [sflag:s28], $0x2800  }
0xb6: {  	[sflag:s28] =	ssyncset.done $0x0  }
0xb7: {  	[sflag:s28] =	ssyncadd.s32 $0xFFFFD800  }
0xb8: {  	s24 =	sadd.s32 s25, s18  }
0xb9: {  	s23 =	sadd.s32 $0x28, s24  }
0xba: {  	[tilespmem:s29], [sflag:$0x2] =	stream.linear.gather [hbm4b:s23+s5], $0x50, $0x38;
	[tilespmem:$0x1B700] =	vst v63  }
0xbb: {  	s23 =	sadd.s32 $0x1E, s26  }
0xbc: {  	[tilespmem:s31], [sflag:$0x4] =	stream.linear.gather [hbm4b:s23+s5], $0x50, $0x38;
	[tilespmem:$0x1B700] =	vst v63  }
0xbd: {  	_ =	swait.ge [sflag:s4], $0x50  }
0xbe: {  	[sflag:s4] =	ssyncset.done $0x0  }
0xbf: {  	[sflag:s4] =	ssyncadd.s32 $0xFFFFFFB0  }
0xc0: {  	[tilespmem:s8], [sflag:$0x7] =	stream.indirect.gather [hbm4b:s1+s7], $0x80, s5, s7, $0xb8;
	[tilespmem:$0x1B700] =	vst v63  }
0xc1: {  	_ =	swait.ge [sflag:s22], $0x2800  }
0xc2: {  	[sflag:s22] =	ssyncset.done $0x0  }
0xc3: {  	[sflag:s22] =	ssyncadd.s32 $0xFFFFD800  }
0xc4: {  	_ =	swait.ge [sflag:s6], $0x50  }
0xc5: {  	[sflag:s6] =	ssyncset.done $0x0  }
0xc6: {  	[sflag:s6] =	ssyncadd.s32 $0xFFFFFFB0  }
0xc7: {  	[spmem:s3] =	stream.indirect.scatter.add.f32 [tilespmem:s15], [sflag:$0xA], $0x80, s13, s7, $0xb8;
	[tilespmem:$0x1B700] =	vst v63  }
0xc8: {  	_ =	swait.ge [sflag:s28], $0x2800  }
0xc9: {  	[sflag:s28] =	ssyncset.done $0x0  }
0xca: {  	s24 =	sadd.s32 $0x32, s24;
	[sflag:s28] =	ssyncadd.s32 $0xFFFFD800  }
0xcb: {  	[tilespmem:s30], [sflag:$0x3] =	stream.linear.gather [hbm4b:s24+s5], $0x50, $0x38;
	[tilespmem:$0x1B700] =	vst v63  }
0xcc: {  	s26 =	sadd.s32 $0x28, s26  }
0xcd: {  	[tilespmem:s0], [sflag:$0x5] =	stream.linear.gather [hbm4b:s26+s5], $0x50, $0x38;
	[tilespmem:$0x1B700] =	vst v63  }
.Ltmp6:
0xce: {  	_ = 	snop;
	(pc) =	sbr.rel .LBB2_3-.Ltmp6, $4  }
0xcf: {  	_ =	swait.ge [sflag:s9], $0x50  }
0xd0: {  	[sflag:s9] =	ssyncset.done $0x0  }
0xd1: {  	s25 =	sadd.s32 $0x1E, s25;
	[sflag:s9] =	ssyncadd.s32 $0xFFFFFFB0  }
0xd2: {  	[tilespmem:s10], [sflag:$0x8] =	stream.indirect.gather [hbm4b:s1+s7], $0x80, s29, s7, $0xb8;
	[tilespmem:$0x1B700] =	vst v63  }
.LBB2_4:
.Ltmp7:
0xd3: {  	(pc) =	sbr.rel .LBB2_9-.Ltmp7, $3  }
0xd4: {  	_ =	sdelay $0x1  }
0xd5: {  	s25 =	rddreg [dreg:$0x12]  }
0xd6: {  	s26 =	rddreg [dreg:$0x18]  }
.LBB2_10:
0xd7: {  	_ =	sfence.sel $0x180000  }
0xd8: {  	[bflag:$0x0] =	sbarrier.arrive $0xFFFF  }
0xd9: {  	_ =	strace $0x90000047  }
0xda: {  	s0 =	stileid.u32;
	[bflag:$0x2] =	sbarrier.arrive $0xFFFF  }
0xdb: {  	p0 =	sne.s32 s0, $0x0;
	s0 =	rddreg [dreg:$0x6]  }
0xdc: {  	s0 =	sadd.s32 @!p0 $0x100000, s0  }
0xdd: {  	[sflag:s0] =	ssyncadd.tile.s32 @!p0 $0x1;
	_ =	shalt  }
.Lfunc_end2:
_tile_overlayer_lowered:
.L_overlay_start_2:
0xde: {  	(tag) =	ssettag $0x2  }
0xdf: {  	s0 =	rddreg [dreg:$0x0];
	s2 =	stileid.u32  }
0xe0: {  	s1 =	rddreg [dreg:$0x1];
	p0 =	sne.s32 s2, $0x0  }
0xe1: {  	s3 =	rddreg [dreg:$0x2];
	[bflag:$0x3] =	sbarrier.arrive $0xFFFF;
	s2 =	simm.s32 @!p0 $0x1C0A  }
0xe2: {  	[timem:s3], [sflag:s2] =	dma.local @!p0 [hbm:s0], s1  }
0xe3: {  	s0 =	simm.s32 @!p0 $0xA  }
0xe4: {  	_ =	swait.ge @!p0 [sflag:s0], s1  }
0xe5: {  	s1 =	ssub.s32 @!p0 $0x0, s1;
	[sflag:s0] =	ssyncset.done @!p0 $0x0  }
0xe6: {  	[sflag:s0] =	ssyncadd.s32 @!p0 s1  }
0xe7: {  	[bflag:$0x3] =	sbarrier.arrive $0xFFFF  }
0xe8: {  	_ =	shalt  }

// kernel: kernel.9.cloned.1.call-start
scs
__scs_entry_jumppad:
0x0: {  	(pc) =	sbr.rel $0x88, $3  }
0x1: {  	(tag) =	ssettag $0x0;
	lr =	simm.s32 $0x1  }
0x2: {  	[smem:$0x3F8F] =	sst lr;
	_ =	strace $0xD0000000  }
0x3: {  	_ = 	snop  }
0x4: {  	_ = 	snop  }
0x5: {  	_ = 	snop  }
0x6: {  	_ = 	snop  }
0x7: {  	_ = 	snop  }
__scs_overlays_trampoline_lowered:
0x8: {  	[smem:$0x3F9E] =	sst s0  }
0x9: {  	[smem:$0x3F9F] =	sst s1  }
0xa: {  	[smem:$0x3FA0] =	sst s2  }
0xb: {  	[smem:$0x3FA1] =	sst s3  }
0xc: {  	[smem:$0x3FA2] =	sst s4  }
0xd: {  	[smem:$0x3FA3] =	sst s5  }
0xe: {  	[smem:$0x3FA4] =	sst s6  }
0xf: {  	[smem:$0x3FA5] =	sst s7  }
0x10: {  	[smem:$0x3FA6] =	sst s8  }
0x11: {  	[smem:$0x3FA7] =	sst s9;
	s0 =	simm.s32 @!p0 $0x0  }
0x12: {  	s1 =	sld [smem:$0x3F8D];
	s0 =	simm.s32 @p0 $0x1  }
0x13: {  	[smem:$0x3FA8] =	sst s0;
	s0 =	simm.s32 @!p1 $0x0  }
0x14: {  	s2 =	sld [smem:$0x3F8C];
	s0 =	simm.s32 @p1 $0x1  }
0x15: {  	[smem:$0x3FA9] =	sst s0;
	s0 =	simm.s32 @!p2 $0x0  }
0x16: {  	s3 =	sld [smem:$0x3FDB];
	s0 =	simm.s32 @p2 $0x1  }
0x17: {  	s4 =	simm.s32 $0x1BF5;
	[smem:$0x3FAB] =	sst s0  }
0x18: {  	s0 =	sld [smem:$0x3F8E];
	_ =	swait.ge [sflag:s4], $0x0  }
0x19: {  	s7 =	sld [smem:$0x3F8F]  }
0x1a: {  	s8 =	sadd.s32 $0xFFFFE003, lr  }
0x1b: {  	s9 =	sadd.s32 $0xFFFFFEF7, lr;
	s5 =	simm.s32 $0xFFFFFFFF;
	p2 =	slt.u32 s8, $0xFFFFF086  }
0x1c: {  	p1 =	slt.u32 s9, $0xF7A;
	s5 =	simm.s32 @!p2 $0x0  }
0x1d: {  	s5 =	simm.s32 @p1 $0x1;
	p0 =	seq.s32 s7, s2  }
0x1e: {  	s7 =	smul.u32 @!p0 $0xF7A, s2;
	p2 =	seq.s32 @!p0 s5, $0x0  }
0x1f: {  	s9 =	smul.u32 $0xF7A, s1;
	s8 =	simm.s32 @!p0 $0x1BF5;
	p2 =	por !p2, p0  }
0x20: {  	[sflag:s8] =	ssyncset.s32 @!p0 $0xFFFFF086;
	s6 =	sadd.s32 @!p0 s3, s7;
	s7 =	simm.s32 @!p0 $0x108  }
0x21: {  	s3 =	sadd.s32 s3, s9;
	s6 =	sadd.s32 @!p0 $0x88, s6;
	s7 =	simm.s32 @p2 $0x1082  }
0x22: {  	[simem:s7], [sflag:s8] =	dma.local @!p0 [hbm:s6], $0xF7A  }
0x23: {  	s9 =	sor.u32 $0xD0000000, s2;
	s6 =	simm.s32 $0x108;
	_ =	swait.ge @!p0 [sflag:s8], $0x0  }
0x24: {  	s3 =	sadd.s32 $0x88, s3;
	s6 =	simm.s32 @!p1 $0x1082;
	[sflag:s4] =	ssyncset.s32 $0xFFFFF086  }
0x25: {  	[simem:s6], [sflag:s4] =	dma.local [hbm:s3], $0xF7A  }
0x26: {  	[smem:$0x3F8F] =	sst s1;
	(tag) =	ssettag s2;
	_ =	strace s9  }
0x27: {  	s1 =	sld [smem:$0x3F9F]  }
0x28: {  	s2 =	sld [smem:$0x3FA0]  }
0x29: {  	s4 =	sld [smem:$0x3FA2]  }
0x2a: {  	p0 =	seq.s32 s5, $0x0;
	s5 =	sld [smem:$0x3FA3]  }
0x2b: {  	s6 =	sld [smem:$0x3FA4]  }
0x2c: {  	s7 =	sld [smem:$0x3FA5]  }
0x2d: {  	s3 =	simm.s32 $0x108;
	s8 =	sld [smem:$0x3FA6]  }
0x2e: {  	s3 =	simm.s32 @!p0 $0x1082;
	s9 =	sld [smem:$0x3FA7]  }
0x2f: {  	lr =	sadd.s32 s0, s3;
	s0 =	sld [smem:$0x3F9E]  }
0x30: {  	s3 =	sld [smem:$0x3FA1]  }
0x31: {  	[smem:$0x3FAA] =	sst s10  }
0x32: {  	s10 =	sld [smem:$0x3FA8];
	_ =	sdelay $0x3  }
0x33: {  	p0 =	seq.s32 s10, $0x1;
	s10 =	sld [smem:$0x3FAA];
	_ =	sdelay $0x3  }
0x34: {  	[smem:$0x3FAA] =	sst s10  }
0x35: {  	s10 =	sld [smem:$0x3FA9];
	_ =	sdelay $0x3  }
0x36: {  	p1 =	seq.s32 s10, $0x1;
	s10 =	sld [smem:$0x3FAA];
	_ =	sdelay $0x3  }
0x37: {  	[smem:$0x3FAA] =	sst s10  }
0x38: {  	s10 =	sld [smem:$0x3FAB]  }
0x39: {  	_ = 	snop;
	(pc) =	sbr.ind lr, $3  }
0x3a: {  	_ = 	snop  }
0x3b: {  	_ = 	snop  }
0x3c: {  	p2 =	seq.s32 s10, $0x1;
	s10 =	sld [smem:$0x3FAA]  }
0x3d: {  	_ =	shalt  }
0x3e: {  	_ =	shalt  }
0x3f: {  	_ =	shalt  }
0x40: {  	_ =	shalt  }
0x41: {  	_ =	shalt  }
0x42: {  	_ =	shalt  }
0x43: {  	_ =	shalt  }
0x44: {  	_ =	shalt  }
0x45: {  	_ =	shalt  }
0x46: {  	_ =	shalt  }
0x47: {  	_ =	shalt  }
0x48: {  	_ =	shalt  }
0x49: {  	_ =	shalt  }
0x4a: {  	_ =	shalt  }
0x4b: {  	_ =	shalt  }
0x4c: {  	_ =	shalt  }
0x4d: {  	_ =	shalt  }
0x4e: {  	_ =	shalt  }
0x4f: {  	_ =	shalt  }
0x50: {  	_ =	shalt  }
0x51: {  	_ =	shalt  }
0x52: {  	_ =	shalt  }
0x53: {  	_ =	shalt  }
0x54: {  	_ =	shalt  }
0x55: {  	_ =	shalt  }
0x56: {  	_ =	shalt  }
0x57: {  	_ =	shalt  }
0x58: {  	_ =	shalt  }
0x59: {  	_ =	shalt  }
0x5a: {  	_ =	shalt  }
0x5b: {  	_ =	shalt  }
0x5c: {  	_ =	shalt  }
0x5d: {  	_ =	shalt  }
0x5e: {  	_ =	shalt  }
0x5f: {  	_ =	shalt  }
0x60: {  	_ =	shalt  }
0x61: {  	_ =	shalt  }
0x62: {  	_ =	shalt  }
0x63: {  	_ =	shalt  }
0x64: {  	_ =	shalt  }
0x65: {  	_ =	shalt  }
0x66: {  	_ =	shalt  }
0x67: {  	_ =	shalt  }
0x68: {  	_ =	shalt  }
0x69: {  	_ =	shalt  }
0x6a: {  	_ =	shalt  }
0x6b: {  	_ =	shalt  }
0x6c: {  	_ =	shalt  }
0x6d: {  	_ =	shalt  }
0x6e: {  	_ =	shalt  }
0x6f: {  	_ =	shalt  }
0x70: {  	_ =	shalt  }
0x71: {  	_ =	shalt  }
0x72: {  	_ =	shalt  }
0x73: {  	_ =	shalt  }
0x74: {  	_ =	shalt  }
0x75: {  	_ =	shalt  }
0x76: {  	_ =	shalt  }
0x77: {  	_ =	shalt  }
0x78: {  	_ =	shalt  }
0x79: {  	_ =	shalt  }
0x7a: {  	_ =	shalt  }
0x7b: {  	_ =	shalt  }
0x7c: {  	_ =	shalt  }
0x7d: {  	_ =	shalt  }
0x7e: {  	_ =	shalt  }
0x7f: {  	_ =	shalt  }
0x80: {  	_ =	shalt  }
0x81: {  	_ =	shalt  }
0x82: {  	_ =	shalt  }
0x83: {  	_ =	shalt  }
0x84: {  	_ =	shalt  }
0x85: {  	_ =	shalt  }
0x86: {  	_ =	shalt  }
0x87: {  	_ =	shalt  }
.Lfunc_end0:
.L_simem_size_0:
called_computation.1_lowered:
.L_overlay_start_0:
0x88: {  	s2 =	sld [smem:$0x3FD9]  }
0x89: {  	s3 =	sld [smem:$0x3FFE];
	_ =	sdelay $0x1  }
0x8a: {  	s1 =	srdreg.scid  }
0x8b: {  	s0 =	sand.u32 $0x1, s1  }
0x8c: {  	s14 =	sshll.u32 s0, $0xA;
	s2 =	sadd.s32 s3, s2  }
0x8d: {  	s2 =	sadd.s32 s2, s14  }
0x8e: {  	[smem:$0x3FB6] =	sst s2  }
0x8f: {  	_ = 	snop  }
0x90: {  	s2 =	sld [smem:$0x3FD0];
	_ =	sdelay $0x2  }
0x91: {  	s15 =	simm.s32 $0xA;
	s4 =	simm.s32 $0x10  }
0x92: {  	[smem:s4], [sflag:s15] =	dma.local [hbm:s2], $0x1  }
0x93: {  	_ =	swait.eq [sflag:s15], $0x1  }
0x94: {  	[sflag:s15] =	ssyncset.done $0x0  }
0x95: {  	s16 =	sld [smem:$0x10];
	[sflag:s15] =	ssyncadd.s32 $0xFFFFFFFF  }
0x96: {  	s17 =	sld [smem:$0x11];
	(tm) =	ssettm $0x1  }
0x97: {  	s18 =	sld [smem:$0x3FFB];
	_ =	sdelay $0x3  }
0x98: {  	_ =	strace s18  }
0x99: {  	s4 =	sld [smem:$0x3FFC];
	_ =	sdelay $0x3  }
0x9a: {  	_ =	strace s4  }
0x9b: {  	s4 =	sld [smem:$0x3FFD];
	_ =	sdelay $0x3  }
0x9c: {  	_ =	strace s4  }
0x9d: {  	_ =	strace $0x8FFFFFFF  }
0x9e: {  	s19 =	sld [smem:$0x3FDB];
	_ =	sdelay $0x1  }
0x9f: {  	s5 =	simm.s32 $_scs_section_size  }
0xa0: {  	s6 =	simm.s32 $_size__tile_overlayer_lowered;
	s7 =	simm.s32 $_tile_overlayer_lowered  }
0xa1: {  	s22 =	simm.s32 $0x1BFF;
	s21 =	sshll.u32 s7, $0x1;
	s4 =	sadd.s32 s5, s19  }
0xa2: {  	s8 =	simm.s32 $0x0;
	s20 =	sshll.u32 s6, $0x1;
	s6 =	sadd.s32 s21, s4  }
0xa3: {  	[timem:s8], [sflag:s22] =	dma.local [hbm:s6], s20  }
0xa4: {  	_ =	swait.ge [sflag:s22], s20  }
0xa5: {  	s5 =	ssub.s32 $0x0, s20;
	[sflag:s22] =	ssyncset.done $0x0  }
0xa6: {  	[sflag:s22] =	ssyncadd.s32 s5;
	_ =	sdelay $0x1  }
0xa7: {  	s23 =	simm.s32 $0x1B8B  }
0xa8: {  	_ =	swait.ge [sflag:s23], $0x1  }
0xa9: {  	[sflag:s23] =	ssyncset.done $0x0  }
0xaa: {  	s25 =	simm.s32 $0x1B8E;
	s24 =	sld [smem:$0x3FFE];
	[sflag:s23] =	ssyncadd.s32 $0xFFFFFFFF  }
0xab: {  	s26 =	simm.s32 $execute0_lowered;
	[smem:$0x3FD2] =	sst s25  }
0xac: {  	s6 =	sshll.u32 s26, $0x1;
	_ =	strace $0x80000049;
	[dreg:$0x1] =	wrdreg $0xFFFFFFFF  }
0xad: {  	s28 =	simm.s32 $_size_execute0_lowered;
	s4 =	sadd.s32 s4, s6;
	[dreg:$0x0] =	wrdreg $0x0  }
0xae: {  	s6 =	sshll.u32 s28, $0x1;
	[dreg:$0x2] =	wrdreg s4  }
0xaf: {  	[dreg:$0x3] =	wrdreg s6  }
0xb0: {  	[dreg:$0x4] =	wrdreg $0xC0  }
0xb1: {  	_ =	task [dreg:s8], $0x5FFFF  }
0xb2: {  	[dreg:$0x1] =	wrdreg $0xFFFFFFFF  }
0xb3: {  	[dreg:$0x0] =	wrdreg $0x60  }
0xb4: {  	[dreg:$0x2] =	wrdreg s17  }
0xb5: {  	[dreg:$0x3] =	wrdreg s24  }
0xb6: {  	[dreg:$0x4] =	wrdreg s16  }
0xb7: {  	[dreg:$0x5] =	wrdreg $0x7B000  }
0xb8: {  	[dreg:$0x6] =	wrdreg $0x9  }
0xb9: {  	_ =	task.clear_ibuf [dreg:s8], $0x7FFFF;
	_ =	strace $0x90000049  }
0xba: {  	s29 =	simm.s32 $0x9;
	_ =	strace $0x8000004B  }
0xbb: {  	_ =	swait.ge [sflag:s29], $0x1  }
0xbc: {  	[sflag:s29] =	ssyncadd.s32 $0xFFFFFFFF  }
0xbd: {  	_ =	strace $0x9000004B  }
0xbe: {  	_ =	sfence  }
0xbf: {  	s30 =	sld [smem:$0x0];
	_ =	sdelay $0x2  }
0xc0: {  	s31 =	sshll.u32 s1, $0xD;
	s1 =	sshrl.u32 s1, $0x2  }
0xc1: {  	s3 =	sand.u32 $0x4000, s31;
	s1 =	sadd.s32 s1, s30  }
0xc2: {  	s0 =	sor.u32 s3, s0;
	s1 =	sshll.u32 s1, $0x11  }
0xc3: {  	s0 =	sor.u32 s1, s0  }
0xc4: {  	s0 =	sadd.s32 $0x8F2B, s0  }
0xc5: {  	[sflag:s0] =	ssyncadd.remote.s32 $0x1  }
0xc6: {  	_ =	sfence.sel $0xFFFF  }
0xc7: {  	[dreg:$0x0] =	wrdreg $0xFFFFFFFF;
	(pc) =	sbr.abs _section_cstart, $3  }
0xc8: {  	[dreg:$0x1] =	wrdreg $0xFFFFFFFF  }
0xc9: {  	_ =	task.clear_ibuf [dreg:s8], $0x2FFFF;
	_ =	strace $0x9FFFFFFF  }
0xca: {  	(tm) =	ssettm $0x7FFFFFFF  }
0xcb: {  	_ =	shalt  }
tec
execute0_lowered:
.L_overlay_start_1:
0x0: {  	(tag) =	ssettag $0x1  }
0x1: {  	s1 =	rddreg [dreg:$0x0]  }
0x2: {  	s0 =	rddreg [dreg:$0x1]  }
0x3: {  	s2 =	rddreg [dreg:$0x2]  }
0x4: {  	s3 =	rddreg [dreg:$0x3];
	s4 =	simm.s32 $0x0  }
0x5: {  	s16 =	stileid.u32;
	s7 =	srdreg.scid;
	s28 =	simm.s32 $0xA  }
0x6: {  	s29 =	simm.s32 $0x80;
	s30 =	simm.s32 $0x100;
	s31 =	simm.s32 $0x180  }
0x7: {  	[smem:$0x7FF] =	sst s4;
	s5 =	sadd.s32 $0x17800, s0;
	s12 =	smul.u32 $0x2780, s16  }
0x8: {  	s6 =	sadd.s32 $0x35200, s0;
	s8 =	sadd.s32 $0x2B400, s0;
	s11 =	smul.u32 $0x4EC0, s16  }
0x9: {  	s7 =	sand.u32 $0x1, s7;
	s9 =	sadd.s32 $0x21600, s0;
	s14 =	smul.u32 $0x4F000, s16  }
0xa: {  	s26 =	smul.u32 $0x9D8, s16;
	_ =	strace $0x8000004A;
	s10 =	ssub.s32 $0x2, s7  }
0xb: {  	p0 =	seq.s32 s7, $0x1;
	[dreg:$0x5] =	wrdreg s12;
	s12 =	sadd.s32 s12, s0  }
0xc: {  	s13 =	sshrl.u32 s10, $0x1;
	s18 =	sshrl.u32 s11, $0x3;
	s11 =	sshrl.u32 s14, $0x2  }
0xd: {  	s10 =	ssub.s32 s10, s13;
	s19 =	sadd.s32 $0xA, s18;
	s21 =	sadd.s32 $0x14, s18  }
0xe: {  	s15 =	sadd.s32 s5, s18;
	s24 =	sadd.s32 s6, s18;
	s17 =	sadd.s32 s8, s18  }
0xf: {  	s7 =	sadd.s32 s9, s18;
	s18 =	sadd.s32 s26, s5;
	[dreg:$0x6] =	wrdreg s15  }
0x10: {  	s13 =	simm.s32 $0x280;
	s22 =	sadd.s32 s5, s19;
	[dreg:$0x9] =	wrdreg s24  }
0x11: {  	s23 =	sadd.s32 s5, s21;
	s25 =	sadd.s32 s6, s19;
	[dreg:$0xb] =	wrdreg s17  }
0x12: {  	s20 =	sadd.s32 s8, s19;
	s14 =	sadd.s32 s8, s21;
	[dreg:$0xe] =	wrdreg s7  }
0x13: {  	s21 =	sadd.s32 s9, s19;
	s17 =	sadd.s32 s26, s6;
	[dreg:$0x7] =	wrdreg s22  }
0x14: {  	s19 =	sadd.s32 s26, s9;
	s24 =	sadd.s32 $0x3F000, s12;
	[dreg:$0x8] =	wrdreg s23  }
0x15: {  	s5 =	simm.s32 $0x1;
	s7 =	simm.s32 $0x50;
	[dreg:$0xa] =	wrdreg s25  }
0x16: {  	s9 =	simm.s32 $0x2;
	s12 =	simm.s32 $0x4;
	[dreg:$0xc] =	wrdreg s20  }
0x17: {  	s15 =	simm.s32 $0x5300;
	s6 =	simm.s32 $0x6;
	[dreg:$0xd] =	wrdreg s14  }
0x18: {  	[dreg:$0xf] =	wrdreg s21;
	s20 =	sadd.s32 s26, s8;
	s22 =	sadd.s32 $0x66800, s0  }
0x19: {  	s0 =	sadd.s32 $0x8E000, s0;
	s23 =	sadd.s32 s11, s3;
	[dreg:$0x13] =	wrdreg s24  }
0x1a: {  	s25 =	smax.u32 s10, $0x1;
	s26 =	sshll.u32 s16, $0x6;
	s8 =	simm.s32 $0x300  }
.Ltmp0:
0x1b: {  	s10 =	simm.s32 $0x2B00;
	[dreg:$0x10] =	wrdreg s22;
	(pc) =	sbr.rel .LBB2_1-.Ltmp0, $4  }
0x1c: {  	s11 =	simm.s32 $0x7;
	s14 =	simm.s32 $0x3;
	[dreg:$0x11] =	wrdreg s0  }
0x1d: {  	s16 =	simm.s32 $0x8;
	s21 =	simm.s32 $0x5;
	[dreg:$0x12] =	wrdreg s23  }
0x1e: {  	[dreg:$0x14] =	wrdreg s25;
	s24 =	sor.u32 $0x1C0A, s26;
	s0 =	simm.s32 $0x200  }
0x1f: {  	s22 =	simm.s32 $0x9;
	s26 =	simm.s32 $0x0;
	[dreg:$0x15] =	wrdreg s24  }
.LBB2_8:
0x20: {  	s25 =	rddreg [dreg:$0x11]  }
0x21: {  	s26 =	rddreg [dreg:$0x16]  }
.LBB2_9:
0x22: {  	_ =	swait.ge [sflag:s22], $0x2800  }
0x23: {  	[sflag:s22] =	ssyncset.done $0x0  }
0x24: {  	[sflag:s22] =	ssyncadd.s32 $0xFFFFD800  }
0x25: {  	_ =	swait.ge [sflag:s6], $0x50  }
0x26: {  	[sflag:s6] =	ssyncset.done $0x0  }
0x27: {  	[sflag:s6] =	ssyncadd.s32 $0xFFFFFFB0  }
0x28: {  	[spmem:s3] =	stream.indirect.scatter.add.f32 [tilespmem:s15], [sflag:$0xA], $0x80, s13, s7, $0xb8;
	[tilespmem:$0x1B700] =	vst v63  }
0x29: {  	_ =	swait.ge [sflag:s28], $0x2800  }
0x2a: {  	[sflag:s28] =	ssyncset.done $0x0  }
0x2b: {  	[sflag:s28] =	ssyncadd.s32 $0xFFFFD800  }
0x2c: {  	s23 =	rddreg [dreg:$0x5];
	[bflag:$0x0] =	sbarrier.arrive $0xFFFF  }
0x2d: {  	s24 =	rddreg [dreg:$0x15]  }
0x2e: {  	s23 =	sadd.s32 s25, s23;
	s25 =	rddreg [dreg:$0x17]  }
0x2f: {  	[hbm:s23], [sflag:s24] =	dma.local [spmem:s25], $0x2780  }
0x30: {  	_ =	swait.ge [sflag:s28], $0x2780  }
0x31: {  	s26 =	sadd.s32 $0x1, s26;
	s25 =	rddreg [dreg:$0x14]  }
0x32: {  	p1 =	sne.s32 s26, s25  }
.Ltmp1:
0x33: {  	_ = 	snop;
	(pc) =	sbr.rel @!p1 .LBB2_10-.Ltmp1, $3  }
0x34: {  	_ =	sdelay $0x1  }
0x35: {  	[sflag:s28] =	ssyncset.done $0x0  }
0x36: {  	[sflag:s28] =	ssyncadd.s32 $0xFFFFD880  }
.LBB2_1:
0x37: {  	[dreg:$0x16] =	wrdreg s26  }
0x38: {  	s23 =	rddreg [dreg:$0x12]  }
0x39: {  	s26 =	rddreg [dreg:$0x13];
	s25 =	sshrl.u32 s23, $0x3  }
0x3a: {  	[dreg:$0x17] =	wrdreg s25  }
0x3b: {  	[spmem:s25], [sflag:s24] =	dma.local [hbm:s26], $0x2780  }
.Ltmp2:
0x3c: {  	_ =	swait.ge [sflag:s28], $0x2780;
	(pc) =	sbr.rel @!p0 .LBB2_2-.Ltmp2, $4  }
0x3d: {  	[sflag:s28] =	ssyncset.done $0x0  }
0x3e: {  	[sflag:s28] =	ssyncadd.s32 $0xFFFFD880  }
0x3f: {  	[bflag:$0x0] =	sbarrier.arrive $0xFFFF  }
0x40: {  	s25 =	simm.s32 $0x0  }
0x41: {  	s23 =	rddreg [dreg:$0xb]  }
0x42: {  	[tilespmem:s25], [sflag:$0x1] =	stream.linear.gather [hbm4b:s23+s25], $0x50, $0x38;
	[tilespmem:$0x1B700] =	vst v63  }
0x43: {  	s24 =	rddreg [dreg:$0xc]  }
0x44: {  	[tilespmem:s29], [sflag:$0x2] =	stream.linear.gather [hbm4b:s24+s25], $0x50, $0x38;
	[tilespmem:$0x1B700] =	vst v63  }
0x45: {  	s26 =	rddreg [dreg:$0xd]  }
0x46: {  	[tilespmem:s30], [sflag:$0x3] =	stream.linear.gather [hbm4b:s26+s25], $0x50, $0x38;
	[tilespmem:$0x1B700] =	vst v63  }
0x47: {  	s24 =	rddreg [dreg:$0xe]  }
0x48: {  	[tilespmem:s31], [sflag:$0x4] =	stream.linear.gather [hbm4b:s24+s25], $0x50, $0x38;
	[tilespmem:$0x1B700] =	vst v63  }
0x49: {  	s26 =	rddreg [dreg:$0xf]  }
0x4a: {  	[tilespmem:s0], [sflag:$0x5] =	stream.linear.gather [hbm4b:s26+s25], $0x50, $0x38;
	[tilespmem:$0x1B700] =	vst v63  }
0x4b: {  	_ =	swait.ge [sflag:s5], $0x50  }
0x4c: {  	[sflag:s5] =	ssyncset.done $0x0  }
0x4d: {  	[sflag:s5] =	ssyncadd.s32 $0xFFFFFFB0  }
0x4e: {  	[tilespmem:s8], [sflag:$0x7] =	stream.indirect.gather [hbm4b:s2+s7], $0x80, s25, s7, $0xb8;
	[tilespmem:$0x1B700] =	vst v63  }
0x4f: {  	_ =	swait.ge [sflag:s9], $0x50  }
0x50: {  	[sflag:s9] =	ssyncset.done $0x0  }
0x51: {  	[sflag:s9] =	ssyncadd.s32 $0xFFFFFFB0  }
0x52: {  	[tilespmem:s10], [sflag:$0x8] =	stream.indirect.gather [hbm4b:s2+s7], $0x80, s29, s7, $0xb8;
	[tilespmem:$0x1B700] =	vst v63  }
.LBB2_7:
0x53: {  	_ =	swait.ge [sflag:s11], $0x2800  }
0x54: {  	[sflag:s11] =	ssyncset.done $0x0  }
0x55: {  	[sflag:s11] =	ssyncadd.s32 $0xFFFFD800  }
0x56: {  	_ =	swait.ge [sflag:s12], $0x50  }
0x57: {  	[sflag:s12] =	ssyncset.done $0x0  }
0x58: {  	[sflag:s12] =	ssyncadd.s32 $0xFFFFFFB0  }
0x59: {  	[spmem:s3] =	stream.indirect.scatter.add.f32 [tilespmem:s8], [sflag:$0xA], $0x80, s31, s7, $0xb8;
	[tilespmem:$0x1B700] =	vst v63  }
0x5a: {  	p1 =	seq.s32 s25, $0x9BA;
	_ =	swait.ge [sflag:s28], $0x2800  }
0x5b: {  	s26 =	sadd.s32 s25, s19;
	s23 =	sadd.s32 @!p1 s25, s20;
	[sflag:s28] =	ssyncset.done $0x0  }
0x5c: {  	s24 =	simm.s32 @!p1 $0x0;
	s23 =	sadd.s32 @!p1 $0x1E, s23;
	[sflag:s28] =	ssyncadd.s32 $0xFFFFD800  }
0x5d: {  	[tilespmem:s24], [sflag:$0x1] =	stream.linear.gather @!p1 [hbm4b:s23+s24], $0x50, $0x38;
	[tilespmem:$0x1B700] =	vst v63  }
0x5e: {  	s24 =	sadd.s32 $0x14, s26  }
0x5f: {  	[tilespmem:s13], [sflag:$0x6] =	stream.linear.gather [hbm4b:s24+s4], $0x50, $0x38;
	[tilespmem:$0x1B700] =	vst v63  }
0x60: {  	_ =	swait.ge [sflag:s14], $0x50  }
0x61: {  	[sflag:s14] =	ssyncset.done $0x0  }
0x62: {  	[sflag:s14] =	ssyncadd.s32 $0xFFFFFFB0  }
0x63: {  	[tilespmem:s15], [sflag:$0x9] =	stream.indirect.gather [hbm4b:s2+s7], $0x80, s30, s7, $0xb8;
	[tilespmem:$0x1B700] =	vst v63  }
0x64: {  	_ =	swait.ge [sflag:s16], $0x2800  }
0x65: {  	[sflag:s16] =	ssyncset.done $0x0  }
0x66: {  	[sflag:s16] =	ssyncadd.s32 $0xFFFFD800  }
0x67: {  	_ =	swait.ge [sflag:s21], $0x50  }
0x68: {  	[sflag:s21] =	ssyncset.done $0x0  }
.Ltmp3:
0x69: {  	[sflag:s21] =	ssyncadd.s32 $0xFFFFFFB0;
	(pc) =	sbr.rel @p1 .LBB2_8-.Ltmp3, $4  }
0x6a: {  	[spmem:s3] =	stream.indirect.scatter.add.f32 [tilespmem:s10], [sflag:$0xA], $0x80, s0, s7, $0xb8;
	[tilespmem:$0x1B700] =	vst v63  }
0x6b: {  	_ =	swait.ge [sflag:s28], $0x2800  }
0x6c: {  	[sflag:s28] =	ssyncset.done $0x0  }
0x6d: {  	[sflag:s28] =	ssyncadd.s32 $0xFFFFD800  }
0x6e: {  	s23 =	sadd.s32 s25, s20  }
0x6f: {  	s24 =	sadd.s32 $0x28, s23  }
0x70: {  	[tilespmem:s29], [sflag:$0x2] =	stream.linear.gather [hbm4b:s24+s4], $0x50, $0x38;
	[tilespmem:$0x1B700] =	vst v63  }
0x71: {  	s24 =	sadd.s32 $0x1E, s26  }
0x72: {  	[tilespmem:s31], [sflag:$0x4] =	stream.linear.gather [hbm4b:s24+s4], $0x50, $0x38;
	[tilespmem:$0x1B700] =	vst v63  }
0x73: {  	_ =	swait.ge [sflag:s5], $0x50  }
0x74: {  	[sflag:s5] =	ssyncset.done $0x0  }
0x75: {  	[sflag:s5] =	ssyncadd.s32 $0xFFFFFFB0  }
0x76: {  	[tilespmem:s8], [sflag:$0x7] =	stream.indirect.gather [hbm4b:s2+s7], $0x80, s4, s7, $0xb8;
	[tilespmem:$0x1B700] =	vst v63  }
0x77: {  	_ =	swait.ge [sflag:s22], $0x2800  }
0x78: {  	[sflag:s22] =	ssyncset.done $0x0  }
0x79: {  	[sflag:s22] =	ssyncadd.s32 $0xFFFFD800  }
0x7a: {  	_ =	swait.ge [sflag:s6], $0x50  }
0x7b: {  	[sflag:s6] =	ssyncset.done $0x0  }
0x7c: {  	[sflag:s6] =	ssyncadd.s32 $0xFFFFFFB0  }
0x7d: {  	[spmem:s3] =	stream.indirect.scatter.add.f32 [tilespmem:s15], [sflag:$0xA], $0x80, s13, s7, $0xb8;
	[tilespmem:$0x1B700] =	vst v63  }
0x7e: {  	_ =	swait.ge [sflag:s28], $0x2800  }
0x7f: {  	[sflag:s28] =	ssyncset.done $0x0  }
0x80: {  	s23 =	sadd.s32 $0x32, s23;
	[sflag:s28] =	ssyncadd.s32 $0xFFFFD800  }
0x81: {  	[tilespmem:s30], [sflag:$0x3] =	stream.linear.gather [hbm4b:s23+s4], $0x50, $0x38;
	[tilespmem:$0x1B700] =	vst v63  }
0x82: {  	s26 =	sadd.s32 $0x28, s26  }
0x83: {  	[tilespmem:s0], [sflag:$0x5] =	stream.linear.gather [hbm4b:s26+s4], $0x50, $0x38;
	[tilespmem:$0x1B700] =	vst v63  }
.Ltmp4:
0x84: {  	_ = 	snop;
	(pc) =	sbr.rel .LBB2_7-.Ltmp4, $4  }
0x85: {  	_ =	swait.ge [sflag:s9], $0x50  }
0x86: {  	[sflag:s9] =	ssyncset.done $0x0  }
0x87: {  	s25 =	sadd.s32 $0x1E, s25;
	[sflag:s9] =	ssyncadd.s32 $0xFFFFFFB0  }
0x88: {  	[tilespmem:s10], [sflag:$0x8] =	stream.indirect.gather [hbm4b:s2+s7], $0x80, s29, s7, $0xb8;
	[tilespmem:$0x1B700] =	vst v63  }
.LBB2_2:
0x89: {  	s23 =	rddreg [dreg:$0x6]  }
0x8a: {  	[tilespmem:s25], [sflag:$0x1] =	stream.linear.gather [hbm4b:s23+s25], $0x50, $0x38;
	[tilespmem:$0x1B700] =	vst v63  }
0x8b: {  	s24 =	rddreg [dreg:$0x7]  }
0x8c: {  	[tilespmem:s29], [sflag:$0x2] =	stream.linear.gather [hbm4b:s24+s25], $0x50, $0x38;
	[tilespmem:$0x1B700] =	vst v63  }
0x8d: {  	s26 =	rddreg [dreg:$0x8]  }
0x8e: {  	[tilespmem:s30], [sflag:$0x3] =	stream.linear.gather [hbm4b:s26+s25], $0x50, $0x38;
	[tilespmem:$0x1B700] =	vst v63  }
0x8f: {  	s24 =	rddreg [dreg:$0x9]  }
0x90: {  	[tilespmem:s31], [sflag:$0x4] =	stream.linear.gather [hbm4b:s24+s25], $0x50, $0x38;
	[tilespmem:$0x1B700] =	vst v63  }
0x91: {  	s26 =	rddreg [dreg:$0xa]  }
0x92: {  	[tilespmem:s0], [sflag:$0x5] =	stream.linear.gather [hbm4b:s26+s25], $0x50, $0x38;
	[tilespmem:$0x1B700] =	vst v63  }
0x93: {  	_ =	swait.ge [sflag:s5], $0x50  }
0x94: {  	[sflag:s5] =	ssyncset.done $0x0  }
0x95: {  	[sflag:s5] =	ssyncadd.s32 $0xFFFFFFB0  }
0x96: {  	[tilespmem:s8], [sflag:$0x7] =	stream.indirect.gather [hbm4b:s1+s7], $0x80, s25, s7, $0xb8;
	[tilespmem:$0x1B700] =	vst v63  }
0x97: {  	_ =	swait.ge [sflag:s9], $0x50  }
0x98: {  	[sflag:s9] =	ssyncset.done $0x0  }
0x99: {  	[sflag:s9] =	ssyncadd.s32 $0xFFFFFFB0  }
0x9a: {  	[tilespmem:s10], [sflag:$0x8] =	stream.indirect.gather [hbm4b:s1+s7], $0x80, s29, s7, $0xb8;
	[tilespmem:$0x1B700] =	vst v63  }
.LBB2_3:
0x9b: {  	_ =	swait.ge [sflag:s11], $0x2800  }
0x9c: {  	[sflag:s11] =	ssyncset.done $0x0  }
0x9d: {  	[sflag:s11] =	ssyncadd.s32 $0xFFFFD800  }
0x9e: {  	_ =	swait.ge [sflag:s12], $0x50  }
0x9f: {  	[sflag:s12] =	ssyncset.done $0x0  }
0xa0: {  	[sflag:s12] =	ssyncadd.s32 $0xFFFFFFB0  }
0xa1: {  	[spmem:s3] =	stream.indirect.scatter.add.f32 [tilespmem:s8], [sflag:$0xA], $0x80, s31, s7, $0xb8;
	[tilespmem:$0x1B700] =	vst v63  }
0xa2: {  	p1 =	seq.s32 s25, $0x9BA;
	_ =	swait.ge [sflag:s28], $0x2800  }
0xa3: {  	s26 =	sadd.s32 @!p1 s25, s18;
	[sflag:s28] =	ssyncset.done $0x0  }
0xa4: {  	s24 =	simm.s32 @!p1 $0x0;
	s26 =	sadd.s32 @!p1 $0x1E, s26;
	[sflag:s28] =	ssyncadd.s32 $0xFFFFD800  }
0xa5: {  	[tilespmem:s24], [sflag:$0x1] =	stream.linear.gather @!p1 [hbm4b:s26+s24], $0x50, $0x38;
	[tilespmem:$0x1B700] =	vst v63  }
0xa6: {  	s26 =	sadd.s32 s25, s17  }
0xa7: {  	s23 =	sadd.s32 $0x14, s26  }
0xa8: {  	[tilespmem:s13], [sflag:$0x6] =	stream.linear.gather [hbm4b:s23+s4], $0x50, $0x38;
	[tilespmem:$0x1B700] =	vst v63  }
0xa9: {  	_ =	swait.ge [sflag:s14], $0x50  }
0xaa: {  	[sflag:s14] =	ssyncset.done $0x0  }
0xab: {  	[sflag:s14] =	ssyncadd.s32 $0xFFFFFFB0  }
0xac: {  	[tilespmem:s15], [sflag:$0x9] =	stream.indirect.gather [hbm4b:s1+s7], $0x80, s30, s7, $0xb8;
	[tilespmem:$0x1B700] =	vst v63  }
0xad: {  	_ =	swait.ge [sflag:s16], $0x2800  }
0xae: {  	[sflag:s16] =	ssyncset.done $0x0  }
0xaf: {  	[sflag:s16] =	ssyncadd.s32 $0xFFFFD800  }
0xb0: {  	_ =	swait.ge [sflag:s21], $0x50  }
0xb1: {  	[sflag:s21] =	ssyncset.done $0x0  }
.Ltmp5:
0xb2: {  	[sflag:s21] =	ssyncadd.s32 $0xFFFFFFB0;
	(pc) =	sbr.rel @p1 .LBB2_4-.Ltmp5, $4  }
0xb3: {  	[spmem:s3] =	stream.indirect.scatter.add.f32 [tilespmem:s10], [sflag:$0xA], $0x80, s0, s7, $0xb8;
	[tilespmem:$0x1B700] =	vst v63  }
0xb4: {  	_ =	swait.ge [sflag:s28], $0x2800  }
0xb5: {  	[sflag:s28] =	ssyncset.done $0x0  }
0xb6: {  	[sflag:s28] =	ssyncadd.s32 $0xFFFFD800  }
0xb7: {  	s24 =	sadd.s32 s25, s18  }
0xb8: {  	s23 =	sadd.s32 $0x28, s24  }
0xb9: {  	[tilespmem:s29], [sflag:$0x2] =	stream.linear.gather [hbm4b:s23+s4], $0x50, $0x38;
	[tilespmem:$0x1B700] =	vst v63  }
0xba: {  	s23 =	sadd.s32 $0x1E, s26  }
0xbb: {  	[tilespmem:s31], [sflag:$0x4] =	stream.linear.gather [hbm4b:s23+s4], $0x50, $0x38;
	[tilespmem:$0x1B700] =	vst v63  }
0xbc: {  	_ =	swait.ge [sflag:s5], $0x50  }
0xbd: {  	[sflag:s5] =	ssyncset.done $0x0  }
0xbe: {  	[sflag:s5] =	ssyncadd.s32 $0xFFFFFFB0  }
0xbf: {  	[tilespmem:s8], [sflag:$0x7] =	stream.indirect.gather [hbm4b:s1+s7], $0x80, s4, s7, $0xb8;
	[tilespmem:$0x1B700] =	vst v63  }
0xc0: {  	_ =	swait.ge [sflag:s22], $0x2800  }
0xc1: {  	[sflag:s22] =	ssyncset.done $0x0  }
0xc2: {  	[sflag:s22] =	ssyncadd.s32 $0xFFFFD800  }
0xc3: {  	_ =	swait.ge [sflag:s6], $0x50  }
0xc4: {  	[sflag:s6] =	ssyncset.done $0x0  }
0xc5: {  	[sflag:s6] =	ssyncadd.s32 $0xFFFFFFB0  }
0xc6: {  	[spmem:s3] =	stream.indirect.scatter.add.f32 [tilespmem:s15], [sflag:$0xA], $0x80, s13, s7, $0xb8;
	[tilespmem:$0x1B700] =	vst v63  }
0xc7: {  	_ =	swait.ge [sflag:s28], $0x2800  }
0xc8: {  	[sflag:s28] =	ssyncset.done $0x0  }
0xc9: {  	s24 =	sadd.s32 $0x32, s24;
	[sflag:s28] =	ssyncadd.s32 $0xFFFFD800  }
0xca: {  	[tilespmem:s30], [sflag:$0x3] =	stream.linear.gather [hbm4b:s24+s4], $0x50, $0x38;
	[tilespmem:$0x1B700] =	vst v63  }
0xcb: {  	s26 =	sadd.s32 $0x28, s26  }
0xcc: {  	[tilespmem:s0], [sflag:$0x5] =	stream.linear.gather [hbm4b:s26+s4], $0x50, $0x38;
	[tilespmem:$0x1B700] =	vst v63  }
.Ltmp6:
0xcd: {  	_ = 	snop;
	(pc) =	sbr.rel .LBB2_3-.Ltmp6, $4  }
0xce: {  	_ =	swait.ge [sflag:s9], $0x50  }
0xcf: {  	[sflag:s9] =	ssyncset.done $0x0  }
0xd0: {  	s25 =	sadd.s32 $0x1E, s25;
	[sflag:s9] =	ssyncadd.s32 $0xFFFFFFB0  }
0xd1: {  	[tilespmem:s10], [sflag:$0x8] =	stream.indirect.gather [hbm4b:s1+s7], $0x80, s29, s7, $0xb8;
	[tilespmem:$0x1B700] =	vst v63  }
.LBB2_4:
.Ltmp7:
0xd2: {  	(pc) =	sbr.rel .LBB2_9-.Ltmp7, $3  }
0xd3: {  	_ =	sdelay $0x1  }
0xd4: {  	s25 =	rddreg [dreg:$0x10]  }
0xd5: {  	s26 =	rddreg [dreg:$0x16]  }
.LBB2_10:
0xd6: {  	_ =	sfence.sel $0x180000  }
0xd7: {  	[bflag:$0x0] =	sbarrier.arrive $0xFFFF  }
0xd8: {  	_ =	strace $0x9000004A  }
0xd9: {  	s0 =	stileid.u32;
	[bflag:$0x2] =	sbarrier.arrive $0xFFFF  }
0xda: {  	p0 =	sne.s32 s0, $0x0;
	s0 =	rddreg [dreg:$0x4]  }
0xdb: {  	s0 =	sadd.s32 @!p0 $0x100000, s0  }
0xdc: {  	[sflag:s0] =	ssyncadd.tile.s32 @!p0 $0x1;
	_ =	shalt  }
.Lfunc_end2:
_tile_overlayer_lowered:
.L_overlay_start_2:
0xdd: {  	(tag) =	ssettag $0x2  }
0xde: {  	s0 =	rddreg [dreg:$0x0];
	s2 =	stileid.u32  }
0xdf: {  	s1 =	rddreg [dreg:$0x1];
	p0 =	sne.s32 s2, $0x0  }
0xe0: {  	s3 =	rddreg [dreg:$0x2];
	[bflag:$0x3] =	sbarrier.arrive $0xFFFF;
	s2 =	simm.s32 @!p0 $0x1C0A  }
0xe1: {  	[timem:s3], [sflag:s2] =	dma.local @!p0 [hbm:s0], s1  }
0xe2: {  	s0 =	simm.s32 @!p0 $0xA  }
0xe3: {  	_ =	swait.ge @!p0 [sflag:s0], s1  }
0xe4: {  	s1 =	ssub.s32 @!p0 $0x0, s1;
	[sflag:s0] =	ssyncset.done @!p0 $0x0  }
0xe5: {  	[sflag:s0] =	ssyncadd.s32 @!p0 s1  }
0xe6: {  	[bflag:$0x3] =	sbarrier.arrive $0xFFFF  }
0xe7: {  	_ =	shalt  }

</sc_bundles>
